<compile_context>
chip_gen: v7x
topology: tpu7x:2x2x1
jax: 0.10.2.dev20260603
libtpu: 0.0.44.dev20260713+nightly
codegen_flags: <defaults>
</compile_context>

<pallas_src>
import functools

import jax
import jax.numpy as jnp
from jax import lax
from jax.experimental import pallas as pl
from jax.experimental.pallas import tpu as pltpu
from jax.experimental.pallas import tpu_sc as plsc

D = 256
CHUNK = 64
NBUF = 7


@functools.cache
def _build_gather(nb, nt):
    info = plsc.get_sparse_core_info()
    n_workers = info.num_cores * info.num_subcores
    per_w = (nb * nt) // n_workers
    w_per_row = nt // per_w
    n_chunks = per_w // CHUNK
    mesh = plsc.VectorSubcoreMesh(core_axis_name="c", subcore_axis_name="s")

    @functools.partial(
        pl.kernel,
        mesh=mesh,
        out_type=jax.ShapeDtypeStruct((nb, nt, D), jnp.float32),
        scratch_types=[
            pltpu.VMEM((per_w,), jnp.int32),
            pltpu.VMEM((NBUF, CHUNK, D), jnp.float32),
            pltpu.SemaphoreType.DMA((NBUF,)),
            pltpu.SemaphoreType.DMA((NBUF,)),
        ],
    )
    def gather_kernel(table_hbm, idx_hbm, out_hbm, idx_v, rows_v, gsem, wsem):
        wid = lax.axis_index("s") * info.num_cores + lax.axis_index("c")
        row = wid // w_per_row
        col = (wid % w_per_row) * per_w
        pltpu.sync_copy(idx_hbm.at[row, pl.ds(col, per_w)], idx_v)

        def gather(i):
            return pltpu.async_copy(
                table_hbm.at[idx_v.at[pl.ds(i * CHUNK, CHUNK)]],
                rows_v.at[i % NBUF], gsem.at[i % NBUF])

        def write(i):
            return pltpu.async_copy(
                rows_v.at[i % NBUF],
                out_hbm.at[row, pl.ds(col + i * CHUNK, CHUNK)],
                wsem.at[i % NBUF])

        gathers = [None] * n_chunks
        writes = [None] * n_chunks
        for i in range(min(NBUF - 1, n_chunks)):
            gathers[i] = gather(i)
        for i in range(n_chunks):
            gathers[i].wait()
            writes[i] = write(i)
            nxt = i + NBUF - 1
            if nxt < n_chunks:
                if i >= 1:
                    writes[i - 1].wait()
                gathers[nxt] = gather(nxt)
        for i in range(max(0, n_chunks - NBUF), n_chunks):
            writes[i].wait()

    return gather_kernel


def kernel(x, x_embed_weight, batch_size=1):
    nb, nt = x.shape
    return _build_gather(nb, nt)(x_embed_weight, x)

# --- scband reference (transcript-rebuilt; emitter-appended) ---
"""Pipeline reference for scband-position-embedding-absolute-learned-1-d-52742198394890 (READ-ONLY COPY).

The authoritative reference and input builder live on the scoring server;
editing this copy changes nothing except your own understanding.
"""

import jax, jax.numpy as jnp
import numpy as np

MAX_NUM_POSITIONS = 8192
NUM_POS_FEATS = 256

def setup_inputs(seed: int = 0) -> dict:
    key = jax.random.key(seed)
    k1, k2 = jax.random.split(key)
    x = jax.random.randint(k1, (4, 8192), 0, MAX_NUM_POSITIONS, dtype=jnp.int64 if jax.config.jax_enable_x64 else jnp.int32)
    # learned embedding table, initialized uniform in [0,1) like nn.init.uniform_
    x_embed_weight = jax.random.uniform(k2, (MAX_NUM_POSITIONS, NUM_POS_FEATS), dtype=jnp.float32)
    return {"x": x, "x_embed_weight": x_embed_weight, "batch_size": 4}

def reference(x, x_embed_weight, batch_size=1):
    # pos = self.x_embed(x)
    pos = jnp.take(x_embed_weight, x, axis=0)
    return pos

if __name__ == "__main__":
    import jax
    _d = setup_inputs()
    print(jax.jit(kernel)(*tuple(_d.values())))

</pallas_src>

<mosaic_0001>
#map = affine_map<(d0, d1) -> (0, 0)>
#map1 = affine_map<(d0, d1) -> (0, 0, 0)>
module attributes {stable_mosaic.version = 14 : i64} {
  func.func @gather_kernel(%arg0: i32, %arg1: i32, %arg2: memref<8192x256xf32, #tpu.memory_space<hbm>>, %arg3: memref<4x8192xi32, #tpu.memory_space<hbm>>, %arg4: memref<4x8192x256xf32, #tpu.memory_space<hbm>>, %arg5: memref<1024xi32, #tpu.memory_space<vmem>>, %arg6: memref<7x64x256xf32, #tpu.memory_space<vmem>>, %arg7: memref<7x!tpu.dma_semaphore, #tpu.memory_space<semaphore_mem>>, %arg8: memref<7x!tpu.dma_semaphore, #tpu.memory_space<semaphore_mem>>) attributes {dimension_semantics = [#tpu.dimension_semantics<core_parallel>, #tpu.dimension_semantics<subcore_parallel>], iteration_bounds = array<i64: 2, 16>, scalar_prefetch = 0 : i64, scratch_operands = 4 : i64, tpu.core_type = #tpu.core_type<sc_vector_subcore>, window_params = [{transform_indices = #map}, {transform_indices = #map}, {transform_indices = #map1}]} {
    %mul3A = arith.constant 2 : i32
    %mul3A_0 = arith.muli %arg1, %mul3A : i32
    %add3A = arith.addi %mul3A_0, %arg0 : i32
    %jit3A = arith.constant 8 : i32
    %div3A = arith.divsi %add3A, %jit3A : i32
    %sign3A = arith.constant 0 : i32
    %sign3A_1 = arith.cmpi sgt, %add3A, %sign3A : i32
    %sign3A_2 = arith.extui %sign3A_1 : i1 to i32
    %sign3A_3 = arith.constant 0 : i32
    %sign3A_4 = arith.cmpi slt, %add3A, %sign3A_3 : i32
    %sign3A_5 = arith.extui %sign3A_4 : i1 to i32
    %sign3A_6 = arith.subi %sign3A_2, %sign3A_5 : i32
    %sign3A_7 = arith.constant 0 : i32
    %sign3A_8 = arith.cmpi sgt, %jit3A, %sign3A_7 : i32
    %sign3A_9 = arith.extui %sign3A_8 : i1 to i32
    %sign3A_10 = arith.constant 0 : i32
    %sign3A_11 = arith.cmpi slt, %jit3A, %sign3A_10 : i32
    %sign3A_12 = arith.extui %sign3A_11 : i1 to i32
    %sign3A_13 = arith.subi %sign3A_9, %sign3A_12 : i32
    %ne3A = arith.cmpi ne, %sign3A_6, %sign3A_13 : i32
    %rem3A = arith.remsi %add3A, %jit3A : i32
    %ne3A_14 = arith.constant 0 : i32
    %ne3A_15 = arith.cmpi ne, %rem3A, %ne3A_14 : i32
    %and3A = arith.andi %ne3A, %ne3A_15 : i1
    %sub3A = arith.constant 1 : i32
    %sub3A_16 = arith.subi %div3A, %sub3A : i32
    %select_n3A = arith.select %and3A, %sub3A_16, %div3A : i32
    %jit3A_17 = arith.constant 8 : i32
    %eq3A = arith.constant 0 : i32
    %eq3A_18 = arith.cmpi eq, %jit3A_17, %eq3A : i32
    %jit3A_19 = arith.constant 1 : i32
    %select_n3A_20 = arith.select %eq3A_18, %jit3A_19, %jit3A_17 : i32
    %rem3A_21 = arith.remsi %add3A, %select_n3A_20 : i32
    %ne3A_22 = arith.constant 0 : i32
    %ne3A_23 = arith.cmpi ne, %rem3A_21, %ne3A_22 : i32
    %lt3A = arith.constant 0 : i32
    %lt3A_24 = arith.cmpi slt, %rem3A_21, %lt3A : i32
    %lt3A_25 = arith.constant 0 : i32
    %lt3A_26 = arith.cmpi slt, %select_n3A_20, %lt3A_25 : i32
    %ne3A_27 = arith.xori %lt3A_24, %lt3A_26 : i1
    %and3A_28 = arith.andi %ne3A_27, %ne3A_23 : i1
    %add3A_29 = arith.addi %rem3A_21, %select_n3A_20 : i32
    %select_n3A_30 = arith.select %and3A_28, %add3A_29, %rem3A_21 : i32
    %mul3A_31 = arith.constant 1024 : i32
    %mul3A_32 = arith.muli %select_n3A_30, %mul3A_31 : i32
    "tpu.region"() ({
      %run_scoped3A = tpu.sem_alloc : memref<!tpu.dma_semaphore, #tpu.memory_space<semaphore_mem>>
      %dma_start3A_1055 = tpu.memref_slice %arg3[%select_n3A, %mul3A_32] : memref<4x8192xi32, #tpu.memory_space<hbm>> -> memref<1x1024xi32, #tpu.memory_space<hbm>>
      %dma_start3A_1056 = tpu.memref_squeeze %dma_start3A_1055 : memref<1x1024xi32, #tpu.memory_space<hbm>> -> memref<1024xi32, #tpu.memory_space<hbm>>
      %dma_start3A_1057 = tpu.memref_slice %arg3[%select_n3A, %mul3A_32] : memref<4x8192xi32, #tpu.memory_space<hbm>> -> memref<1x1024xi32, #tpu.memory_space<hbm>>
      %dma_start3A_1058 = tpu.memref_squeeze %dma_start3A_1057 : memref<1x1024xi32, #tpu.memory_space<hbm>> -> memref<1024xi32, #tpu.memory_space<hbm>>
      tpu.enqueue_dma source(%dma_start3A_1058 : memref<1024xi32, #tpu.memory_space<hbm>>) target(%arg5 : memref<1024xi32, #tpu.memory_space<vmem>>) target_semaphore(%run_scoped3A : memref<!tpu.dma_semaphore, #tpu.memory_space<semaphore_mem>>)
      %dma_wait3A_1059 = tpu.memref_slice %arg3[%select_n3A, %mul3A_32] : memref<4x8192xi32, #tpu.memory_space<hbm>> -> memref<1x1024xi32, #tpu.memory_space<hbm>>
      %dma_wait3A_1060 = tpu.memref_squeeze %dma_wait3A_1059 : memref<1x1024xi32, #tpu.memory_space<hbm>> -> memref<1024xi32, #tpu.memory_space<hbm>>
      %dma_wait3A_1061 = tpu.memref_slice %arg3[%select_n3A, %mul3A_32] : memref<4x8192xi32, #tpu.memory_space<hbm>> -> memref<1x1024xi32, #tpu.memory_space<hbm>>
      %dma_wait3A_1062 = tpu.memref_squeeze %dma_wait3A_1061 : memref<1x1024xi32, #tpu.memory_space<hbm>> -> memref<1024xi32, #tpu.memory_space<hbm>>
      tpu.wait_dma2 semaphore(%run_scoped3A : memref<!tpu.dma_semaphore, #tpu.memory_space<semaphore_mem>>) src(%dma_wait3A_1062 : memref<1024xi32, #tpu.memory_space<hbm>>) dst(%arg5 : memref<1024xi32, #tpu.memory_space<vmem>>)
      tpu.yield
    }) : () -> ()
    %dma_start3A = arith.constant 0 : i32
    %dma_start3A_33 = arith.constant 0 : i32
    %dma_start3A_34 = arith.constant 0 : i32
    %dma_start3A_35 = arith.constant 0 : i32
    %dma_start3A_36 = tpu.memref_slice %arg6[%dma_start3A, %dma_start3A_34, %dma_start3A_35] : memref<7x64x256xf32, #tpu.memory_space<vmem>> -> memref<1x64x256xf32, #tpu.memory_space<vmem>>
    %dma_start3A_37 = tpu.memref_squeeze %dma_start3A_36 : memref<1x64x256xf32, #tpu.memory_space<vmem>> -> memref<64x256xf32, #tpu.memory_space<vmem>>
    %dma_start3A_38 = arith.constant 0 : i32
    %dma_start3A_39 = tpu.memref_slice %arg5[%dma_start3A_38] : memref<1024xi32, #tpu.memory_space<vmem>> -> memref<64xi32, #tpu.memory_space<vmem>>
    %dma_start3A_40 = arith.constant 0 : i32
    %dma_start3A_41 = arith.constant 0 : i32
    %dma_start3A_42 = tpu.memref_slice %arg2[%dma_start3A_40, %dma_start3A_41] : memref<8192x256xf32, #tpu.memory_space<hbm>> -> memref<8192x256xf32, #tpu.memory_space<hbm>>
    %dma_start3A_43 = tpu.memref_slice %arg7[%dma_start3A_33] : memref<7x!tpu.dma_semaphore, #tpu.memory_space<semaphore_mem>> -> memref<1x!tpu.dma_semaphore, #tpu.memory_space<semaphore_mem>>
    %dma_start3A_44 = tpu.memref_squeeze %dma_start3A_43 : memref<1x!tpu.dma_semaphore, #tpu.memory_space<semaphore_mem>> -> memref<!tpu.dma_semaphore, #tpu.memory_space<semaphore_mem>>
    tpu.enqueue_indirect_dma source(%dma_start3A_42 : memref<8192x256xf32, #tpu.memory_space<hbm>>) target(%dma_start3A_37 : memref<64x256xf32, #tpu.memory_space<vmem>>) offsets(%dma_start3A_39 : memref<64xi32, #tpu.memory_space<vmem>>) semaphore(%dma_start3A_44 : memref<!tpu.dma_semaphore, #tpu.memory_space<semaphore_mem>>)
    %dma_start3A_45 = arith.constant 1 : i32
    %dma_start3A_46 = arith.constant 1 : i32
    %dma_start3A_47 = arith.constant 0 : i32
    %dma_start3A_48 = arith.constant 0 : i32
    %dma_start3A_49 = tpu.memref_slice %arg6[%dma_start3A_45, %dma_start3A_47, %dma_start3A_48] : memref<7x64x256xf32, #tpu.memory_space<vmem>> -> memref<1x64x256xf32, #tpu.memory_space<vmem>>
    %dma_start3A_50 = tpu.memref_squeeze %dma_start3A_49 : memref<1x64x256xf32, #tpu.memory_space<vmem>> -> memref<64x256xf32, #tpu.memory_space<vmem>>
    %dma_start3A_51 = arith.constant 64 : i32
    %dma_start3A_52 = tpu.memref_slice %arg5[%dma_start3A_51] : memref<1024xi32, #tpu.memory_space<vmem>> -> memref<64xi32, #tpu.memory_space<vmem>>
    %dma_start3A_53 = arith.constant 0 : i32
    %dma_start3A_54 = arith.constant 0 : i32
    %dma_start3A_55 = tpu.memref_slice %arg2[%dma_start3A_53, %dma_start3A_54] : memref<8192x256xf32, #tpu.memory_space<hbm>> -> memref<8192x256xf32, #tpu.memory_space<hbm>>
    %dma_start3A_56 = tpu.memref_slice %arg7[%dma_start3A_46] : memref<7x!tpu.dma_semaphore, #tpu.memory_space<semaphore_mem>> -> memref<1x!tpu.dma_semaphore, #tpu.memory_space<semaphore_mem>>
    %dma_start3A_57 = tpu.memref_squeeze %dma_start3A_56 : memref<1x!tpu.dma_semaphore, #tpu.memory_space<semaphore_mem>> -> memref<!tpu.dma_semaphore, #tpu.memory_space<semaphore_mem>>
    tpu.enqueue_indirect_dma source(%dma_start3A_55 : memref<8192x256xf32, #tpu.memory_space<hbm>>) target(%dma_start3A_50 : memref<64x256xf32, #tpu.memory_space<vmem>>) offsets(%dma_start3A_52 : memref<64xi32, #tpu.memory_space<vmem>>) semaphore(%dma_start3A_57 : memref<!tpu.dma_semaphore, #tpu.memory_space<semaphore_mem>>)
    %dma_start3A_58 = arith.constant 2 : i32
    %dma_start3A_59 = arith.constant 2 : i32
    %dma_start3A_60 = arith.constant 0 : i32
    %dma_start3A_61 = arith.constant 0 : i32
    %dma_start3A_62 = tpu.memref_slice %arg6[%dma_start3A_58, %dma_start3A_60, %dma_start3A_61] : memref<7x64x256xf32, #tpu.memory_space<vmem>> -> memref<1x64x256xf32, #tpu.memory_space<vmem>>
    %dma_start3A_63 = tpu.memref_squeeze %dma_start3A_62 : memref<1x64x256xf32, #tpu.memory_space<vmem>> -> memref<64x256xf32, #tpu.memory_space<vmem>>
    %dma_start3A_64 = arith.constant 128 : i32
    %dma_start3A_65 = tpu.memref_slice %arg5[%dma_start3A_64] : memref<1024xi32, #tpu.memory_space<vmem>> -> memref<64xi32, #tpu.memory_space<vmem>>
    %dma_start3A_66 = arith.constant 0 : i32
    %dma_start3A_67 = arith.constant 0 : i32
    %dma_start3A_68 = tpu.memref_slice %arg2[%dma_start3A_66, %dma_start3A_67] : memref<8192x256xf32, #tpu.memory_space<hbm>> -> memref<8192x256xf32, #tpu.memory_space<hbm>>
    %dma_start3A_69 = tpu.memref_slice %arg7[%dma_start3A_59] : memref<7x!tpu.dma_semaphore, #tpu.memory_space<semaphore_mem>> -> memref<1x!tpu.dma_semaphore, #tpu.memory_space<semaphore_mem>>
    %dma_start3A_70 = tpu.memref_squeeze %dma_start3A_69 : memref<1x!tpu.dma_semaphore, #tpu.memory_space<semaphore_mem>> -> memref<!tpu.dma_semaphore, #tpu.memory_space<semaphore_mem>>
    tpu.enqueue_indirect_dma source(%dma_start3A_68 : memref<8192x256xf32, #tpu.memory_space<hbm>>) target(%dma_start3A_63 : memref<64x256xf32, #tpu.memory_space<vmem>>) offsets(%dma_start3A_65 : memref<64xi32, #tpu.memory_space<vmem>>) semaphore(%dma_start3A_70 : memref<!tpu.dma_semaphore, #tpu.memory_space<semaphore_mem>>)
    %dma_start3A_71 = arith.constant 3 : i32
    %dma_start3A_72 = arith.constant 3 : i32
    %dma_start3A_73 = arith.constant 0 : i32
    %dma_start3A_74 = arith.constant 0 : i32
    %dma_start3A_75 = tpu.memref_slice %arg6[%dma_start3A_71, %dma_start3A_73, %dma_start3A_74] : memref<7x64x256xf32, #tpu.memory_space<vmem>> -> memref<1x64x256xf32, #tpu.memory_space<vmem>>
    %dma_start3A_76 = tpu.memref_squeeze %dma_start3A_75 : memref<1x64x256xf32, #tpu.memory_space<vmem>> -> memref<64x256xf32, #tpu.memory_space<vmem>>
    %dma_start3A_77 = arith.constant 192 : i32
    %dma_start3A_78 = tpu.memref_slice %arg5[%dma_start3A_77] : memref<1024xi32, #tpu.memory_space<vmem>> -> memref<64xi32, #tpu.memory_space<vmem>>
    %dma_start3A_79 = arith.constant 0 : i32
    %dma_start3A_80 = arith.constant 0 : i32
    %dma_start3A_81 = tpu.memref_slice %arg2[%dma_start3A_79, %dma_start3A_80] : memref<8192x256xf32, #tpu.memory_space<hbm>> -> memref<8192x256xf32, #tpu.memory_space<hbm>>
    %dma_start3A_82 = tpu.memref_slice %arg7[%dma_start3A_72] : memref<7x!tpu.dma_semaphore, #tpu.memory_space<semaphore_mem>> -> memref<1x!tpu.dma_semaphore, #tpu.memory_space<semaphore_mem>>
    %dma_start3A_83 = tpu.memref_squeeze %dma_start3A_82 : memref<1x!tpu.dma_semaphore, #tpu.memory_space<semaphore_mem>> -> memref<!tpu.dma_semaphore, #tpu.memory_space<semaphore_mem>>
    tpu.enqueue_indirect_dma source(%dma_start3A_81 : memref<8192x256xf32, #tpu.memory_space<hbm>>) target(%dma_start3A_76 : memref<64x256xf32, #tpu.memory_space<vmem>>) offsets(%dma_start3A_78 : memref<64xi32, #tpu.memory_space<vmem>>) semaphore(%dma_start3A_83 : memref<!tpu.dma_semaphore, #tpu.memory_space<semaphore_mem>>)
    %dma_start3A_84 = arith.constant 4 : i32
    %dma_start3A_85 = arith.constant 4 : i32
    %dma_start3A_86 = arith.constant 0 : i32
    %dma_start3A_87 = arith.constant 0 : i32
    %dma_start3A_88 = tpu.memref_slice %arg6[%dma_start3A_84, %dma_start3A_86, %dma_start3A_87] : memref<7x64x256xf32, #tpu.memory_space<vmem>> -> memref<1x64x256xf32, #tpu.memory_space<vmem>>
    %dma_start3A_89 = tpu.memref_squeeze %dma_start3A_88 : memref<1x64x256xf32, #tpu.memory_space<vmem>> -> memref<64x256xf32, #tpu.memory_space<vmem>>
    %dma_start3A_90 = arith.constant 256 : i32
    %dma_start3A_91 = tpu.memref_slice %arg5[%dma_start3A_90] : memref<1024xi32, #tpu.memory_space<vmem>> -> memref<64xi32, #tpu.memory_space<vmem>>
    %dma_start3A_92 = arith.constant 0 : i32
    %dma_start3A_93 = arith.constant 0 : i32
    %dma_start3A_94 = tpu.memref_slice %arg2[%dma_start3A_92, %dma_start3A_93] : memref<8192x256xf32, #tpu.memory_space<hbm>> -> memref<8192x256xf32, #tpu.memory_space<hbm>>
    %dma_start3A_95 = tpu.memref_slice %arg7[%dma_start3A_85] : memref<7x!tpu.dma_semaphore, #tpu.memory_space<semaphore_mem>> -> memref<1x!tpu.dma_semaphore, #tpu.memory_space<semaphore_mem>>
    %dma_start3A_96 = tpu.memref_squeeze %dma_start3A_95 : memref<1x!tpu.dma_semaphore, #tpu.memory_space<semaphore_mem>> -> memref<!tpu.dma_semaphore, #tpu.memory_space<semaphore_mem>>
    tpu.enqueue_indirect_dma source(%dma_start3A_94 : memref<8192x256xf32, #tpu.memory_space<hbm>>) target(%dma_start3A_89 : memref<64x256xf32, #tpu.memory_space<vmem>>) offsets(%dma_start3A_91 : memref<64xi32, #tpu.memory_space<vmem>>) semaphore(%dma_start3A_96 : memref<!tpu.dma_semaphore, #tpu.memory_space<semaphore_mem>>)
    %dma_start3A_97 = arith.constant 5 : i32
    %dma_start3A_98 = arith.constant 5 : i32
    %dma_start3A_99 = arith.constant 0 : i32
    %dma_start3A_100 = arith.constant 0 : i32
    %dma_start3A_101 = tpu.memref_slice %arg6[%dma_start3A_97, %dma_start3A_99, %dma_start3A_100] : memref<7x64x256xf32, #tpu.memory_space<vmem>> -> memref<1x64x256xf32, #tpu.memory_space<vmem>>
    %dma_start3A_102 = tpu.memref_squeeze %dma_start3A_101 : memref<1x64x256xf32, #tpu.memory_space<vmem>> -> memref<64x256xf32, #tpu.memory_space<vmem>>
    %dma_start3A_103 = arith.constant 320 : i32
    %dma_start3A_104 = tpu.memref_slice %arg5[%dma_start3A_103] : memref<1024xi32, #tpu.memory_space<vmem>> -> memref<64xi32, #tpu.memory_space<vmem>>
    %dma_start3A_105 = arith.constant 0 : i32
    %dma_start3A_106 = arith.constant 0 : i32
    %dma_start3A_107 = tpu.memref_slice %arg2[%dma_start3A_105, %dma_start3A_106] : memref<8192x256xf32, #tpu.memory_space<hbm>> -> memref<8192x256xf32, #tpu.memory_space<hbm>>
    %dma_start3A_108 = tpu.memref_slice %arg7[%dma_start3A_98] : memref<7x!tpu.dma_semaphore, #tpu.memory_space<semaphore_mem>> -> memref<1x!tpu.dma_semaphore, #tpu.memory_space<semaphore_mem>>
    %dma_start3A_109 = tpu.memref_squeeze %dma_start3A_108 : memref<1x!tpu.dma_semaphore, #tpu.memory_space<semaphore_mem>> -> memref<!tpu.dma_semaphore, #tpu.memory_space<semaphore_mem>>
    tpu.enqueue_indirect_dma source(%dma_start3A_107 : memref<8192x256xf32, #tpu.memory_space<hbm>>) target(%dma_start3A_102 : memref<64x256xf32, #tpu.memory_space<vmem>>) offsets(%dma_start3A_104 : memref<64xi32, #tpu.memory_space<vmem>>) semaphore(%dma_start3A_109 : memref<!tpu.dma_semaphore, #tpu.memory_space<semaphore_mem>>)
    %dma_wait3A = arith.constant 0 : i32
    %dma_wait3A_110 = arith.constant 0 : i32
    %dma_wait3A_111 = arith.constant 0 : i32
    %dma_wait3A_112 = arith.constant 0 : i32
    %dma_wait3A_113 = tpu.memref_slice %arg6[%dma_wait3A, %dma_wait3A_111, %dma_wait3A_112] : memref<7x64x256xf32, #tpu.memory_space<vmem>> -> memref<1x64x256xf32, #tpu.memory_space<vmem>>
    %dma_wait3A_114 = tpu.memref_squeeze %dma_wait3A_113 : memref<1x64x256xf32, #tpu.memory_space<vmem>> -> memref<64x256xf32, #tpu.memory_space<vmem>>
    %dma_wait3A_115 = arith.constant 0 : i32
    %dma_wait3A_116 = tpu.memref_slice %arg5[%dma_wait3A_115] : memref<1024xi32, #tpu.memory_space<vmem>> -> memref<64xi32, #tpu.memory_space<vmem>>
    %dma_wait3A_117 = arith.constant 0 : i32
    %dma_wait3A_118 = arith.constant 0 : i32
    %dma_wait3A_119 = tpu.memref_slice %arg2[%dma_wait3A_117, %dma_wait3A_118] : memref<8192x256xf32, #tpu.memory_space<hbm>> -> memref<8192x256xf32, #tpu.memory_space<hbm>>
    %dma_wait3A_120 = tpu.memref_slice %arg7[%dma_wait3A_110] : memref<7x!tpu.dma_semaphore, #tpu.memory_space<semaphore_mem>> -> memref<1x!tpu.dma_semaphore, #tpu.memory_space<semaphore_mem>>
    %dma_wait3A_121 = tpu.memref_squeeze %dma_wait3A_120 : memref<1x!tpu.dma_semaphore, #tpu.memory_space<semaphore_mem>> -> memref<!tpu.dma_semaphore, #tpu.memory_space<semaphore_mem>>
    tpu.wait_indirect_dma semaphore(%dma_wait3A_121 : memref<!tpu.dma_semaphore, #tpu.memory_space<semaphore_mem>>) src(%dma_wait3A_119 : memref<8192x256xf32, #tpu.memory_space<hbm>>) dst(%dma_wait3A_114 : memref<64x256xf32, #tpu.memory_space<vmem>>)
    %add3A_122 = arith.constant 0 : i32
    %add3A_123 = arith.addi %mul3A_32, %add3A_122 : i32
    %dma_start3A_124 = arith.constant 0 : i32
    %dma_start3A_125 = arith.constant 0 : i32
    %dma_start3A_126 = arith.constant 0 : i32
    %dma_start3A_127 = arith.constant 0 : i32
    %dma_start3A_128 = tpu.memref_slice %arg6[%dma_start3A_124, %dma_start3A_126, %dma_start3A_127] : memref<7x64x256xf32, #tpu.memory_space<vmem>> -> memref<1x64x256xf32, #tpu.memory_space<vmem>>
    %dma_start3A_129 = tpu.memref_squeeze %dma_start3A_128 : memref<1x64x256xf32, #tpu.memory_space<vmem>> -> memref<64x256xf32, #tpu.memory_space<vmem>>
    %dma_start3A_130 = arith.constant 0 : i32
    %dma_start3A_131 = tpu.memref_slice %arg4[%select_n3A, %add3A_123, %dma_start3A_130] : memref<4x8192x256xf32, #tpu.memory_space<hbm>> -> memref<1x64x256xf32, #tpu.memory_space<hbm>>
    %dma_start3A_132 = tpu.memref_squeeze %dma_start3A_131 : memref<1x64x256xf32, #tpu.memory_space<hbm>> -> memref<64x256xf32, #tpu.memory_space<hbm>>
    %dma_start3A_133 = tpu.memref_slice %arg8[%dma_start3A_125] : memref<7x!tpu.dma_semaphore, #tpu.memory_space<semaphore_mem>> -> memref<1x!tpu.dma_semaphore, #tpu.memory_space<semaphore_mem>>
    %dma_start3A_134 = tpu.memref_squeeze %dma_start3A_133 : memref<1x!tpu.dma_semaphore, #tpu.memory_space<semaphore_mem>> -> memref<!tpu.dma_semaphore, #tpu.memory_space<semaphore_mem>>
    %dma_start3A_135 = arith.constant 0 : i32
    %dma_start3A_136 = tpu.memref_slice %arg4[%select_n3A, %add3A_123, %dma_start3A_135] : memref<4x8192x256xf32, #tpu.memory_space<hbm>> -> memref<1x64x256xf32, #tpu.memory_space<hbm>>
    %dma_start3A_137 = tpu.memref_squeeze %dma_start3A_136 : memref<1x64x256xf32, #tpu.memory_space<hbm>> -> memref<64x256xf32, #tpu.memory_space<hbm>>
    %dma_start3A_138 = arith.constant 0 : i32
    %dma_start3A_139 = arith.constant 0 : i32
    %dma_start3A_140 = tpu.memref_slice %arg6[%dma_start3A_124, %dma_start3A_138, %dma_start3A_139] : memref<7x64x256xf32, #tpu.memory_space<vmem>> -> memref<1x64x256xf32, #tpu.memory_space<vmem>>
    %dma_start3A_141 = tpu.memref_squeeze %dma_start3A_140 : memref<1x64x256xf32, #tpu.memory_space<vmem>> -> memref<64x256xf32, #tpu.memory_space<vmem>>
    tpu.enqueue_dma source(%dma_start3A_141 : memref<64x256xf32, #tpu.memory_space<vmem>>) target(%dma_start3A_137 : memref<64x256xf32, #tpu.memory_space<hbm>>) target_semaphore(%dma_start3A_134 : memref<!tpu.dma_semaphore, #tpu.memory_space<semaphore_mem>>)
    %dma_start3A_142 = arith.constant 6 : i32
    %dma_start3A_143 = arith.constant 6 : i32
    %dma_start3A_144 = arith.constant 0 : i32
    %dma_start3A_145 = arith.constant 0 : i32
    %dma_start3A_146 = tpu.memref_slice %arg6[%dma_start3A_142, %dma_start3A_144, %dma_start3A_145] : memref<7x64x256xf32, #tpu.memory_space<vmem>> -> memref<1x64x256xf32, #tpu.memory_space<vmem>>
    %dma_start3A_147 = tpu.memref_squeeze %dma_start3A_146 : memref<1x64x256xf32, #tpu.memory_space<vmem>> -> memref<64x256xf32, #tpu.memory_space<vmem>>
    %dma_start3A_148 = arith.constant 384 : i32
    %dma_start3A_149 = tpu.memref_slice %arg5[%dma_start3A_148] : memref<1024xi32, #tpu.memory_space<vmem>> -> memref<64xi32, #tpu.memory_space<vmem>>
    %dma_start3A_150 = arith.constant 0 : i32
    %dma_start3A_151 = arith.constant 0 : i32
    %dma_start3A_152 = tpu.memref_slice %arg2[%dma_start3A_150, %dma_start3A_151] : memref<8192x256xf32, #tpu.memory_space<hbm>> -> memref<8192x256xf32, #tpu.memory_space<hbm>>
    %dma_start3A_153 = tpu.memref_slice %arg7[%dma_start3A_143] : memref<7x!tpu.dma_semaphore, #tpu.memory_space<semaphore_mem>> -> memref<1x!tpu.dma_semaphore, #tpu.memory_space<semaphore_mem>>
    %dma_start3A_154 = tpu.memref_squeeze %dma_start3A_153 : memref<1x!tpu.dma_semaphore, #tpu.memory_space<semaphore_mem>> -> memref<!tpu.dma_semaphore, #tpu.memory_space<semaphore_mem>>
    tpu.enqueue_indirect_dma source(%dma_start3A_152 : memref<8192x256xf32, #tpu.memory_space<hbm>>) target(%dma_start3A_147 : memref<64x256xf32, #tpu.memory_space<vmem>>) offsets(%dma_start3A_149 : memref<64xi32, #tpu.memory_space<vmem>>) semaphore(%dma_start3A_154 : memref<!tpu.dma_semaphore, #tpu.memory_space<semaphore_mem>>)
    %dma_wait3A_155 = arith.constant 1 : i32
    %dma_wait3A_156 = arith.constant 1 : i32
    %dma_wait3A_157 = arith.constant 0 : i32
    %dma_wait3A_158 = arith.constant 0 : i32
    %dma_wait3A_159 = tpu.memref_slice %arg6[%dma_wait3A_155, %dma_wait3A_157, %dma_wait3A_158] : memref<7x64x256xf32, #tpu.memory_space<vmem>> -> memref<1x64x256xf32, #tpu.memory_space<vmem>>
    %dma_wait3A_160 = tpu.memref_squeeze %dma_wait3A_159 : memref<1x64x256xf32, #tpu.memory_space<vmem>> -> memref<64x256xf32, #tpu.memory_space<vmem>>
    %dma_wait3A_161 = arith.constant 64 : i32
    %dma_wait3A_162 = tpu.memref_slice %arg5[%dma_wait3A_161] : memref<1024xi32, #tpu.memory_space<vmem>> -> memref<64xi32, #tpu.memory_space<vmem>>
    %dma_wait3A_163 = arith.constant 0 : i32
    %dma_wait3A_164 = arith.constant 0 : i32
    %dma_wait3A_165 = tpu.memref_slice %arg2[%dma_wait3A_163, %dma_wait3A_164] : memref<8192x256xf32, #tpu.memory_space<hbm>> -> memref<8192x256xf32, #tpu.memory_space<hbm>>
    %dma_wait3A_166 = tpu.memref_slice %arg7[%dma_wait3A_156] : memref<7x!tpu.dma_semaphore, #tpu.memory_space<semaphore_mem>> -> memref<1x!tpu.dma_semaphore, #tpu.memory_space<semaphore_mem>>
    %dma_wait3A_167 = tpu.memref_squeeze %dma_wait3A_166 : memref<1x!tpu.dma_semaphore, #tpu.memory_space<semaphore_mem>> -> memref<!tpu.dma_semaphore, #tpu.memory_space<semaphore_mem>>
    tpu.wait_indirect_dma semaphore(%dma_wait3A_167 : memref<!tpu.dma_semaphore, #tpu.memory_space<semaphore_mem>>) src(%dma_wait3A_165 : memref<8192x256xf32, #tpu.memory_space<hbm>>) dst(%dma_wait3A_160 : memref<64x256xf32, #tpu.memory_space<vmem>>)
    %add3A_168 = arith.constant 64 : i32
    %add3A_169 = arith.addi %mul3A_32, %add3A_168 : i32
    %dma_start3A_170 = arith.constant 1 : i32
    %dma_start3A_171 = arith.constant 1 : i32
    %dma_start3A_172 = arith.constant 0 : i32
    %dma_start3A_173 = arith.constant 0 : i32
    %dma_start3A_174 = tpu.memref_slice %arg6[%dma_start3A_170, %dma_start3A_172, %dma_start3A_173] : memref<7x64x256xf32, #tpu.memory_space<vmem>> -> memref<1x64x256xf32, #tpu.memory_space<vmem>>
    %dma_start3A_175 = tpu.memref_squeeze %dma_start3A_174 : memref<1x64x256xf32, #tpu.memory_space<vmem>> -> memref<64x256xf32, #tpu.memory_space<vmem>>
    %dma_start3A_176 = arith.constant 0 : i32
    %dma_start3A_177 = tpu.memref_slice %arg4[%select_n3A, %add3A_169, %dma_start3A_176] : memref<4x8192x256xf32, #tpu.memory_space<hbm>> -> memref<1x64x256xf32, #tpu.memory_space<hbm>>
    %dma_start3A_178 = tpu.memref_squeeze %dma_start3A_177 : memref<1x64x256xf32, #tpu.memory_space<hbm>> -> memref<64x256xf32, #tpu.memory_space<hbm>>
    %dma_start3A_179 = tpu.memref_slice %arg8[%dma_start3A_171] : memref<7x!tpu.dma_semaphore, #tpu.memory_space<semaphore_mem>> -> memref<1x!tpu.dma_semaphore, #tpu.memory_space<semaphore_mem>>
    %dma_start3A_180 = tpu.memref_squeeze %dma_start3A_179 : memref<1x!tpu.dma_semaphore, #tpu.memory_space<semaphore_mem>> -> memref<!tpu.dma_semaphore, #tpu.memory_space<semaphore_mem>>
    %dma_start3A_181 = arith.constant 0 : i32
    %dma_start3A_182 = tpu.memref_slice %arg4[%select_n3A, %add3A_169, %dma_start3A_181] : memref<4x8192x256xf32, #tpu.memory_space<hbm>> -> memref<1x64x256xf32, #tpu.memory_space<hbm>>
    %dma_start3A_183 = tpu.memref_squeeze %dma_start3A_182 : memref<1x64x256xf32, #tpu.memory_space<hbm>> -> memref<64x256xf32, #tpu.memory_space<hbm>>
    %dma_start3A_184 = arith.constant 0 : i32
    %dma_start3A_185 = arith.constant 0 : i32
    %dma_start3A_186 = tpu.memref_slice %arg6[%dma_start3A_170, %dma_start3A_184, %dma_start3A_185] : memref<7x64x256xf32, #tpu.memory_space<vmem>> -> memref<1x64x256xf32, #tpu.memory_space<vmem>>
    %dma_start3A_187 = tpu.memref_squeeze %dma_start3A_186 : memref<1x64x256xf32, #tpu.memory_space<vmem>> -> memref<64x256xf32, #tpu.memory_space<vmem>>
    tpu.enqueue_dma source(%dma_start3A_187 : memref<64x256xf32, #tpu.memory_space<vmem>>) target(%dma_start3A_183 : memref<64x256xf32, #tpu.memory_space<hbm>>) target_semaphore(%dma_start3A_180 : memref<!tpu.dma_semaphore, #tpu.memory_space<semaphore_mem>>)
    %dma_wait3A_188 = arith.constant 0 : i32
    %dma_wait3A_189 = arith.constant 0 : i32
    %dma_wait3A_190 = arith.constant 0 : i32
    %dma_wait3A_191 = arith.constant 0 : i32
    %dma_wait3A_192 = tpu.memref_slice %arg6[%dma_wait3A_188, %dma_wait3A_190, %dma_wait3A_191] : memref<7x64x256xf32, #tpu.memory_space<vmem>> -> memref<1x64x256xf32, #tpu.memory_space<vmem>>
    %dma_wait3A_193 = tpu.memref_squeeze %dma_wait3A_192 : memref<1x64x256xf32, #tpu.memory_space<vmem>> -> memref<64x256xf32, #tpu.memory_space<vmem>>
    %dma_wait3A_194 = arith.constant 0 : i32
    %dma_wait3A_195 = tpu.memref_slice %arg4[%select_n3A, %add3A_123, %dma_wait3A_194] : memref<4x8192x256xf32, #tpu.memory_space<hbm>> -> memref<1x64x256xf32, #tpu.memory_space<hbm>>
    %dma_wait3A_196 = tpu.memref_squeeze %dma_wait3A_195 : memref<1x64x256xf32, #tpu.memory_space<hbm>> -> memref<64x256xf32, #tpu.memory_space<hbm>>
    %dma_wait3A_197 = tpu.memref_slice %arg8[%dma_wait3A_189] : memref<7x!tpu.dma_semaphore, #tpu.memory_space<semaphore_mem>> -> memref<1x!tpu.dma_semaphore, #tpu.memory_space<semaphore_mem>>
    %dma_wait3A_198 = tpu.memref_squeeze %dma_wait3A_197 : memref<1x!tpu.dma_semaphore, #tpu.memory_space<semaphore_mem>> -> memref<!tpu.dma_semaphore, #tpu.memory_space<semaphore_mem>>
    %dma_wait3A_199 = arith.constant 0 : i32
    %dma_wait3A_200 = tpu.memref_slice %arg4[%select_n3A, %add3A_123, %dma_wait3A_199] : memref<4x8192x256xf32, #tpu.memory_space<hbm>> -> memref<1x64x256xf32, #tpu.memory_space<hbm>>
    %dma_wait3A_201 = tpu.memref_squeeze %dma_wait3A_200 : memref<1x64x256xf32, #tpu.memory_space<hbm>> -> memref<64x256xf32, #tpu.memory_space<hbm>>
    %dma_wait3A_202 = arith.constant 0 : i32
    %dma_wait3A_203 = arith.constant 0 : i32
    %dma_wait3A_204 = tpu.memref_slice %arg6[%dma_wait3A_188, %dma_wait3A_202, %dma_wait3A_203] : memref<7x64x256xf32, #tpu.memory_space<vmem>> -> memref<1x64x256xf32, #tpu.memory_space<vmem>>
    %dma_wait3A_205 = tpu.memref_squeeze %dma_wait3A_204 : memref<1x64x256xf32, #tpu.memory_space<vmem>> -> memref<64x256xf32, #tpu.memory_space<vmem>>
    tpu.wait_dma2 semaphore(%dma_wait3A_198 : memref<!tpu.dma_semaphore, #tpu.memory_space<semaphore_mem>>) src(%dma_wait3A_205 : memref<64x256xf32, #tpu.memory_space<vmem>>) dst(%dma_wait3A_201 : memref<64x256xf32, #tpu.memory_space<hbm>>)
    %dma_start3A_206 = arith.constant 0 : i32
    %dma_start3A_207 = arith.constant 0 : i32
    %dma_start3A_208 = arith.constant 0 : i32
    %dma_start3A_209 = arith.constant 0 : i32
    %dma_start3A_210 = tpu.memref_slice %arg6[%dma_start3A_206, %dma_start3A_208, %dma_start3A_209] : memref<7x64x256xf32, #tpu.memory_space<vmem>> -> memref<1x64x256xf32, #tpu.memory_space<vmem>>
    %dma_start3A_211 = tpu.memref_squeeze %dma_start3A_210 : memref<1x64x256xf32, #tpu.memory_space<vmem>> -> memref<64x256xf32, #tpu.memory_space<vmem>>
    %dma_start3A_212 = arith.constant 448 : i32
    %dma_start3A_213 = tpu.memref_slice %arg5[%dma_start3A_212] : memref<1024xi32, #tpu.memory_space<vmem>> -> memref<64xi32, #tpu.memory_space<vmem>>
    %dma_start3A_214 = arith.constant 0 : i32
    %dma_start3A_215 = arith.constant 0 : i32
    %dma_start3A_216 = tpu.memref_slice %arg2[%dma_start3A_214, %dma_start3A_215] : memref<8192x256xf32, #tpu.memory_space<hbm>> -> memref<8192x256xf32, #tpu.memory_space<hbm>>
    %dma_start3A_217 = tpu.memref_slice %arg7[%dma_start3A_207] : memref<7x!tpu.dma_semaphore, #tpu.memory_space<semaphore_mem>> -> memref<1x!tpu.dma_semaphore, #tpu.memory_space<semaphore_mem>>
    %dma_start3A_218 = tpu.memref_squeeze %dma_start3A_217 : memref<1x!tpu.dma_semaphore, #tpu.memory_space<semaphore_mem>> -> memref<!tpu.dma_semaphore, #tpu.memory_space<semaphore_mem>>
    tpu.enqueue_indirect_dma source(%dma_start3A_216 : memref<8192x256xf32, #tpu.memory_space<hbm>>) target(%dma_start3A_211 : memref<64x256xf32, #tpu.memory_space<vmem>>) offsets(%dma_start3A_213 : memref<64xi32, #tpu.memory_space<vmem>>) semaphore(%dma_start3A_218 : memref<!tpu.dma_semaphore, #tpu.memory_space<semaphore_mem>>)
    %dma_wait3A_219 = arith.constant 2 : i32
    %dma_wait3A_220 = arith.constant 2 : i32
    %dma_wait3A_221 = arith.constant 0 : i32
    %dma_wait3A_222 = arith.constant 0 : i32
    %dma_wait3A_223 = tpu.memref_slice %arg6[%dma_wait3A_219, %dma_wait3A_221, %dma_wait3A_222] : memref<7x64x256xf32, #tpu.memory_space<vmem>> -> memref<1x64x256xf32, #tpu.memory_space<vmem>>
    %dma_wait3A_224 = tpu.memref_squeeze %dma_wait3A_223 : memref<1x64x256xf32, #tpu.memory_space<vmem>> -> memref<64x256xf32, #tpu.memory_space<vmem>>
    %dma_wait3A_225 = arith.constant 128 : i32
    %dma_wait3A_226 = tpu.memref_slice %arg5[%dma_wait3A_225] : memref<1024xi32, #tpu.memory_space<vmem>> -> memref<64xi32, #tpu.memory_space<vmem>>
    %dma_wait3A_227 = arith.constant 0 : i32
    %dma_wait3A_228 = arith.constant 0 : i32
    %dma_wait3A_229 = tpu.memref_slice %arg2[%dma_wait3A_227, %dma_wait3A_228] : memref<8192x256xf32, #tpu.memory_space<hbm>> -> memref<8192x256xf32, #tpu.memory_space<hbm>>
    %dma_wait3A_230 = tpu.memref_slice %arg7[%dma_wait3A_220] : memref<7x!tpu.dma_semaphore, #tpu.memory_space<semaphore_mem>> -> memref<1x!tpu.dma_semaphore, #tpu.memory_space<semaphore_mem>>
    %dma_wait3A_231 = tpu.memref_squeeze %dma_wait3A_230 : memref<1x!tpu.dma_semaphore, #tpu.memory_space<semaphore_mem>> -> memref<!tpu.dma_semaphore, #tpu.memory_space<semaphore_mem>>
    tpu.wait_indirect_dma semaphore(%dma_wait3A_231 : memref<!tpu.dma_semaphore, #tpu.memory_space<semaphore_mem>>) src(%dma_wait3A_229 : memref<8192x256xf32, #tpu.memory_space<hbm>>) dst(%dma_wait3A_224 : memref<64x256xf32, #tpu.memory_space<vmem>>)
    %add3A_232 = arith.constant 128 : i32
    %add3A_233 = arith.addi %mul3A_32, %add3A_232 : i32
    %dma_start3A_234 = arith.constant 2 : i32
    %dma_start3A_235 = arith.constant 2 : i32
    %dma_start3A_236 = arith.constant 0 : i32
    %dma_start3A_237 = arith.constant 0 : i32
    %dma_start3A_238 = tpu.memref_slice %arg6[%dma_start3A_234, %dma_start3A_236, %dma_start3A_237] : memref<7x64x256xf32, #tpu.memory_space<vmem>> -> memref<1x64x256xf32, #tpu.memory_space<vmem>>
    %dma_start3A_239 = tpu.memref_squeeze %dma_start3A_238 : memref<1x64x256xf32, #tpu.memory_space<vmem>> -> memref<64x256xf32, #tpu.memory_space<vmem>>
    %dma_start3A_240 = arith.constant 0 : i32
    %dma_start3A_241 = tpu.memref_slice %arg4[%select_n3A, %add3A_233, %dma_start3A_240] : memref<4x8192x256xf32, #tpu.memory_space<hbm>> -> memref<1x64x256xf32, #tpu.memory_space<hbm>>
    %dma_start3A_242 = tpu.memref_squeeze %dma_start3A_241 : memref<1x64x256xf32, #tpu.memory_space<hbm>> -> memref<64x256xf32, #tpu.memory_space<hbm>>
    %dma_start3A_243 = tpu.memref_slice %arg8[%dma_start3A_235] : memref<7x!tpu.dma_semaphore, #tpu.memory_space<semaphore_mem>> -> memref<1x!tpu.dma_semaphore, #tpu.memory_space<semaphore_mem>>
    %dma_start3A_244 = tpu.memref_squeeze %dma_start3A_243 : memref<1x!tpu.dma_semaphore, #tpu.memory_space<semaphore_mem>> -> memref<!tpu.dma_semaphore, #tpu.memory_space<semaphore_mem>>
    %dma_start3A_245 = arith.constant 0 : i32
    %dma_start3A_246 = tpu.memref_slice %arg4[%select_n3A, %add3A_233, %dma_start3A_245] : memref<4x8192x256xf32, #tpu.memory_space<hbm>> -> memref<1x64x256xf32, #tpu.memory_space<hbm>>
    %dma_start3A_247 = tpu.memref_squeeze %dma_start3A_246 : memref<1x64x256xf32, #tpu.memory_space<hbm>> -> memref<64x256xf32, #tpu.memory_space<hbm>>
    %dma_start3A_248 = arith.constant 0 : i32
    %dma_start3A_249 = arith.constant 0 : i32
    %dma_start3A_250 = tpu.memref_slice %arg6[%dma_start3A_234, %dma_start3A_248, %dma_start3A_249] : memref<7x64x256xf32, #tpu.memory_space<vmem>> -> memref<1x64x256xf32, #tpu.memory_space<vmem>>
    %dma_start3A_251 = tpu.memref_squeeze %dma_start3A_250 : memref<1x64x256xf32, #tpu.memory_space<vmem>> -> memref<64x256xf32, #tpu.memory_space<vmem>>
    tpu.enqueue_dma source(%dma_start3A_251 : memref<64x256xf32, #tpu.memory_space<vmem>>) target(%dma_start3A_247 : memref<64x256xf32, #tpu.memory_space<hbm>>) target_semaphore(%dma_start3A_244 : memref<!tpu.dma_semaphore, #tpu.memory_space<semaphore_mem>>)
    %dma_wait3A_252 = arith.constant 1 : i32
    %dma_wait3A_253 = arith.constant 1 : i32
    %dma_wait3A_254 = arith.constant 0 : i32
    %dma_wait3A_255 = arith.constant 0 : i32
    %dma_wait3A_256 = tpu.memref_slice %arg6[%dma_wait3A_252, %dma_wait3A_254, %dma_wait3A_255] : memref<7x64x256xf32, #tpu.memory_space<vmem>> -> memref<1x64x256xf32, #tpu.memory_space<vmem>>
    %dma_wait3A_257 = tpu.memref_squeeze %dma_wait3A_256 : memref<1x64x256xf32, #tpu.memory_space<vmem>> -> memref<64x256xf32, #tpu.memory_space<vmem>>
    %dma_wait3A_258 = arith.constant 0 : i32
    %dma_wait3A_259 = tpu.memref_slice %arg4[%select_n3A, %add3A_169, %dma_wait3A_258] : memref<4x8192x256xf32, #tpu.memory_space<hbm>> -> memref<1x64x256xf32, #tpu.memory_space<hbm>>
    %dma_wait3A_260 = tpu.memref_squeeze %dma_wait3A_259 : memref<1x64x256xf32, #tpu.memory_space<hbm>> -> memref<64x256xf32, #tpu.memory_space<hbm>>
    %dma_wait3A_261 = tpu.memref_slice %arg8[%dma_wait3A_253] : memref<7x!tpu.dma_semaphore, #tpu.memory_space<semaphore_mem>> -> memref<1x!tpu.dma_semaphore, #tpu.memory_space<semaphore_mem>>
    %dma_wait3A_262 = tpu.memref_squeeze %dma_wait3A_261 : memref<1x!tpu.dma_semaphore, #tpu.memory_space<semaphore_mem>> -> memref<!tpu.dma_semaphore, #tpu.memory_space<semaphore_mem>>
    %dma_wait3A_263 = arith.constant 0 : i32
    %dma_wait3A_264 = tpu.memref_slice %arg4[%select_n3A, %add3A_169, %dma_wait3A_263] : memref<4x8192x256xf32, #tpu.memory_space<hbm>> -> memref<1x64x256xf32, #tpu.memory_space<hbm>>
    %dma_wait3A_265 = tpu.memref_squeeze %dma_wait3A_264 : memref<1x64x256xf32, #tpu.memory_space<hbm>> -> memref<64x256xf32, #tpu.memory_space<hbm>>
    %dma_wait3A_266 = arith.constant 0 : i32
    %dma_wait3A_267 = arith.constant 0 : i32
    %dma_wait3A_268 = tpu.memref_slice %arg6[%dma_wait3A_252, %dma_wait3A_266, %dma_wait3A_267] : memref<7x64x256xf32, #tpu.memory_space<vmem>> -> memref<1x64x256xf32, #tpu.memory_space<vmem>>
    %dma_wait3A_269 = tpu.memref_squeeze %dma_wait3A_268 : memref<1x64x256xf32, #tpu.memory_space<vmem>> -> memref<64x256xf32, #tpu.memory_space<vmem>>
    tpu.wait_dma2 semaphore(%dma_wait3A_262 : memref<!tpu.dma_semaphore, #tpu.memory_space<semaphore_mem>>) src(%dma_wait3A_269 : memref<64x256xf32, #tpu.memory_space<vmem>>) dst(%dma_wait3A_265 : memref<64x256xf32, #tpu.memory_space<hbm>>)
    %dma_start3A_270 = arith.constant 1 : i32
    %dma_start3A_271 = arith.constant 1 : i32
    %dma_start3A_272 = arith.constant 0 : i32
    %dma_start3A_273 = arith.constant 0 : i32
    %dma_start3A_274 = tpu.memref_slice %arg6[%dma_start3A_270, %dma_start3A_272, %dma_start3A_273] : memref<7x64x256xf32, #tpu.memory_space<vmem>> -> memref<1x64x256xf32, #tpu.memory_space<vmem>>
    %dma_start3A_275 = tpu.memref_squeeze %dma_start3A_274 : memref<1x64x256xf32, #tpu.memory_space<vmem>> -> memref<64x256xf32, #tpu.memory_space<vmem>>
    %dma_start3A_276 = arith.constant 512 : i32
    %dma_start3A_277 = tpu.memref_slice %arg5[%dma_start3A_276] : memref<1024xi32, #tpu.memory_space<vmem>> -> memref<64xi32, #tpu.memory_space<vmem>>
    %dma_start3A_278 = arith.constant 0 : i32
    %dma_start3A_279 = arith.constant 0 : i32
    %dma_start3A_280 = tpu.memref_slice %arg2[%dma_start3A_278, %dma_start3A_279] : memref<8192x256xf32, #tpu.memory_space<hbm>> -> memref<8192x256xf32, #tpu.memory_space<hbm>>
    %dma_start3A_281 = tpu.memref_slice %arg7[%dma_start3A_271] : memref<7x!tpu.dma_semaphore, #tpu.memory_space<semaphore_mem>> -> memref<1x!tpu.dma_semaphore, #tpu.memory_space<semaphore_mem>>
    %dma_start3A_282 = tpu.memref_squeeze %dma_start3A_281 : memref<1x!tpu.dma_semaphore, #tpu.memory_space<semaphore_mem>> -> memref<!tpu.dma_semaphore, #tpu.memory_space<semaphore_mem>>
    tpu.enqueue_indirect_dma source(%dma_start3A_280 : memref<8192x256xf32, #tpu.memory_space<hbm>>) target(%dma_start3A_275 : memref<64x256xf32, #tpu.memory_space<vmem>>) offsets(%dma_start3A_277 : memref<64xi32, #tpu.memory_space<vmem>>) semaphore(%dma_start3A_282 : memref<!tpu.dma_semaphore, #tpu.memory_space<semaphore_mem>>)
    %dma_wait3A_283 = arith.constant 3 : i32
    %dma_wait3A_284 = arith.constant 3 : i32
    %dma_wait3A_285 = arith.constant 0 : i32
    %dma_wait3A_286 = arith.constant 0 : i32
    %dma_wait3A_287 = tpu.memref_slice %arg6[%dma_wait3A_283, %dma_wait3A_285, %dma_wait3A_286] : memref<7x64x256xf32, #tpu.memory_space<vmem>> -> memref<1x64x256xf32, #tpu.memory_space<vmem>>
    %dma_wait3A_288 = tpu.memref_squeeze %dma_wait3A_287 : memref<1x64x256xf32, #tpu.memory_space<vmem>> -> memref<64x256xf32, #tpu.memory_space<vmem>>
    %dma_wait3A_289 = arith.constant 192 : i32
    %dma_wait3A_290 = tpu.memref_slice %arg5[%dma_wait3A_289] : memref<1024xi32, #tpu.memory_space<vmem>> -> memref<64xi32, #tpu.memory_space<vmem>>
    %dma_wait3A_291 = arith.constant 0 : i32
    %dma_wait3A_292 = arith.constant 0 : i32
    %dma_wait3A_293 = tpu.memref_slice %arg2[%dma_wait3A_291, %dma_wait3A_292] : memref<8192x256xf32, #tpu.memory_space<hbm>> -> memref<8192x256xf32, #tpu.memory_space<hbm>>
    %dma_wait3A_294 = tpu.memref_slice %arg7[%dma_wait3A_284] : memref<7x!tpu.dma_semaphore, #tpu.memory_space<semaphore_mem>> -> memref<1x!tpu.dma_semaphore, #tpu.memory_space<semaphore_mem>>
    %dma_wait3A_295 = tpu.memref_squeeze %dma_wait3A_294 : memref<1x!tpu.dma_semaphore, #tpu.memory_space<semaphore_mem>> -> memref<!tpu.dma_semaphore, #tpu.memory_space<semaphore_mem>>
    tpu.wait_indirect_dma semaphore(%dma_wait3A_295 : memref<!tpu.dma_semaphore, #tpu.memory_space<semaphore_mem>>) src(%dma_wait3A_293 : memref<8192x256xf32, #tpu.memory_space<hbm>>) dst(%dma_wait3A_288 : memref<64x256xf32, #tpu.memory_space<vmem>>)
    %add3A_296 = arith.constant 192 : i32
    %add3A_297 = arith.addi %mul3A_32, %add3A_296 : i32
    %dma_start3A_298 = arith.constant 3 : i32
    %dma_start3A_299 = arith.constant 3 : i32
    %dma_start3A_300 = arith.constant 0 : i32
    %dma_start3A_301 = arith.constant 0 : i32
    %dma_start3A_302 = tpu.memref_slice %arg6[%dma_start3A_298, %dma_start3A_300, %dma_start3A_301] : memref<7x64x256xf32, #tpu.memory_space<vmem>> -> memref<1x64x256xf32, #tpu.memory_space<vmem>>
    %dma_start3A_303 = tpu.memref_squeeze %dma_start3A_302 : memref<1x64x256xf32, #tpu.memory_space<vmem>> -> memref<64x256xf32, #tpu.memory_space<vmem>>
    %dma_start3A_304 = arith.constant 0 : i32
    %dma_start3A_305 = tpu.memref_slice %arg4[%select_n3A, %add3A_297, %dma_start3A_304] : memref<4x8192x256xf32, #tpu.memory_space<hbm>> -> memref<1x64x256xf32, #tpu.memory_space<hbm>>
    %dma_start3A_306 = tpu.memref_squeeze %dma_start3A_305 : memref<1x64x256xf32, #tpu.memory_space<hbm>> -> memref<64x256xf32, #tpu.memory_space<hbm>>
    %dma_start3A_307 = tpu.memref_slice %arg8[%dma_start3A_299] : memref<7x!tpu.dma_semaphore, #tpu.memory_space<semaphore_mem>> -> memref<1x!tpu.dma_semaphore, #tpu.memory_space<semaphore_mem>>
    %dma_start3A_308 = tpu.memref_squeeze %dma_start3A_307 : memref<1x!tpu.dma_semaphore, #tpu.memory_space<semaphore_mem>> -> memref<!tpu.dma_semaphore, #tpu.memory_space<semaphore_mem>>
    %dma_start3A_309 = arith.constant 0 : i32
    %dma_start3A_310 = tpu.memref_slice %arg4[%select_n3A, %add3A_297, %dma_start3A_309] : memref<4x8192x256xf32, #tpu.memory_space<hbm>> -> memref<1x64x256xf32, #tpu.memory_space<hbm>>
    %dma_start3A_311 = tpu.memref_squeeze %dma_start3A_310 : memref<1x64x256xf32, #tpu.memory_space<hbm>> -> memref<64x256xf32, #tpu.memory_space<hbm>>
    %dma_start3A_312 = arith.constant 0 : i32
    %dma_start3A_313 = arith.constant 0 : i32
    %dma_start3A_314 = tpu.memref_slice %arg6[%dma_start3A_298, %dma_start3A_312, %dma_start3A_313] : memref<7x64x256xf32, #tpu.memory_space<vmem>> -> memref<1x64x256xf32, #tpu.memory_space<vmem>>
    %dma_start3A_315 = tpu.memref_squeeze %dma_start3A_314 : memref<1x64x256xf32, #tpu.memory_space<vmem>> -> memref<64x256xf32, #tpu.memory_space<vmem>>
    tpu.enqueue_dma source(%dma_start3A_315 : memref<64x256xf32, #tpu.memory_space<vmem>>) target(%dma_start3A_311 : memref<64x256xf32, #tpu.memory_space<hbm>>) target_semaphore(%dma_start3A_308 : memref<!tpu.dma_semaphore, #tpu.memory_space<semaphore_mem>>)
    %dma_wait3A_316 = arith.constant 2 : i32
    %dma_wait3A_317 = arith.constant 2 : i32
    %dma_wait3A_318 = arith.constant 0 : i32
    %dma_wait3A_319 = arith.constant 0 : i32
    %dma_wait3A_320 = tpu.memref_slice %arg6[%dma_wait3A_316, %dma_wait3A_318, %dma_wait3A_319] : memref<7x64x256xf32, #tpu.memory_space<vmem>> -> memref<1x64x256xf32, #tpu.memory_space<vmem>>
    %dma_wait3A_321 = tpu.memref_squeeze %dma_wait3A_320 : memref<1x64x256xf32, #tpu.memory_space<vmem>> -> memref<64x256xf32, #tpu.memory_space<vmem>>
    %dma_wait3A_322 = arith.constant 0 : i32
    %dma_wait3A_323 = tpu.memref_slice %arg4[%select_n3A, %add3A_233, %dma_wait3A_322] : memref<4x8192x256xf32, #tpu.memory_space<hbm>> -> memref<1x64x256xf32, #tpu.memory_space<hbm>>
    %dma_wait3A_324 = tpu.memref_squeeze %dma_wait3A_323 : memref<1x64x256xf32, #tpu.memory_space<hbm>> -> memref<64x256xf32, #tpu.memory_space<hbm>>
    %dma_wait3A_325 = tpu.memref_slice %arg8[%dma_wait3A_317] : memref<7x!tpu.dma_semaphore, #tpu.memory_space<semaphore_mem>> -> memref<1x!tpu.dma_semaphore, #tpu.memory_space<semaphore_mem>>
    %dma_wait3A_326 = tpu.memref_squeeze %dma_wait3A_325 : memref<1x!tpu.dma_semaphore, #tpu.memory_space<semaphore_mem>> -> memref<!tpu.dma_semaphore, #tpu.memory_space<semaphore_mem>>
    %dma_wait3A_327 = arith.constant 0 : i32
    %dma_wait3A_328 = tpu.memref_slice %arg4[%select_n3A, %add3A_233, %dma_wait3A_327] : memref<4x8192x256xf32, #tpu.memory_space<hbm>> -> memref<1x64x256xf32, #tpu.memory_space<hbm>>
    %dma_wait3A_329 = tpu.memref_squeeze %dma_wait3A_328 : memref<1x64x256xf32, #tpu.memory_space<hbm>> -> memref<64x256xf32, #tpu.memory_space<hbm>>
    %dma_wait3A_330 = arith.constant 0 : i32
    %dma_wait3A_331 = arith.constant 0 : i32
    %dma_wait3A_332 = tpu.memref_slice %arg6[%dma_wait3A_316, %dma_wait3A_330, %dma_wait3A_331] : memref<7x64x256xf32, #tpu.memory_space<vmem>> -> memref<1x64x256xf32, #tpu.memory_space<vmem>>
    %dma_wait3A_333 = tpu.memref_squeeze %dma_wait3A_332 : memref<1x64x256xf32, #tpu.memory_space<vmem>> -> memref<64x256xf32, #tpu.memory_space<vmem>>
    tpu.wait_dma2 semaphore(%dma_wait3A_326 : memref<!tpu.dma_semaphore, #tpu.memory_space<semaphore_mem>>) src(%dma_wait3A_333 : memref<64x256xf32, #tpu.memory_space<vmem>>) dst(%dma_wait3A_329 : memref<64x256xf32, #tpu.memory_space<hbm>>)
    %dma_start3A_334 = arith.constant 2 : i32
    %dma_start3A_335 = arith.constant 2 : i32
    %dma_start3A_336 = arith.constant 0 : i32
    %dma_start3A_337 = arith.constant 0 : i32
    %dma_start3A_338 = tpu.memref_slice %arg6[%dma_start3A_334, %dma_start3A_336, %dma_start3A_337] : memref<7x64x256xf32, #tpu.memory_space<vmem>> -> memref<1x64x256xf32, #tpu.memory_space<vmem>>
    %dma_start3A_339 = tpu.memref_squeeze %dma_start3A_338 : memref<1x64x256xf32, #tpu.memory_space<vmem>> -> memref<64x256xf32, #tpu.memory_space<vmem>>
    %dma_start3A_340 = arith.constant 576 : i32
    %dma_start3A_341 = tpu.memref_slice %arg5[%dma_start3A_340] : memref<1024xi32, #tpu.memory_space<vmem>> -> memref<64xi32, #tpu.memory_space<vmem>>
    %dma_start3A_342 = arith.constant 0 : i32
    %dma_start3A_343 = arith.constant 0 : i32
    %dma_start3A_344 = tpu.memref_slice %arg2[%dma_start3A_342, %dma_start3A_343] : memref<8192x256xf32, #tpu.memory_space<hbm>> -> memref<8192x256xf32, #tpu.memory_space<hbm>>
    %dma_start3A_345 = tpu.memref_slice %arg7[%dma_start3A_335] : memref<7x!tpu.dma_semaphore, #tpu.memory_space<semaphore_mem>> -> memref<1x!tpu.dma_semaphore, #tpu.memory_space<semaphore_mem>>
    %dma_start3A_346 = tpu.memref_squeeze %dma_start3A_345 : memref<1x!tpu.dma_semaphore, #tpu.memory_space<semaphore_mem>> -> memref<!tpu.dma_semaphore, #tpu.memory_space<semaphore_mem>>
    tpu.enqueue_indirect_dma source(%dma_start3A_344 : memref<8192x256xf32, #tpu.memory_space<hbm>>) target(%dma_start3A_339 : memref<64x256xf32, #tpu.memory_space<vmem>>) offsets(%dma_start3A_341 : memref<64xi32, #tpu.memory_space<vmem>>) semaphore(%dma_start3A_346 : memref<!tpu.dma_semaphore, #tpu.memory_space<semaphore_mem>>)
    %dma_wait3A_347 = arith.constant 4 : i32
    %dma_wait3A_348 = arith.constant 4 : i32
    %dma_wait3A_349 = arith.constant 0 : i32
    %dma_wait3A_350 = arith.constant 0 : i32
    %dma_wait3A_351 = tpu.memref_slice %arg6[%dma_wait3A_347, %dma_wait3A_349, %dma_wait3A_350] : memref<7x64x256xf32, #tpu.memory_space<vmem>> -> memref<1x64x256xf32, #tpu.memory_space<vmem>>
    %dma_wait3A_352 = tpu.memref_squeeze %dma_wait3A_351 : memref<1x64x256xf32, #tpu.memory_space<vmem>> -> memref<64x256xf32, #tpu.memory_space<vmem>>
    %dma_wait3A_353 = arith.constant 256 : i32
    %dma_wait3A_354 = tpu.memref_slice %arg5[%dma_wait3A_353] : memref<1024xi32, #tpu.memory_space<vmem>> -> memref<64xi32, #tpu.memory_space<vmem>>
    %dma_wait3A_355 = arith.constant 0 : i32
    %dma_wait3A_356 = arith.constant 0 : i32
    %dma_wait3A_357 = tpu.memref_slice %arg2[%dma_wait3A_355, %dma_wait3A_356] : memref<8192x256xf32, #tpu.memory_space<hbm>> -> memref<8192x256xf32, #tpu.memory_space<hbm>>
    %dma_wait3A_358 = tpu.memref_slice %arg7[%dma_wait3A_348] : memref<7x!tpu.dma_semaphore, #tpu.memory_space<semaphore_mem>> -> memref<1x!tpu.dma_semaphore, #tpu.memory_space<semaphore_mem>>
    %dma_wait3A_359 = tpu.memref_squeeze %dma_wait3A_358 : memref<1x!tpu.dma_semaphore, #tpu.memory_space<semaphore_mem>> -> memref<!tpu.dma_semaphore, #tpu.memory_space<semaphore_mem>>
    tpu.wait_indirect_dma semaphore(%dma_wait3A_359 : memref<!tpu.dma_semaphore, #tpu.memory_space<semaphore_mem>>) src(%dma_wait3A_357 : memref<8192x256xf32, #tpu.memory_space<hbm>>) dst(%dma_wait3A_352 : memref<64x256xf32, #tpu.memory_space<vmem>>)
    %add3A_360 = arith.constant 256 : i32
    %add3A_361 = arith.addi %mul3A_32, %add3A_360 : i32
    %dma_start3A_362 = arith.constant 4 : i32
    %dma_start3A_363 = arith.constant 4 : i32
    %dma_start3A_364 = arith.constant 0 : i32
    %dma_start3A_365 = arith.constant 0 : i32
    %dma_start3A_366 = tpu.memref_slice %arg6[%dma_start3A_362, %dma_start3A_364, %dma_start3A_365] : memref<7x64x256xf32, #tpu.memory_space<vmem>> -> memref<1x64x256xf32, #tpu.memory_space<vmem>>
    %dma_start3A_367 = tpu.memref_squeeze %dma_start3A_366 : memref<1x64x256xf32, #tpu.memory_space<vmem>> -> memref<64x256xf32, #tpu.memory_space<vmem>>
    %dma_start3A_368 = arith.constant 0 : i32
    %dma_start3A_369 = tpu.memref_slice %arg4[%select_n3A, %add3A_361, %dma_start3A_368] : memref<4x8192x256xf32, #tpu.memory_space<hbm>> -> memref<1x64x256xf32, #tpu.memory_space<hbm>>
    %dma_start3A_370 = tpu.memref_squeeze %dma_start3A_369 : memref<1x64x256xf32, #tpu.memory_space<hbm>> -> memref<64x256xf32, #tpu.memory_space<hbm>>
    %dma_start3A_371 = tpu.memref_slice %arg8[%dma_start3A_363] : memref<7x!tpu.dma_semaphore, #tpu.memory_space<semaphore_mem>> -> memref<1x!tpu.dma_semaphore, #tpu.memory_space<semaphore_mem>>
    %dma_start3A_372 = tpu.memref_squeeze %dma_start3A_371 : memref<1x!tpu.dma_semaphore, #tpu.memory_space<semaphore_mem>> -> memref<!tpu.dma_semaphore, #tpu.memory_space<semaphore_mem>>
    %dma_start3A_373 = arith.constant 0 : i32
    %dma_start3A_374 = tpu.memref_slice %arg4[%select_n3A, %add3A_361, %dma_start3A_373] : memref<4x8192x256xf32, #tpu.memory_space<hbm>> -> memref<1x64x256xf32, #tpu.memory_space<hbm>>
    %dma_start3A_375 = tpu.memref_squeeze %dma_start3A_374 : memref<1x64x256xf32, #tpu.memory_space<hbm>> -> memref<64x256xf32, #tpu.memory_space<hbm>>
    %dma_start3A_376 = arith.constant 0 : i32
    %dma_start3A_377 = arith.constant 0 : i32
    %dma_start3A_378 = tpu.memref_slice %arg6[%dma_start3A_362, %dma_start3A_376, %dma_start3A_377] : memref<7x64x256xf32, #tpu.memory_space<vmem>> -> memref<1x64x256xf32, #tpu.memory_space<vmem>>
    %dma_start3A_379 = tpu.memref_squeeze %dma_start3A_378 : memref<1x64x256xf32, #tpu.memory_space<vmem>> -> memref<64x256xf32, #tpu.memory_space<vmem>>
    tpu.enqueue_dma source(%dma_start3A_379 : memref<64x256xf32, #tpu.memory_space<vmem>>) target(%dma_start3A_375 : memref<64x256xf32, #tpu.memory_space<hbm>>) target_semaphore(%dma_start3A_372 : memref<!tpu.dma_semaphore, #tpu.memory_space<semaphore_mem>>)
    %dma_wait3A_380 = arith.constant 3 : i32
    %dma_wait3A_381 = arith.constant 3 : i32
    %dma_wait3A_382 = arith.constant 0 : i32
    %dma_wait3A_383 = arith.constant 0 : i32
    %dma_wait3A_384 = tpu.memref_slice %arg6[%dma_wait3A_380, %dma_wait3A_382, %dma_wait3A_383] : memref<7x64x256xf32, #tpu.memory_space<vmem>> -> memref<1x64x256xf32, #tpu.memory_space<vmem>>
    %dma_wait3A_385 = tpu.memref_squeeze %dma_wait3A_384 : memref<1x64x256xf32, #tpu.memory_space<vmem>> -> memref<64x256xf32, #tpu.memory_space<vmem>>
    %dma_wait3A_386 = arith.constant 0 : i32
    %dma_wait3A_387 = tpu.memref_slice %arg4[%select_n3A, %add3A_297, %dma_wait3A_386] : memref<4x8192x256xf32, #tpu.memory_space<hbm>> -> memref<1x64x256xf32, #tpu.memory_space<hbm>>
    %dma_wait3A_388 = tpu.memref_squeeze %dma_wait3A_387 : memref<1x64x256xf32, #tpu.memory_space<hbm>> -> memref<64x256xf32, #tpu.memory_space<hbm>>
    %dma_wait3A_389 = tpu.memref_slice %arg8[%dma_wait3A_381] : memref<7x!tpu.dma_semaphore, #tpu.memory_space<semaphore_mem>> -> memref<1x!tpu.dma_semaphore, #tpu.memory_space<semaphore_mem>>
    %dma_wait3A_390 = tpu.memref_squeeze %dma_wait3A_389 : memref<1x!tpu.dma_semaphore, #tpu.memory_space<semaphore_mem>> -> memref<!tpu.dma_semaphore, #tpu.memory_space<semaphore_mem>>
    %dma_wait3A_391 = arith.constant 0 : i32
    %dma_wait3A_392 = tpu.memref_slice %arg4[%select_n3A, %add3A_297, %dma_wait3A_391] : memref<4x8192x256xf32, #tpu.memory_space<hbm>> -> memref<1x64x256xf32, #tpu.memory_space<hbm>>
    %dma_wait3A_393 = tpu.memref_squeeze %dma_wait3A_392 : memref<1x64x256xf32, #tpu.memory_space<hbm>> -> memref<64x256xf32, #tpu.memory_space<hbm>>
    %dma_wait3A_394 = arith.constant 0 : i32
    %dma_wait3A_395 = arith.constant 0 : i32
    %dma_wait3A_396 = tpu.memref_slice %arg6[%dma_wait3A_380, %dma_wait3A_394, %dma_wait3A_395] : memref<7x64x256xf32, #tpu.memory_space<vmem>> -> memref<1x64x256xf32, #tpu.memory_space<vmem>>
    %dma_wait3A_397 = tpu.memref_squeeze %dma_wait3A_396 : memref<1x64x256xf32, #tpu.memory_space<vmem>> -> memref<64x256xf32, #tpu.memory_space<vmem>>
    tpu.wait_dma2 semaphore(%dma_wait3A_390 : memref<!tpu.dma_semaphore, #tpu.memory_space<semaphore_mem>>) src(%dma_wait3A_397 : memref<64x256xf32, #tpu.memory_space<vmem>>) dst(%dma_wait3A_393 : memref<64x256xf32, #tpu.memory_space<hbm>>)
    %dma_start3A_398 = arith.constant 3 : i32
    %dma_start3A_399 = arith.constant 3 : i32
    %dma_start3A_400 = arith.constant 0 : i32
    %dma_start3A_401 = arith.constant 0 : i32
    %dma_start3A_402 = tpu.memref_slice %arg6[%dma_start3A_398, %dma_start3A_400, %dma_start3A_401] : memref<7x64x256xf32, #tpu.memory_space<vmem>> -> memref<1x64x256xf32, #tpu.memory_space<vmem>>
    %dma_start3A_403 = tpu.memref_squeeze %dma_start3A_402 : memref<1x64x256xf32, #tpu.memory_space<vmem>> -> memref<64x256xf32, #tpu.memory_space<vmem>>
    %dma_start3A_404 = arith.constant 640 : i32
    %dma_start3A_405 = tpu.memref_slice %arg5[%dma_start3A_404] : memref<1024xi32, #tpu.memory_space<vmem>> -> memref<64xi32, #tpu.memory_space<vmem>>
    %dma_start3A_406 = arith.constant 0 : i32
    %dma_start3A_407 = arith.constant 0 : i32
    %dma_start3A_408 = tpu.memref_slice %arg2[%dma_start3A_406, %dma_start3A_407] : memref<8192x256xf32, #tpu.memory_space<hbm>> -> memref<8192x256xf32, #tpu.memory_space<hbm>>
    %dma_start3A_409 = tpu.memref_slice %arg7[%dma_start3A_399] : memref<7x!tpu.dma_semaphore, #tpu.memory_space<semaphore_mem>> -> memref<1x!tpu.dma_semaphore, #tpu.memory_space<semaphore_mem>>
    %dma_start3A_410 = tpu.memref_squeeze %dma_start3A_409 : memref<1x!tpu.dma_semaphore, #tpu.memory_space<semaphore_mem>> -> memref<!tpu.dma_semaphore, #tpu.memory_space<semaphore_mem>>
    tpu.enqueue_indirect_dma source(%dma_start3A_408 : memref<8192x256xf32, #tpu.memory_space<hbm>>) target(%dma_start3A_403 : memref<64x256xf32, #tpu.memory_space<vmem>>) offsets(%dma_start3A_405 : memref<64xi32, #tpu.memory_space<vmem>>) semaphore(%dma_start3A_410 : memref<!tpu.dma_semaphore, #tpu.memory_space<semaphore_mem>>)
    %dma_wait3A_411 = arith.constant 5 : i32
    %dma_wait3A_412 = arith.constant 5 : i32
    %dma_wait3A_413 = arith.constant 0 : i32
    %dma_wait3A_414 = arith.constant 0 : i32
    %dma_wait3A_415 = tpu.memref_slice %arg6[%dma_wait3A_411, %dma_wait3A_413, %dma_wait3A_414] : memref<7x64x256xf32, #tpu.memory_space<vmem>> -> memref<1x64x256xf32, #tpu.memory_space<vmem>>
    %dma_wait3A_416 = tpu.memref_squeeze %dma_wait3A_415 : memref<1x64x256xf32, #tpu.memory_space<vmem>> -> memref<64x256xf32, #tpu.memory_space<vmem>>
    %dma_wait3A_417 = arith.constant 320 : i32
    %dma_wait3A_418 = tpu.memref_slice %arg5[%dma_wait3A_417] : memref<1024xi32, #tpu.memory_space<vmem>> -> memref<64xi32, #tpu.memory_space<vmem>>
    %dma_wait3A_419 = arith.constant 0 : i32
    %dma_wait3A_420 = arith.constant 0 : i32
    %dma_wait3A_421 = tpu.memref_slice %arg2[%dma_wait3A_419, %dma_wait3A_420] : memref<8192x256xf32, #tpu.memory_space<hbm>> -> memref<8192x256xf32, #tpu.memory_space<hbm>>
    %dma_wait3A_422 = tpu.memref_slice %arg7[%dma_wait3A_412] : memref<7x!tpu.dma_semaphore, #tpu.memory_space<semaphore_mem>> -> memref<1x!tpu.dma_semaphore, #tpu.memory_space<semaphore_mem>>
    %dma_wait3A_423 = tpu.memref_squeeze %dma_wait3A_422 : memref<1x!tpu.dma_semaphore, #tpu.memory_space<semaphore_mem>> -> memref<!tpu.dma_semaphore, #tpu.memory_space<semaphore_mem>>
    tpu.wait_indirect_dma semaphore(%dma_wait3A_423 : memref<!tpu.dma_semaphore, #tpu.memory_space<semaphore_mem>>) src(%dma_wait3A_421 : memref<8192x256xf32, #tpu.memory_space<hbm>>) dst(%dma_wait3A_416 : memref<64x256xf32, #tpu.memory_space<vmem>>)
    %add3A_424 = arith.constant 320 : i32
    %add3A_425 = arith.addi %mul3A_32, %add3A_424 : i32
    %dma_start3A_426 = arith.constant 5 : i32
    %dma_start3A_427 = arith.constant 5 : i32
    %dma_start3A_428 = arith.constant 0 : i32
    %dma_start3A_429 = arith.constant 0 : i32
    %dma_start3A_430 = tpu.memref_slice %arg6[%dma_start3A_426, %dma_start3A_428, %dma_start3A_429] : memref<7x64x256xf32, #tpu.memory_space<vmem>> -> memref<1x64x256xf32, #tpu.memory_space<vmem>>
    %dma_start3A_431 = tpu.memref_squeeze %dma_start3A_430 : memref<1x64x256xf32, #tpu.memory_space<vmem>> -> memref<64x256xf32, #tpu.memory_space<vmem>>
    %dma_start3A_432 = arith.constant 0 : i32
    %dma_start3A_433 = tpu.memref_slice %arg4[%select_n3A, %add3A_425, %dma_start3A_432] : memref<4x8192x256xf32, #tpu.memory_space<hbm>> -> memref<1x64x256xf32, #tpu.memory_space<hbm>>
    %dma_start3A_434 = tpu.memref_squeeze %dma_start3A_433 : memref<1x64x256xf32, #tpu.memory_space<hbm>> -> memref<64x256xf32, #tpu.memory_space<hbm>>
    %dma_start3A_435 = tpu.memref_slice %arg8[%dma_start3A_427] : memref<7x!tpu.dma_semaphore, #tpu.memory_space<semaphore_mem>> -> memref<1x!tpu.dma_semaphore, #tpu.memory_space<semaphore_mem>>
    %dma_start3A_436 = tpu.memref_squeeze %dma_start3A_435 : memref<1x!tpu.dma_semaphore, #tpu.memory_space<semaphore_mem>> -> memref<!tpu.dma_semaphore, #tpu.memory_space<semaphore_mem>>
    %dma_start3A_437 = arith.constant 0 : i32
    %dma_start3A_438 = tpu.memref_slice %arg4[%select_n3A, %add3A_425, %dma_start3A_437] : memref<4x8192x256xf32, #tpu.memory_space<hbm>> -> memref<1x64x256xf32, #tpu.memory_space<hbm>>
    %dma_start3A_439 = tpu.memref_squeeze %dma_start3A_438 : memref<1x64x256xf32, #tpu.memory_space<hbm>> -> memref<64x256xf32, #tpu.memory_space<hbm>>
    %dma_start3A_440 = arith.constant 0 : i32
    %dma_start3A_441 = arith.constant 0 : i32
    %dma_start3A_442 = tpu.memref_slice %arg6[%dma_start3A_426, %dma_start3A_440, %dma_start3A_441] : memref<7x64x256xf32, #tpu.memory_space<vmem>> -> memref<1x64x256xf32, #tpu.memory_space<vmem>>
    %dma_start3A_443 = tpu.memref_squeeze %dma_start3A_442 : memref<1x64x256xf32, #tpu.memory_space<vmem>> -> memref<64x256xf32, #tpu.memory_space<vmem>>
    tpu.enqueue_dma source(%dma_start3A_443 : memref<64x256xf32, #tpu.memory_space<vmem>>) target(%dma_start3A_439 : memref<64x256xf32, #tpu.memory_space<hbm>>) target_semaphore(%dma_start3A_436 : memref<!tpu.dma_semaphore, #tpu.memory_space<semaphore_mem>>)
    %dma_wait3A_444 = arith.constant 4 : i32
    %dma_wait3A_445 = arith.constant 4 : i32
    %dma_wait3A_446 = arith.constant 0 : i32
    %dma_wait3A_447 = arith.constant 0 : i32
    %dma_wait3A_448 = tpu.memref_slice %arg6[%dma_wait3A_444, %dma_wait3A_446, %dma_wait3A_447] : memref<7x64x256xf32, #tpu.memory_space<vmem>> -> memref<1x64x256xf32, #tpu.memory_space<vmem>>
    %dma_wait3A_449 = tpu.memref_squeeze %dma_wait3A_448 : memref<1x64x256xf32, #tpu.memory_space<vmem>> -> memref<64x256xf32, #tpu.memory_space<vmem>>
    %dma_wait3A_450 = arith.constant 0 : i32
    %dma_wait3A_451 = tpu.memref_slice %arg4[%select_n3A, %add3A_361, %dma_wait3A_450] : memref<4x8192x256xf32, #tpu.memory_space<hbm>> -> memref<1x64x256xf32, #tpu.memory_space<hbm>>
    %dma_wait3A_452 = tpu.memref_squeeze %dma_wait3A_451 : memref<1x64x256xf32, #tpu.memory_space<hbm>> -> memref<64x256xf32, #tpu.memory_space<hbm>>
    %dma_wait3A_453 = tpu.memref_slice %arg8[%dma_wait3A_445] : memref<7x!tpu.dma_semaphore, #tpu.memory_space<semaphore_mem>> -> memref<1x!tpu.dma_semaphore, #tpu.memory_space<semaphore_mem>>
    %dma_wait3A_454 = tpu.memref_squeeze %dma_wait3A_453 : memref<1x!tpu.dma_semaphore, #tpu.memory_space<semaphore_mem>> -> memref<!tpu.dma_semaphore, #tpu.memory_space<semaphore_mem>>
    %dma_wait3A_455 = arith.constant 0 : i32
    %dma_wait3A_456 = tpu.memref_slice %arg4[%select_n3A, %add3A_361, %dma_wait3A_455] : memref<4x8192x256xf32, #tpu.memory_space<hbm>> -> memref<1x64x256xf32, #tpu.memory_space<hbm>>
    %dma_wait3A_457 = tpu.memref_squeeze %dma_wait3A_456 : memref<1x64x256xf32, #tpu.memory_space<hbm>> -> memref<64x256xf32, #tpu.memory_space<hbm>>
    %dma_wait3A_458 = arith.constant 0 : i32
    %dma_wait3A_459 = arith.constant 0 : i32
    %dma_wait3A_460 = tpu.memref_slice %arg6[%dma_wait3A_444, %dma_wait3A_458, %dma_wait3A_459] : memref<7x64x256xf32, #tpu.memory_space<vmem>> -> memref<1x64x256xf32, #tpu.memory_space<vmem>>
    %dma_wait3A_461 = tpu.memref_squeeze %dma_wait3A_460 : memref<1x64x256xf32, #tpu.memory_space<vmem>> -> memref<64x256xf32, #tpu.memory_space<vmem>>
    tpu.wait_dma2 semaphore(%dma_wait3A_454 : memref<!tpu.dma_semaphore, #tpu.memory_space<semaphore_mem>>) src(%dma_wait3A_461 : memref<64x256xf32, #tpu.memory_space<vmem>>) dst(%dma_wait3A_457 : memref<64x256xf32, #tpu.memory_space<hbm>>)
    %dma_start3A_462 = arith.constant 4 : i32
    %dma_start3A_463 = arith.constant 4 : i32
    %dma_start3A_464 = arith.constant 0 : i32
    %dma_start3A_465 = arith.constant 0 : i32
    %dma_start3A_466 = tpu.memref_slice %arg6[%dma_start3A_462, %dma_start3A_464, %dma_start3A_465] : memref<7x64x256xf32, #tpu.memory_space<vmem>> -> memref<1x64x256xf32, #tpu.memory_space<vmem>>
    %dma_start3A_467 = tpu.memref_squeeze %dma_start3A_466 : memref<1x64x256xf32, #tpu.memory_space<vmem>> -> memref<64x256xf32, #tpu.memory_space<vmem>>
    %dma_start3A_468 = arith.constant 704 : i32
    %dma_start3A_469 = tpu.memref_slice %arg5[%dma_start3A_468] : memref<1024xi32, #tpu.memory_space<vmem>> -> memref<64xi32, #tpu.memory_space<vmem>>
    %dma_start3A_470 = arith.constant 0 : i32
    %dma_start3A_471 = arith.constant 0 : i32
    %dma_start3A_472 = tpu.memref_slice %arg2[%dma_start3A_470, %dma_start3A_471] : memref<8192x256xf32, #tpu.memory_space<hbm>> -> memref<8192x256xf32, #tpu.memory_space<hbm>>
    %dma_start3A_473 = tpu.memref_slice %arg7[%dma_start3A_463] : memref<7x!tpu.dma_semaphore, #tpu.memory_space<semaphore_mem>> -> memref<1x!tpu.dma_semaphore, #tpu.memory_space<semaphore_mem>>
    %dma_start3A_474 = tpu.memref_squeeze %dma_start3A_473 : memref<1x!tpu.dma_semaphore, #tpu.memory_space<semaphore_mem>> -> memref<!tpu.dma_semaphore, #tpu.memory_space<semaphore_mem>>
    tpu.enqueue_indirect_dma source(%dma_start3A_472 : memref<8192x256xf32, #tpu.memory_space<hbm>>) target(%dma_start3A_467 : memref<64x256xf32, #tpu.memory_space<vmem>>) offsets(%dma_start3A_469 : memref<64xi32, #tpu.memory_space<vmem>>) semaphore(%dma_start3A_474 : memref<!tpu.dma_semaphore, #tpu.memory_space<semaphore_mem>>)
    %dma_wait3A_475 = arith.constant 6 : i32
    %dma_wait3A_476 = arith.constant 6 : i32
    %dma_wait3A_477 = arith.constant 0 : i32
    %dma_wait3A_478 = arith.constant 0 : i32
    %dma_wait3A_479 = tpu.memref_slice %arg6[%dma_wait3A_475, %dma_wait3A_477, %dma_wait3A_478] : memref<7x64x256xf32, #tpu.memory_space<vmem>> -> memref<1x64x256xf32, #tpu.memory_space<vmem>>
    %dma_wait3A_480 = tpu.memref_squeeze %dma_wait3A_479 : memref<1x64x256xf32, #tpu.memory_space<vmem>> -> memref<64x256xf32, #tpu.memory_space<vmem>>
    %dma_wait3A_481 = arith.constant 384 : i32
    %dma_wait3A_482 = tpu.memref_slice %arg5[%dma_wait3A_481] : memref<1024xi32, #tpu.memory_space<vmem>> -> memref<64xi32, #tpu.memory_space<vmem>>
    %dma_wait3A_483 = arith.constant 0 : i32
    %dma_wait3A_484 = arith.constant 0 : i32
    %dma_wait3A_485 = tpu.memref_slice %arg2[%dma_wait3A_483, %dma_wait3A_484] : memref<8192x256xf32, #tpu.memory_space<hbm>> -> memref<8192x256xf32, #tpu.memory_space<hbm>>
    %dma_wait3A_486 = tpu.memref_slice %arg7[%dma_wait3A_476] : memref<7x!tpu.dma_semaphore, #tpu.memory_space<semaphore_mem>> -> memref<1x!tpu.dma_semaphore, #tpu.memory_space<semaphore_mem>>
    %dma_wait3A_487 = tpu.memref_squeeze %dma_wait3A_486 : memref<1x!tpu.dma_semaphore, #tpu.memory_space<semaphore_mem>> -> memref<!tpu.dma_semaphore, #tpu.memory_space<semaphore_mem>>
    tpu.wait_indirect_dma semaphore(%dma_wait3A_487 : memref<!tpu.dma_semaphore, #tpu.memory_space<semaphore_mem>>) src(%dma_wait3A_485 : memref<8192x256xf32, #tpu.memory_space<hbm>>) dst(%dma_wait3A_480 : memref<64x256xf32, #tpu.memory_space<vmem>>)
    %add3A_488 = arith.constant 384 : i32
    %add3A_489 = arith.addi %mul3A_32, %add3A_488 : i32
    %dma_start3A_490 = arith.constant 6 : i32
    %dma_start3A_491 = arith.constant 6 : i32
    %dma_start3A_492 = arith.constant 0 : i32
    %dma_start3A_493 = arith.constant 0 : i32
    %dma_start3A_494 = tpu.memref_slice %arg6[%dma_start3A_490, %dma_start3A_492, %dma_start3A_493] : memref<7x64x256xf32, #tpu.memory_space<vmem>> -> memref<1x64x256xf32, #tpu.memory_space<vmem>>
    %dma_start3A_495 = tpu.memref_squeeze %dma_start3A_494 : memref<1x64x256xf32, #tpu.memory_space<vmem>> -> memref<64x256xf32, #tpu.memory_space<vmem>>
    %dma_start3A_496 = arith.constant 0 : i32
    %dma_start3A_497 = tpu.memref_slice %arg4[%select_n3A, %add3A_489, %dma_start3A_496] : memref<4x8192x256xf32, #tpu.memory_space<hbm>> -> memref<1x64x256xf32, #tpu.memory_space<hbm>>
    %dma_start3A_498 = tpu.memref_squeeze %dma_start3A_497 : memref<1x64x256xf32, #tpu.memory_space<hbm>> -> memref<64x256xf32, #tpu.memory_space<hbm>>
    %dma_start3A_499 = tpu.memref_slice %arg8[%dma_start3A_491] : memref<7x!tpu.dma_semaphore, #tpu.memory_space<semaphore_mem>> -> memref<1x!tpu.dma_semaphore, #tpu.memory_space<semaphore_mem>>
    %dma_start3A_500 = tpu.memref_squeeze %dma_start3A_499 : memref<1x!tpu.dma_semaphore, #tpu.memory_space<semaphore_mem>> -> memref<!tpu.dma_semaphore, #tpu.memory_space<semaphore_mem>>
    %dma_start3A_501 = arith.constant 0 : i32
    %dma_start3A_502 = tpu.memref_slice %arg4[%select_n3A, %add3A_489, %dma_start3A_501] : memref<4x8192x256xf32, #tpu.memory_space<hbm>> -> memref<1x64x256xf32, #tpu.memory_space<hbm>>
    %dma_start3A_503 = tpu.memref_squeeze %dma_start3A_502 : memref<1x64x256xf32, #tpu.memory_space<hbm>> -> memref<64x256xf32, #tpu.memory_space<hbm>>
    %dma_start3A_504 = arith.constant 0 : i32
    %dma_start3A_505 = arith.constant 0 : i32
    %dma_start3A_506 = tpu.memref_slice %arg6[%dma_start3A_490, %dma_start3A_504, %dma_start3A_505] : memref<7x64x256xf32, #tpu.memory_space<vmem>> -> memref<1x64x256xf32, #tpu.memory_space<vmem>>
    %dma_start3A_507 = tpu.memref_squeeze %dma_start3A_506 : memref<1x64x256xf32, #tpu.memory_space<vmem>> -> memref<64x256xf32, #tpu.memory_space<vmem>>
    tpu.enqueue_dma source(%dma_start3A_507 : memref<64x256xf32, #tpu.memory_space<vmem>>) target(%dma_start3A_503 : memref<64x256xf32, #tpu.memory_space<hbm>>) target_semaphore(%dma_start3A_500 : memref<!tpu.dma_semaphore, #tpu.memory_space<semaphore_mem>>)
    %dma_wait3A_508 = arith.constant 5 : i32
    %dma_wait3A_509 = arith.constant 5 : i32
    %dma_wait3A_510 = arith.constant 0 : i32
    %dma_wait3A_511 = arith.constant 0 : i32
    %dma_wait3A_512 = tpu.memref_slice %arg6[%dma_wait3A_508, %dma_wait3A_510, %dma_wait3A_511] : memref<7x64x256xf32, #tpu.memory_space<vmem>> -> memref<1x64x256xf32, #tpu.memory_space<vmem>>
    %dma_wait3A_513 = tpu.memref_squeeze %dma_wait3A_512 : memref<1x64x256xf32, #tpu.memory_space<vmem>> -> memref<64x256xf32, #tpu.memory_space<vmem>>
    %dma_wait3A_514 = arith.constant 0 : i32
    %dma_wait3A_515 = tpu.memref_slice %arg4[%select_n3A, %add3A_425, %dma_wait3A_514] : memref<4x8192x256xf32, #tpu.memory_space<hbm>> -> memref<1x64x256xf32, #tpu.memory_space<hbm>>
    %dma_wait3A_516 = tpu.memref_squeeze %dma_wait3A_515 : memref<1x64x256xf32, #tpu.memory_space<hbm>> -> memref<64x256xf32, #tpu.memory_space<hbm>>
    %dma_wait3A_517 = tpu.memref_slice %arg8[%dma_wait3A_509] : memref<7x!tpu.dma_semaphore, #tpu.memory_space<semaphore_mem>> -> memref<1x!tpu.dma_semaphore, #tpu.memory_space<semaphore_mem>>
    %dma_wait3A_518 = tpu.memref_squeeze %dma_wait3A_517 : memref<1x!tpu.dma_semaphore, #tpu.memory_space<semaphore_mem>> -> memref<!tpu.dma_semaphore, #tpu.memory_space<semaphore_mem>>
    %dma_wait3A_519 = arith.constant 0 : i32
    %dma_wait3A_520 = tpu.memref_slice %arg4[%select_n3A, %add3A_425, %dma_wait3A_519] : memref<4x8192x256xf32, #tpu.memory_space<hbm>> -> memref<1x64x256xf32, #tpu.memory_space<hbm>>
    %dma_wait3A_521 = tpu.memref_squeeze %dma_wait3A_520 : memref<1x64x256xf32, #tpu.memory_space<hbm>> -> memref<64x256xf32, #tpu.memory_space<hbm>>
    %dma_wait3A_522 = arith.constant 0 : i32
    %dma_wait3A_523 = arith.constant 0 : i32
    %dma_wait3A_524 = tpu.memref_slice %arg6[%dma_wait3A_508, %dma_wait3A_522, %dma_wait3A_523] : memref<7x64x256xf32, #tpu.memory_space<vmem>> -> memref<1x64x256xf32, #tpu.memory_space<vmem>>
    %dma_wait3A_525 = tpu.memref_squeeze %dma_wait3A_524 : memref<1x64x256xf32, #tpu.memory_space<vmem>> -> memref<64x256xf32, #tpu.memory_space<vmem>>
    tpu.wait_dma2 semaphore(%dma_wait3A_518 : memref<!tpu.dma_semaphore, #tpu.memory_space<semaphore_mem>>) src(%dma_wait3A_525 : memref<64x256xf32, #tpu.memory_space<vmem>>) dst(%dma_wait3A_521 : memref<64x256xf32, #tpu.memory_space<hbm>>)
    %dma_start3A_526 = arith.constant 5 : i32
    %dma_start3A_527 = arith.constant 5 : i32
    %dma_start3A_528 = arith.constant 0 : i32
    %dma_start3A_529 = arith.constant 0 : i32
    %dma_start3A_530 = tpu.memref_slice %arg6[%dma_start3A_526, %dma_start3A_528, %dma_start3A_529] : memref<7x64x256xf32, #tpu.memory_space<vmem>> -> memref<1x64x256xf32, #tpu.memory_space<vmem>>
    %dma_start3A_531 = tpu.memref_squeeze %dma_start3A_530 : memref<1x64x256xf32, #tpu.memory_space<vmem>> -> memref<64x256xf32, #tpu.memory_space<vmem>>
    %dma_start3A_532 = arith.constant 768 : i32
    %dma_start3A_533 = tpu.memref_slice %arg5[%dma_start3A_532] : memref<1024xi32, #tpu.memory_space<vmem>> -> memref<64xi32, #tpu.memory_space<vmem>>
    %dma_start3A_534 = arith.constant 0 : i32
    %dma_start3A_535 = arith.constant 0 : i32
    %dma_start3A_536 = tpu.memref_slice %arg2[%dma_start3A_534, %dma_start3A_535] : memref<8192x256xf32, #tpu.memory_space<hbm>> -> memref<8192x256xf32, #tpu.memory_space<hbm>>
    %dma_start3A_537 = tpu.memref_slice %arg7[%dma_start3A_527] : memref<7x!tpu.dma_semaphore, #tpu.memory_space<semaphore_mem>> -> memref<1x!tpu.dma_semaphore, #tpu.memory_space<semaphore_mem>>
    %dma_start3A_538 = tpu.memref_squeeze %dma_start3A_537 : memref<1x!tpu.dma_semaphore, #tpu.memory_space<semaphore_mem>> -> memref<!tpu.dma_semaphore, #tpu.memory_space<semaphore_mem>>
    tpu.enqueue_indirect_dma source(%dma_start3A_536 : memref<8192x256xf32, #tpu.memory_space<hbm>>) target(%dma_start3A_531 : memref<64x256xf32, #tpu.memory_space<vmem>>) offsets(%dma_start3A_533 : memref<64xi32, #tpu.memory_space<vmem>>) semaphore(%dma_start3A_538 : memref<!tpu.dma_semaphore, #tpu.memory_space<semaphore_mem>>)
    %dma_wait3A_539 = arith.constant 0 : i32
    %dma_wait3A_540 = arith.constant 0 : i32
    %dma_wait3A_541 = arith.constant 0 : i32
    %dma_wait3A_542 = arith.constant 0 : i32
    %dma_wait3A_543 = tpu.memref_slice %arg6[%dma_wait3A_539, %dma_wait3A_541, %dma_wait3A_542] : memref<7x64x256xf32, #tpu.memory_space<vmem>> -> memref<1x64x256xf32, #tpu.memory_space<vmem>>
    %dma_wait3A_544 = tpu.memref_squeeze %dma_wait3A_543 : memref<1x64x256xf32, #tpu.memory_space<vmem>> -> memref<64x256xf32, #tpu.memory_space<vmem>>
    %dma_wait3A_545 = arith.constant 448 : i32
    %dma_wait3A_546 = tpu.memref_slice %arg5[%dma_wait3A_545] : memref<1024xi32, #tpu.memory_space<vmem>> -> memref<64xi32, #tpu.memory_space<vmem>>
    %dma_wait3A_547 = arith.constant 0 : i32
    %dma_wait3A_548 = arith.constant 0 : i32
    %dma_wait3A_549 = tpu.memref_slice %arg2[%dma_wait3A_547, %dma_wait3A_548] : memref<8192x256xf32, #tpu.memory_space<hbm>> -> memref<8192x256xf32, #tpu.memory_space<hbm>>
    %dma_wait3A_550 = tpu.memref_slice %arg7[%dma_wait3A_540] : memref<7x!tpu.dma_semaphore, #tpu.memory_space<semaphore_mem>> -> memref<1x!tpu.dma_semaphore, #tpu.memory_space<semaphore_mem>>
    %dma_wait3A_551 = tpu.memref_squeeze %dma_wait3A_550 : memref<1x!tpu.dma_semaphore, #tpu.memory_space<semaphore_mem>> -> memref<!tpu.dma_semaphore, #tpu.memory_space<semaphore_mem>>
    tpu.wait_indirect_dma semaphore(%dma_wait3A_551 : memref<!tpu.dma_semaphore, #tpu.memory_space<semaphore_mem>>) src(%dma_wait3A_549 : memref<8192x256xf32, #tpu.memory_space<hbm>>) dst(%dma_wait3A_544 : memref<64x256xf32, #tpu.memory_space<vmem>>)
    %add3A_552 = arith.constant 448 : i32
    %add3A_553 = arith.addi %mul3A_32, %add3A_552 : i32
    %dma_start3A_554 = arith.constant 0 : i32
    %dma_start3A_555 = arith.constant 0 : i32
    %dma_start3A_556 = arith.constant 0 : i32
    %dma_start3A_557 = arith.constant 0 : i32
    %dma_start3A_558 = tpu.memref_slice %arg6[%dma_start3A_554, %dma_start3A_556, %dma_start3A_557] : memref<7x64x256xf32, #tpu.memory_space<vmem>> -> memref<1x64x256xf32, #tpu.memory_space<vmem>>
    %dma_start3A_559 = tpu.memref_squeeze %dma_start3A_558 : memref<1x64x256xf32, #tpu.memory_space<vmem>> -> memref<64x256xf32, #tpu.memory_space<vmem>>
    %dma_start3A_560 = arith.constant 0 : i32
    %dma_start3A_561 = tpu.memref_slice %arg4[%select_n3A, %add3A_553, %dma_start3A_560] : memref<4x8192x256xf32, #tpu.memory_space<hbm>> -> memref<1x64x256xf32, #tpu.memory_space<hbm>>
    %dma_start3A_562 = tpu.memref_squeeze %dma_start3A_561 : memref<1x64x256xf32, #tpu.memory_space<hbm>> -> memref<64x256xf32, #tpu.memory_space<hbm>>
    %dma_start3A_563 = tpu.memref_slice %arg8[%dma_start3A_555] : memref<7x!tpu.dma_semaphore, #tpu.memory_space<semaphore_mem>> -> memref<1x!tpu.dma_semaphore, #tpu.memory_space<semaphore_mem>>
    %dma_start3A_564 = tpu.memref_squeeze %dma_start3A_563 : memref<1x!tpu.dma_semaphore, #tpu.memory_space<semaphore_mem>> -> memref<!tpu.dma_semaphore, #tpu.memory_space<semaphore_mem>>
    %dma_start3A_565 = arith.constant 0 : i32
    %dma_start3A_566 = tpu.memref_slice %arg4[%select_n3A, %add3A_553, %dma_start3A_565] : memref<4x8192x256xf32, #tpu.memory_space<hbm>> -> memref<1x64x256xf32, #tpu.memory_space<hbm>>
    %dma_start3A_567 = tpu.memref_squeeze %dma_start3A_566 : memref<1x64x256xf32, #tpu.memory_space<hbm>> -> memref<64x256xf32, #tpu.memory_space<hbm>>
    %dma_start3A_568 = arith.constant 0 : i32
    %dma_start3A_569 = arith.constant 0 : i32
    %dma_start3A_570 = tpu.memref_slice %arg6[%dma_start3A_554, %dma_start3A_568, %dma_start3A_569] : memref<7x64x256xf32, #tpu.memory_space<vmem>> -> memref<1x64x256xf32, #tpu.memory_space<vmem>>
    %dma_start3A_571 = tpu.memref_squeeze %dma_start3A_570 : memref<1x64x256xf32, #tpu.memory_space<vmem>> -> memref<64x256xf32, #tpu.memory_space<vmem>>
    tpu.enqueue_dma source(%dma_start3A_571 : memref<64x256xf32, #tpu.memory_space<vmem>>) target(%dma_start3A_567 : memref<64x256xf32, #tpu.memory_space<hbm>>) target_semaphore(%dma_start3A_564 : memref<!tpu.dma_semaphore, #tpu.memory_space<semaphore_mem>>)
    %dma_wait3A_572 = arith.constant 6 : i32
    %dma_wait3A_573 = arith.constant 6 : i32
    %dma_wait3A_574 = arith.constant 0 : i32
    %dma_wait3A_575 = arith.constant 0 : i32
    %dma_wait3A_576 = tpu.memref_slice %arg6[%dma_wait3A_572, %dma_wait3A_574, %dma_wait3A_575] : memref<7x64x256xf32, #tpu.memory_space<vmem>> -> memref<1x64x256xf32, #tpu.memory_space<vmem>>
    %dma_wait3A_577 = tpu.memref_squeeze %dma_wait3A_576 : memref<1x64x256xf32, #tpu.memory_space<vmem>> -> memref<64x256xf32, #tpu.memory_space<vmem>>
    %dma_wait3A_578 = arith.constant 0 : i32
    %dma_wait3A_579 = tpu.memref_slice %arg4[%select_n3A, %add3A_489, %dma_wait3A_578] : memref<4x8192x256xf32, #tpu.memory_space<hbm>> -> memref<1x64x256xf32, #tpu.memory_space<hbm>>
    %dma_wait3A_580 = tpu.memref_squeeze %dma_wait3A_579 : memref<1x64x256xf32, #tpu.memory_space<hbm>> -> memref<64x256xf32, #tpu.memory_space<hbm>>
    %dma_wait3A_581 = tpu.memref_slice %arg8[%dma_wait3A_573] : memref<7x!tpu.dma_semaphore, #tpu.memory_space<semaphore_mem>> -> memref<1x!tpu.dma_semaphore, #tpu.memory_space<semaphore_mem>>
    %dma_wait3A_582 = tpu.memref_squeeze %dma_wait3A_581 : memref<1x!tpu.dma_semaphore, #tpu.memory_space<semaphore_mem>> -> memref<!tpu.dma_semaphore, #tpu.memory_space<semaphore_mem>>
    %dma_wait3A_583 = arith.constant 0 : i32
    %dma_wait3A_584 = tpu.memref_slice %arg4[%select_n3A, %add3A_489, %dma_wait3A_583] : memref<4x8192x256xf32, #tpu.memory_space<hbm>> -> memref<1x64x256xf32, #tpu.memory_space<hbm>>
    %dma_wait3A_585 = tpu.memref_squeeze %dma_wait3A_584 : memref<1x64x256xf32, #tpu.memory_space<hbm>> -> memref<64x256xf32, #tpu.memory_space<hbm>>
    %dma_wait3A_586 = arith.constant 0 : i32
    %dma_wait3A_587 = arith.constant 0 : i32
    %dma_wait3A_588 = tpu.memref_slice %arg6[%dma_wait3A_572, %dma_wait3A_586, %dma_wait3A_587] : memref<7x64x256xf32, #tpu.memory_space<vmem>> -> memref<1x64x256xf32, #tpu.memory_space<vmem>>
    %dma_wait3A_589 = tpu.memref_squeeze %dma_wait3A_588 : memref<1x64x256xf32, #tpu.memory_space<vmem>> -> memref<64x256xf32, #tpu.memory_space<vmem>>
    tpu.wait_dma2 semaphore(%dma_wait3A_582 : memref<!tpu.dma_semaphore, #tpu.memory_space<semaphore_mem>>) src(%dma_wait3A_589 : memref<64x256xf32, #tpu.memory_space<vmem>>) dst(%dma_wait3A_585 : memref<64x256xf32, #tpu.memory_space<hbm>>)
    %dma_start3A_590 = arith.constant 6 : i32
    %dma_start3A_591 = arith.constant 6 : i32
    %dma_start3A_592 = arith.constant 0 : i32
    %dma_start3A_593 = arith.constant 0 : i32
    %dma_start3A_594 = tpu.memref_slice %arg6[%dma_start3A_590, %dma_start3A_592, %dma_start3A_593] : memref<7x64x256xf32, #tpu.memory_space<vmem>> -> memref<1x64x256xf32, #tpu.memory_space<vmem>>
    %dma_start3A_595 = tpu.memref_squeeze %dma_start3A_594 : memref<1x64x256xf32, #tpu.memory_space<vmem>> -> memref<64x256xf32, #tpu.memory_space<vmem>>
    %dma_start3A_596 = arith.constant 832 : i32
    %dma_start3A_597 = tpu.memref_slice %arg5[%dma_start3A_596] : memref<1024xi32, #tpu.memory_space<vmem>> -> memref<64xi32, #tpu.memory_space<vmem>>
    %dma_start3A_598 = arith.constant 0 : i32
    %dma_start3A_599 = arith.constant 0 : i32
    %dma_start3A_600 = tpu.memref_slice %arg2[%dma_start3A_598, %dma_start3A_599] : memref<8192x256xf32, #tpu.memory_space<hbm>> -> memref<8192x256xf32, #tpu.memory_space<hbm>>
    %dma_start3A_601 = tpu.memref_slice %arg7[%dma_start3A_591] : memref<7x!tpu.dma_semaphore, #tpu.memory_space<semaphore_mem>> -> memref<1x!tpu.dma_semaphore, #tpu.memory_space<semaphore_mem>>
    %dma_start3A_602 = tpu.memref_squeeze %dma_start3A_601 : memref<1x!tpu.dma_semaphore, #tpu.memory_space<semaphore_mem>> -> memref<!tpu.dma_semaphore, #tpu.memory_space<semaphore_mem>>
    tpu.enqueue_indirect_dma source(%dma_start3A_600 : memref<8192x256xf32, #tpu.memory_space<hbm>>) target(%dma_start3A_595 : memref<64x256xf32, #tpu.memory_space<vmem>>) offsets(%dma_start3A_597 : memref<64xi32, #tpu.memory_space<vmem>>) semaphore(%dma_start3A_602 : memref<!tpu.dma_semaphore, #tpu.memory_space<semaphore_mem>>)
    %dma_wait3A_603 = arith.constant 1 : i32
    %dma_wait3A_604 = arith.constant 1 : i32
    %dma_wait3A_605 = arith.constant 0 : i32
    %dma_wait3A_606 = arith.constant 0 : i32
    %dma_wait3A_607 = tpu.memref_slice %arg6[%dma_wait3A_603, %dma_wait3A_605, %dma_wait3A_606] : memref<7x64x256xf32, #tpu.memory_space<vmem>> -> memref<1x64x256xf32, #tpu.memory_space<vmem>>
    %dma_wait3A_608 = tpu.memref_squeeze %dma_wait3A_607 : memref<1x64x256xf32, #tpu.memory_space<vmem>> -> memref<64x256xf32, #tpu.memory_space<vmem>>
    %dma_wait3A_609 = arith.constant 512 : i32
    %dma_wait3A_610 = tpu.memref_slice %arg5[%dma_wait3A_609] : memref<1024xi32, #tpu.memory_space<vmem>> -> memref<64xi32, #tpu.memory_space<vmem>>
    %dma_wait3A_611 = arith.constant 0 : i32
    %dma_wait3A_612 = arith.constant 0 : i32
    %dma_wait3A_613 = tpu.memref_slice %arg2[%dma_wait3A_611, %dma_wait3A_612] : memref<8192x256xf32, #tpu.memory_space<hbm>> -> memref<8192x256xf32, #tpu.memory_space<hbm>>
    %dma_wait3A_614 = tpu.memref_slice %arg7[%dma_wait3A_604] : memref<7x!tpu.dma_semaphore, #tpu.memory_space<semaphore_mem>> -> memref<1x!tpu.dma_semaphore, #tpu.memory_space<semaphore_mem>>
    %dma_wait3A_615 = tpu.memref_squeeze %dma_wait3A_614 : memref<1x!tpu.dma_semaphore, #tpu.memory_space<semaphore_mem>> -> memref<!tpu.dma_semaphore, #tpu.memory_space<semaphore_mem>>
    tpu.wait_indirect_dma semaphore(%dma_wait3A_615 : memref<!tpu.dma_semaphore, #tpu.memory_space<semaphore_mem>>) src(%dma_wait3A_613 : memref<8192x256xf32, #tpu.memory_space<hbm>>) dst(%dma_wait3A_608 : memref<64x256xf32, #tpu.memory_space<vmem>>)
    %add3A_616 = arith.constant 512 : i32
    %add3A_617 = arith.addi %mul3A_32, %add3A_616 : i32
    %dma_start3A_618 = arith.constant 1 : i32
    %dma_start3A_619 = arith.constant 1 : i32
    %dma_start3A_620 = arith.constant 0 : i32
    %dma_start3A_621 = arith.constant 0 : i32
    %dma_start3A_622 = tpu.memref_slice %arg6[%dma_start3A_618, %dma_start3A_620, %dma_start3A_621] : memref<7x64x256xf32, #tpu.memory_space<vmem>> -> memref<1x64x256xf32, #tpu.memory_space<vmem>>
    %dma_start3A_623 = tpu.memref_squeeze %dma_start3A_622 : memref<1x64x256xf32, #tpu.memory_space<vmem>> -> memref<64x256xf32, #tpu.memory_space<vmem>>
    %dma_start3A_624 = arith.constant 0 : i32
    %dma_start3A_625 = tpu.memref_slice %arg4[%select_n3A, %add3A_617, %dma_start3A_624] : memref<4x8192x256xf32, #tpu.memory_space<hbm>> -> memref<1x64x256xf32, #tpu.memory_space<hbm>>
    %dma_start3A_626 = tpu.memref_squeeze %dma_start3A_625 : memref<1x64x256xf32, #tpu.memory_space<hbm>> -> memref<64x256xf32, #tpu.memory_space<hbm>>
    %dma_start3A_627 = tpu.memref_slice %arg8[%dma_start3A_619] : memref<7x!tpu.dma_semaphore, #tpu.memory_space<semaphore_mem>> -> memref<1x!tpu.dma_semaphore, #tpu.memory_space<semaphore_mem>>
    %dma_start3A_628 = tpu.memref_squeeze %dma_start3A_627 : memref<1x!tpu.dma_semaphore, #tpu.memory_space<semaphore_mem>> -> memref<!tpu.dma_semaphore, #tpu.memory_space<semaphore_mem>>
    %dma_start3A_629 = arith.constant 0 : i32
    %dma_start3A_630 = tpu.memref_slice %arg4[%select_n3A, %add3A_617, %dma_start3A_629] : memref<4x8192x256xf32, #tpu.memory_space<hbm>> -> memref<1x64x256xf32, #tpu.memory_space<hbm>>
    %dma_start3A_631 = tpu.memref_squeeze %dma_start3A_630 : memref<1x64x256xf32, #tpu.memory_space<hbm>> -> memref<64x256xf32, #tpu.memory_space<hbm>>
    %dma_start3A_632 = arith.constant 0 : i32
    %dma_start3A_633 = arith.constant 0 : i32
    %dma_start3A_634 = tpu.memref_slice %arg6[%dma_start3A_618, %dma_start3A_632, %dma_start3A_633] : memref<7x64x256xf32, #tpu.memory_space<vmem>> -> memref<1x64x256xf32, #tpu.memory_space<vmem>>
    %dma_start3A_635 = tpu.memref_squeeze %dma_start3A_634 : memref<1x64x256xf32, #tpu.memory_space<vmem>> -> memref<64x256xf32, #tpu.memory_space<vmem>>
    tpu.enqueue_dma source(%dma_start3A_635 : memref<64x256xf32, #tpu.memory_space<vmem>>) target(%dma_start3A_631 : memref<64x256xf32, #tpu.memory_space<hbm>>) target_semaphore(%dma_start3A_628 : memref<!tpu.dma_semaphore, #tpu.memory_space<semaphore_mem>>)
    %dma_wait3A_636 = arith.constant 0 : i32
    %dma_wait3A_637 = arith.constant 0 : i32
    %dma_wait3A_638 = arith.constant 0 : i32
    %dma_wait3A_639 = arith.constant 0 : i32
    %dma_wait3A_640 = tpu.memref_slice %arg6[%dma_wait3A_636, %dma_wait3A_638, %dma_wait3A_639] : memref<7x64x256xf32, #tpu.memory_space<vmem>> -> memref<1x64x256xf32, #tpu.memory_space<vmem>>
    %dma_wait3A_641 = tpu.memref_squeeze %dma_wait3A_640 : memref<1x64x256xf32, #tpu.memory_space<vmem>> -> memref<64x256xf32, #tpu.memory_space<vmem>>
    %dma_wait3A_642 = arith.constant 0 : i32
    %dma_wait3A_643 = tpu.memref_slice %arg4[%select_n3A, %add3A_553, %dma_wait3A_642] : memref<4x8192x256xf32, #tpu.memory_space<hbm>> -> memref<1x64x256xf32, #tpu.memory_space<hbm>>
    %dma_wait3A_644 = tpu.memref_squeeze %dma_wait3A_643 : memref<1x64x256xf32, #tpu.memory_space<hbm>> -> memref<64x256xf32, #tpu.memory_space<hbm>>
    %dma_wait3A_645 = tpu.memref_slice %arg8[%dma_wait3A_637] : memref<7x!tpu.dma_semaphore, #tpu.memory_space<semaphore_mem>> -> memref<1x!tpu.dma_semaphore, #tpu.memory_space<semaphore_mem>>
    %dma_wait3A_646 = tpu.memref_squeeze %dma_wait3A_645 : memref<1x!tpu.dma_semaphore, #tpu.memory_space<semaphore_mem>> -> memref<!tpu.dma_semaphore, #tpu.memory_space<semaphore_mem>>
    %dma_wait3A_647 = arith.constant 0 : i32
    %dma_wait3A_648 = tpu.memref_slice %arg4[%select_n3A, %add3A_553, %dma_wait3A_647] : memref<4x8192x256xf32, #tpu.memory_space<hbm>> -> memref<1x64x256xf32, #tpu.memory_space<hbm>>
    %dma_wait3A_649 = tpu.memref_squeeze %dma_wait3A_648 : memref<1x64x256xf32, #tpu.memory_space<hbm>> -> memref<64x256xf32, #tpu.memory_space<hbm>>
    %dma_wait3A_650 = arith.constant 0 : i32
    %dma_wait3A_651 = arith.constant 0 : i32
    %dma_wait3A_652 = tpu.memref_slice %arg6[%dma_wait3A_636, %dma_wait3A_650, %dma_wait3A_651] : memref<7x64x256xf32, #tpu.memory_space<vmem>> -> memref<1x64x256xf32, #tpu.memory_space<vmem>>
    %dma_wait3A_653 = tpu.memref_squeeze %dma_wait3A_652 : memref<1x64x256xf32, #tpu.memory_space<vmem>> -> memref<64x256xf32, #tpu.memory_space<vmem>>
    tpu.wait_dma2 semaphore(%dma_wait3A_646 : memref<!tpu.dma_semaphore, #tpu.memory_space<semaphore_mem>>) src(%dma_wait3A_653 : memref<64x256xf32, #tpu.memory_space<vmem>>) dst(%dma_wait3A_649 : memref<64x256xf32, #tpu.memory_space<hbm>>)
    %dma_start3A_654 = arith.constant 0 : i32
    %dma_start3A_655 = arith.constant 0 : i32
    %dma_start3A_656 = arith.constant 0 : i32
    %dma_start3A_657 = arith.constant 0 : i32
    %dma_start3A_658 = tpu.memref_slice %arg6[%dma_start3A_654, %dma_start3A_656, %dma_start3A_657] : memref<7x64x256xf32, #tpu.memory_space<vmem>> -> memref<1x64x256xf32, #tpu.memory_space<vmem>>
    %dma_start3A_659 = tpu.memref_squeeze %dma_start3A_658 : memref<1x64x256xf32, #tpu.memory_space<vmem>> -> memref<64x256xf32, #tpu.memory_space<vmem>>
    %dma_start3A_660 = arith.constant 896 : i32
    %dma_start3A_661 = tpu.memref_slice %arg5[%dma_start3A_660] : memref<1024xi32, #tpu.memory_space<vmem>> -> memref<64xi32, #tpu.memory_space<vmem>>
    %dma_start3A_662 = arith.constant 0 : i32
    %dma_start3A_663 = arith.constant 0 : i32
    %dma_start3A_664 = tpu.memref_slice %arg2[%dma_start3A_662, %dma_start3A_663] : memref<8192x256xf32, #tpu.memory_space<hbm>> -> memref<8192x256xf32, #tpu.memory_space<hbm>>
    %dma_start3A_665 = tpu.memref_slice %arg7[%dma_start3A_655] : memref<7x!tpu.dma_semaphore, #tpu.memory_space<semaphore_mem>> -> memref<1x!tpu.dma_semaphore, #tpu.memory_space<semaphore_mem>>
    %dma_start3A_666 = tpu.memref_squeeze %dma_start3A_665 : memref<1x!tpu.dma_semaphore, #tpu.memory_space<semaphore_mem>> -> memref<!tpu.dma_semaphore, #tpu.memory_space<semaphore_mem>>
    tpu.enqueue_indirect_dma source(%dma_start3A_664 : memref<8192x256xf32, #tpu.memory_space<hbm>>) target(%dma_start3A_659 : memref<64x256xf32, #tpu.memory_space<vmem>>) offsets(%dma_start3A_661 : memref<64xi32, #tpu.memory_space<vmem>>) semaphore(%dma_start3A_666 : memref<!tpu.dma_semaphore, #tpu.memory_space<semaphore_mem>>)
    %dma_wait3A_667 = arith.constant 2 : i32
    %dma_wait3A_668 = arith.constant 2 : i32
    %dma_wait3A_669 = arith.constant 0 : i32
    %dma_wait3A_670 = arith.constant 0 : i32
    %dma_wait3A_671 = tpu.memref_slice %arg6[%dma_wait3A_667, %dma_wait3A_669, %dma_wait3A_670] : memref<7x64x256xf32, #tpu.memory_space<vmem>> -> memref<1x64x256xf32, #tpu.memory_space<vmem>>
    %dma_wait3A_672 = tpu.memref_squeeze %dma_wait3A_671 : memref<1x64x256xf32, #tpu.memory_space<vmem>> -> memref<64x256xf32, #tpu.memory_space<vmem>>
    %dma_wait3A_673 = arith.constant 576 : i32
    %dma_wait3A_674 = tpu.memref_slice %arg5[%dma_wait3A_673] : memref<1024xi32, #tpu.memory_space<vmem>> -> memref<64xi32, #tpu.memory_space<vmem>>
    %dma_wait3A_675 = arith.constant 0 : i32
    %dma_wait3A_676 = arith.constant 0 : i32
    %dma_wait3A_677 = tpu.memref_slice %arg2[%dma_wait3A_675, %dma_wait3A_676] : memref<8192x256xf32, #tpu.memory_space<hbm>> -> memref<8192x256xf32, #tpu.memory_space<hbm>>
    %dma_wait3A_678 = tpu.memref_slice %arg7[%dma_wait3A_668] : memref<7x!tpu.dma_semaphore, #tpu.memory_space<semaphore_mem>> -> memref<1x!tpu.dma_semaphore, #tpu.memory_space<semaphore_mem>>
    %dma_wait3A_679 = tpu.memref_squeeze %dma_wait3A_678 : memref<1x!tpu.dma_semaphore, #tpu.memory_space<semaphore_mem>> -> memref<!tpu.dma_semaphore, #tpu.memory_space<semaphore_mem>>
    tpu.wait_indirect_dma semaphore(%dma_wait3A_679 : memref<!tpu.dma_semaphore, #tpu.memory_space<semaphore_mem>>) src(%dma_wait3A_677 : memref<8192x256xf32, #tpu.memory_space<hbm>>) dst(%dma_wait3A_672 : memref<64x256xf32, #tpu.memory_space<vmem>>)
    %add3A_680 = arith.constant 576 : i32
    %add3A_681 = arith.addi %mul3A_32, %add3A_680 : i32
    %dma_start3A_682 = arith.constant 2 : i32
    %dma_start3A_683 = arith.constant 2 : i32
    %dma_start3A_684 = arith.constant 0 : i32
    %dma_start3A_685 = arith.constant 0 : i32
    %dma_start3A_686 = tpu.memref_slice %arg6[%dma_start3A_682, %dma_start3A_684, %dma_start3A_685] : memref<7x64x256xf32, #tpu.memory_space<vmem>> -> memref<1x64x256xf32, #tpu.memory_space<vmem>>
    %dma_start3A_687 = tpu.memref_squeeze %dma_start3A_686 : memref<1x64x256xf32, #tpu.memory_space<vmem>> -> memref<64x256xf32, #tpu.memory_space<vmem>>
    %dma_start3A_688 = arith.constant 0 : i32
    %dma_start3A_689 = tpu.memref_slice %arg4[%select_n3A, %add3A_681, %dma_start3A_688] : memref<4x8192x256xf32, #tpu.memory_space<hbm>> -> memref<1x64x256xf32, #tpu.memory_space<hbm>>
    %dma_start3A_690 = tpu.memref_squeeze %dma_start3A_689 : memref<1x64x256xf32, #tpu.memory_space<hbm>> -> memref<64x256xf32, #tpu.memory_space<hbm>>
    %dma_start3A_691 = tpu.memref_slice %arg8[%dma_start3A_683] : memref<7x!tpu.dma_semaphore, #tpu.memory_space<semaphore_mem>> -> memref<1x!tpu.dma_semaphore, #tpu.memory_space<semaphore_mem>>
    %dma_start3A_692 = tpu.memref_squeeze %dma_start3A_691 : memref<1x!tpu.dma_semaphore, #tpu.memory_space<semaphore_mem>> -> memref<!tpu.dma_semaphore, #tpu.memory_space<semaphore_mem>>
    %dma_start3A_693 = arith.constant 0 : i32
    %dma_start3A_694 = tpu.memref_slice %arg4[%select_n3A, %add3A_681, %dma_start3A_693] : memref<4x8192x256xf32, #tpu.memory_space<hbm>> -> memref<1x64x256xf32, #tpu.memory_space<hbm>>
    %dma_start3A_695 = tpu.memref_squeeze %dma_start3A_694 : memref<1x64x256xf32, #tpu.memory_space<hbm>> -> memref<64x256xf32, #tpu.memory_space<hbm>>
    %dma_start3A_696 = arith.constant 0 : i32
    %dma_start3A_697 = arith.constant 0 : i32
    %dma_start3A_698 = tpu.memref_slice %arg6[%dma_start3A_682, %dma_start3A_696, %dma_start3A_697] : memref<7x64x256xf32, #tpu.memory_space<vmem>> -> memref<1x64x256xf32, #tpu.memory_space<vmem>>
    %dma_start3A_699 = tpu.memref_squeeze %dma_start3A_698 : memref<1x64x256xf32, #tpu.memory_space<vmem>> -> memref<64x256xf32, #tpu.memory_space<vmem>>
    tpu.enqueue_dma source(%dma_start3A_699 : memref<64x256xf32, #tpu.memory_space<vmem>>) target(%dma_start3A_695 : memref<64x256xf32, #tpu.memory_space<hbm>>) target_semaphore(%dma_start3A_692 : memref<!tpu.dma_semaphore, #tpu.memory_space<semaphore_mem>>)
    %dma_wait3A_700 = arith.constant 1 : i32
    %dma_wait3A_701 = arith.constant 1 : i32
    %dma_wait3A_702 = arith.constant 0 : i32
    %dma_wait3A_703 = arith.constant 0 : i32
    %dma_wait3A_704 = tpu.memref_slice %arg6[%dma_wait3A_700, %dma_wait3A_702, %dma_wait3A_703] : memref<7x64x256xf32, #tpu.memory_space<vmem>> -> memref<1x64x256xf32, #tpu.memory_space<vmem>>
    %dma_wait3A_705 = tpu.memref_squeeze %dma_wait3A_704 : memref<1x64x256xf32, #tpu.memory_space<vmem>> -> memref<64x256xf32, #tpu.memory_space<vmem>>
    %dma_wait3A_706 = arith.constant 0 : i32
    %dma_wait3A_707 = tpu.memref_slice %arg4[%select_n3A, %add3A_617, %dma_wait3A_706] : memref<4x8192x256xf32, #tpu.memory_space<hbm>> -> memref<1x64x256xf32, #tpu.memory_space<hbm>>
    %dma_wait3A_708 = tpu.memref_squeeze %dma_wait3A_707 : memref<1x64x256xf32, #tpu.memory_space<hbm>> -> memref<64x256xf32, #tpu.memory_space<hbm>>
    %dma_wait3A_709 = tpu.memref_slice %arg8[%dma_wait3A_701] : memref<7x!tpu.dma_semaphore, #tpu.memory_space<semaphore_mem>> -> memref<1x!tpu.dma_semaphore, #tpu.memory_space<semaphore_mem>>
    %dma_wait3A_710 = tpu.memref_squeeze %dma_wait3A_709 : memref<1x!tpu.dma_semaphore, #tpu.memory_space<semaphore_mem>> -> memref<!tpu.dma_semaphore, #tpu.memory_space<semaphore_mem>>
    %dma_wait3A_711 = arith.constant 0 : i32
    %dma_wait3A_712 = tpu.memref_slice %arg4[%select_n3A, %add3A_617, %dma_wait3A_711] : memref<4x8192x256xf32, #tpu.memory_space<hbm>> -> memref<1x64x256xf32, #tpu.memory_space<hbm>>
    %dma_wait3A_713 = tpu.memref_squeeze %dma_wait3A_712 : memref<1x64x256xf32, #tpu.memory_space<hbm>> -> memref<64x256xf32, #tpu.memory_space<hbm>>
    %dma_wait3A_714 = arith.constant 0 : i32
    %dma_wait3A_715 = arith.constant 0 : i32
    %dma_wait3A_716 = tpu.memref_slice %arg6[%dma_wait3A_700, %dma_wait3A_714, %dma_wait3A_715] : memref<7x64x256xf32, #tpu.memory_space<vmem>> -> memref<1x64x256xf32, #tpu.memory_space<vmem>>
    %dma_wait3A_717 = tpu.memref_squeeze %dma_wait3A_716 : memref<1x64x256xf32, #tpu.memory_space<vmem>> -> memref<64x256xf32, #tpu.memory_space<vmem>>
    tpu.wait_dma2 semaphore(%dma_wait3A_710 : memref<!tpu.dma_semaphore, #tpu.memory_space<semaphore_mem>>) src(%dma_wait3A_717 : memref<64x256xf32, #tpu.memory_space<vmem>>) dst(%dma_wait3A_713 : memref<64x256xf32, #tpu.memory_space<hbm>>)
    %dma_start3A_718 = arith.constant 1 : i32
    %dma_start3A_719 = arith.constant 1 : i32
    %dma_start3A_720 = arith.constant 0 : i32
    %dma_start3A_721 = arith.constant 0 : i32
    %dma_start3A_722 = tpu.memref_slice %arg6[%dma_start3A_718, %dma_start3A_720, %dma_start3A_721] : memref<7x64x256xf32, #tpu.memory_space<vmem>> -> memref<1x64x256xf32, #tpu.memory_space<vmem>>
    %dma_start3A_723 = tpu.memref_squeeze %dma_start3A_722 : memref<1x64x256xf32, #tpu.memory_space<vmem>> -> memref<64x256xf32, #tpu.memory_space<vmem>>
    %dma_start3A_724 = arith.constant 960 : i32
    %dma_start3A_725 = tpu.memref_slice %arg5[%dma_start3A_724] : memref<1024xi32, #tpu.memory_space<vmem>> -> memref<64xi32, #tpu.memory_space<vmem>>
    %dma_start3A_726 = arith.constant 0 : i32
    %dma_start3A_727 = arith.constant 0 : i32
    %dma_start3A_728 = tpu.memref_slice %arg2[%dma_start3A_726, %dma_start3A_727] : memref<8192x256xf32, #tpu.memory_space<hbm>> -> memref<8192x256xf32, #tpu.memory_space<hbm>>
    %dma_start3A_729 = tpu.memref_slice %arg7[%dma_start3A_719] : memref<7x!tpu.dma_semaphore, #tpu.memory_space<semaphore_mem>> -> memref<1x!tpu.dma_semaphore, #tpu.memory_space<semaphore_mem>>
    %dma_start3A_730 = tpu.memref_squeeze %dma_start3A_729 : memref<1x!tpu.dma_semaphore, #tpu.memory_space<semaphore_mem>> -> memref<!tpu.dma_semaphore, #tpu.memory_space<semaphore_mem>>
    tpu.enqueue_indirect_dma source(%dma_start3A_728 : memref<8192x256xf32, #tpu.memory_space<hbm>>) target(%dma_start3A_723 : memref<64x256xf32, #tpu.memory_space<vmem>>) offsets(%dma_start3A_725 : memref<64xi32, #tpu.memory_space<vmem>>) semaphore(%dma_start3A_730 : memref<!tpu.dma_semaphore, #tpu.memory_space<semaphore_mem>>)
    %dma_wait3A_731 = arith.constant 3 : i32
    %dma_wait3A_732 = arith.constant 3 : i32
    %dma_wait3A_733 = arith.constant 0 : i32
    %dma_wait3A_734 = arith.constant 0 : i32
    %dma_wait3A_735 = tpu.memref_slice %arg6[%dma_wait3A_731, %dma_wait3A_733, %dma_wait3A_734] : memref<7x64x256xf32, #tpu.memory_space<vmem>> -> memref<1x64x256xf32, #tpu.memory_space<vmem>>
    %dma_wait3A_736 = tpu.memref_squeeze %dma_wait3A_735 : memref<1x64x256xf32, #tpu.memory_space<vmem>> -> memref<64x256xf32, #tpu.memory_space<vmem>>
    %dma_wait3A_737 = arith.constant 640 : i32
    %dma_wait3A_738 = tpu.memref_slice %arg5[%dma_wait3A_737] : memref<1024xi32, #tpu.memory_space<vmem>> -> memref<64xi32, #tpu.memory_space<vmem>>
    %dma_wait3A_739 = arith.constant 0 : i32
    %dma_wait3A_740 = arith.constant 0 : i32
    %dma_wait3A_741 = tpu.memref_slice %arg2[%dma_wait3A_739, %dma_wait3A_740] : memref<8192x256xf32, #tpu.memory_space<hbm>> -> memref<8192x256xf32, #tpu.memory_space<hbm>>
    %dma_wait3A_742 = tpu.memref_slice %arg7[%dma_wait3A_732] : memref<7x!tpu.dma_semaphore, #tpu.memory_space<semaphore_mem>> -> memref<1x!tpu.dma_semaphore, #tpu.memory_space<semaphore_mem>>
    %dma_wait3A_743 = tpu.memref_squeeze %dma_wait3A_742 : memref<1x!tpu.dma_semaphore, #tpu.memory_space<semaphore_mem>> -> memref<!tpu.dma_semaphore, #tpu.memory_space<semaphore_mem>>
    tpu.wait_indirect_dma semaphore(%dma_wait3A_743 : memref<!tpu.dma_semaphore, #tpu.memory_space<semaphore_mem>>) src(%dma_wait3A_741 : memref<8192x256xf32, #tpu.memory_space<hbm>>) dst(%dma_wait3A_736 : memref<64x256xf32, #tpu.memory_space<vmem>>)
    %add3A_744 = arith.constant 640 : i32
    %add3A_745 = arith.addi %mul3A_32, %add3A_744 : i32
    %dma_start3A_746 = arith.constant 3 : i32
    %dma_start3A_747 = arith.constant 3 : i32
    %dma_start3A_748 = arith.constant 0 : i32
    %dma_start3A_749 = arith.constant 0 : i32
    %dma_start3A_750 = tpu.memref_slice %arg6[%dma_start3A_746, %dma_start3A_748, %dma_start3A_749] : memref<7x64x256xf32, #tpu.memory_space<vmem>> -> memref<1x64x256xf32, #tpu.memory_space<vmem>>
    %dma_start3A_751 = tpu.memref_squeeze %dma_start3A_750 : memref<1x64x256xf32, #tpu.memory_space<vmem>> -> memref<64x256xf32, #tpu.memory_space<vmem>>
    %dma_start3A_752 = arith.constant 0 : i32
    %dma_start3A_753 = tpu.memref_slice %arg4[%select_n3A, %add3A_745, %dma_start3A_752] : memref<4x8192x256xf32, #tpu.memory_space<hbm>> -> memref<1x64x256xf32, #tpu.memory_space<hbm>>
    %dma_start3A_754 = tpu.memref_squeeze %dma_start3A_753 : memref<1x64x256xf32, #tpu.memory_space<hbm>> -> memref<64x256xf32, #tpu.memory_space<hbm>>
    %dma_start3A_755 = tpu.memref_slice %arg8[%dma_start3A_747] : memref<7x!tpu.dma_semaphore, #tpu.memory_space<semaphore_mem>> -> memref<1x!tpu.dma_semaphore, #tpu.memory_space<semaphore_mem>>
    %dma_start3A_756 = tpu.memref_squeeze %dma_start3A_755 : memref<1x!tpu.dma_semaphore, #tpu.memory_space<semaphore_mem>> -> memref<!tpu.dma_semaphore, #tpu.memory_space<semaphore_mem>>
    %dma_start3A_757 = arith.constant 0 : i32
    %dma_start3A_758 = tpu.memref_slice %arg4[%select_n3A, %add3A_745, %dma_start3A_757] : memref<4x8192x256xf32, #tpu.memory_space<hbm>> -> memref<1x64x256xf32, #tpu.memory_space<hbm>>
    %dma_start3A_759 = tpu.memref_squeeze %dma_start3A_758 : memref<1x64x256xf32, #tpu.memory_space<hbm>> -> memref<64x256xf32, #tpu.memory_space<hbm>>
    %dma_start3A_760 = arith.constant 0 : i32
    %dma_start3A_761 = arith.constant 0 : i32
    %dma_start3A_762 = tpu.memref_slice %arg6[%dma_start3A_746, %dma_start3A_760, %dma_start3A_761] : memref<7x64x256xf32, #tpu.memory_space<vmem>> -> memref<1x64x256xf32, #tpu.memory_space<vmem>>
    %dma_start3A_763 = tpu.memref_squeeze %dma_start3A_762 : memref<1x64x256xf32, #tpu.memory_space<vmem>> -> memref<64x256xf32, #tpu.memory_space<vmem>>
    tpu.enqueue_dma source(%dma_start3A_763 : memref<64x256xf32, #tpu.memory_space<vmem>>) target(%dma_start3A_759 : memref<64x256xf32, #tpu.memory_space<hbm>>) target_semaphore(%dma_start3A_756 : memref<!tpu.dma_semaphore, #tpu.memory_space<semaphore_mem>>)
    %dma_wait3A_764 = arith.constant 4 : i32
    %dma_wait3A_765 = arith.constant 4 : i32
    %dma_wait3A_766 = arith.constant 0 : i32
    %dma_wait3A_767 = arith.constant 0 : i32
    %dma_wait3A_768 = tpu.memref_slice %arg6[%dma_wait3A_764, %dma_wait3A_766, %dma_wait3A_767] : memref<7x64x256xf32, #tpu.memory_space<vmem>> -> memref<1x64x256xf32, #tpu.memory_space<vmem>>
    %dma_wait3A_769 = tpu.memref_squeeze %dma_wait3A_768 : memref<1x64x256xf32, #tpu.memory_space<vmem>> -> memref<64x256xf32, #tpu.memory_space<vmem>>
    %dma_wait3A_770 = arith.constant 704 : i32
    %dma_wait3A_771 = tpu.memref_slice %arg5[%dma_wait3A_770] : memref<1024xi32, #tpu.memory_space<vmem>> -> memref<64xi32, #tpu.memory_space<vmem>>
    %dma_wait3A_772 = arith.constant 0 : i32
    %dma_wait3A_773 = arith.constant 0 : i32
    %dma_wait3A_774 = tpu.memref_slice %arg2[%dma_wait3A_772, %dma_wait3A_773] : memref<8192x256xf32, #tpu.memory_space<hbm>> -> memref<8192x256xf32, #tpu.memory_space<hbm>>
    %dma_wait3A_775 = tpu.memref_slice %arg7[%dma_wait3A_765] : memref<7x!tpu.dma_semaphore, #tpu.memory_space<semaphore_mem>> -> memref<1x!tpu.dma_semaphore, #tpu.memory_space<semaphore_mem>>
    %dma_wait3A_776 = tpu.memref_squeeze %dma_wait3A_775 : memref<1x!tpu.dma_semaphore, #tpu.memory_space<semaphore_mem>> -> memref<!tpu.dma_semaphore, #tpu.memory_space<semaphore_mem>>
    tpu.wait_indirect_dma semaphore(%dma_wait3A_776 : memref<!tpu.dma_semaphore, #tpu.memory_space<semaphore_mem>>) src(%dma_wait3A_774 : memref<8192x256xf32, #tpu.memory_space<hbm>>) dst(%dma_wait3A_769 : memref<64x256xf32, #tpu.memory_space<vmem>>)
    %add3A_777 = arith.constant 704 : i32
    %add3A_778 = arith.addi %mul3A_32, %add3A_777 : i32
    %dma_start3A_779 = arith.constant 4 : i32
    %dma_start3A_780 = arith.constant 4 : i32
    %dma_start3A_781 = arith.constant 0 : i32
    %dma_start3A_782 = arith.constant 0 : i32
    %dma_start3A_783 = tpu.memref_slice %arg6[%dma_start3A_779, %dma_start3A_781, %dma_start3A_782] : memref<7x64x256xf32, #tpu.memory_space<vmem>> -> memref<1x64x256xf32, #tpu.memory_space<vmem>>
    %dma_start3A_784 = tpu.memref_squeeze %dma_start3A_783 : memref<1x64x256xf32, #tpu.memory_space<vmem>> -> memref<64x256xf32, #tpu.memory_space<vmem>>
    %dma_start3A_785 = arith.constant 0 : i32
    %dma_start3A_786 = tpu.memref_slice %arg4[%select_n3A, %add3A_778, %dma_start3A_785] : memref<4x8192x256xf32, #tpu.memory_space<hbm>> -> memref<1x64x256xf32, #tpu.memory_space<hbm>>
    %dma_start3A_787 = tpu.memref_squeeze %dma_start3A_786 : memref<1x64x256xf32, #tpu.memory_space<hbm>> -> memref<64x256xf32, #tpu.memory_space<hbm>>
    %dma_start3A_788 = tpu.memref_slice %arg8[%dma_start3A_780] : memref<7x!tpu.dma_semaphore, #tpu.memory_space<semaphore_mem>> -> memref<1x!tpu.dma_semaphore, #tpu.memory_space<semaphore_mem>>
    %dma_start3A_789 = tpu.memref_squeeze %dma_start3A_788 : memref<1x!tpu.dma_semaphore, #tpu.memory_space<semaphore_mem>> -> memref<!tpu.dma_semaphore, #tpu.memory_space<semaphore_mem>>
    %dma_start3A_790 = arith.constant 0 : i32
    %dma_start3A_791 = tpu.memref_slice %arg4[%select_n3A, %add3A_778, %dma_start3A_790] : memref<4x8192x256xf32, #tpu.memory_space<hbm>> -> memref<1x64x256xf32, #tpu.memory_space<hbm>>
    %dma_start3A_792 = tpu.memref_squeeze %dma_start3A_791 : memref<1x64x256xf32, #tpu.memory_space<hbm>> -> memref<64x256xf32, #tpu.memory_space<hbm>>
    %dma_start3A_793 = arith.constant 0 : i32
    %dma_start3A_794 = arith.constant 0 : i32
    %dma_start3A_795 = tpu.memref_slice %arg6[%dma_start3A_779, %dma_start3A_793, %dma_start3A_794] : memref<7x64x256xf32, #tpu.memory_space<vmem>> -> memref<1x64x256xf32, #tpu.memory_space<vmem>>
    %dma_start3A_796 = tpu.memref_squeeze %dma_start3A_795 : memref<1x64x256xf32, #tpu.memory_space<vmem>> -> memref<64x256xf32, #tpu.memory_space<vmem>>
    tpu.enqueue_dma source(%dma_start3A_796 : memref<64x256xf32, #tpu.memory_space<vmem>>) target(%dma_start3A_792 : memref<64x256xf32, #tpu.memory_space<hbm>>) target_semaphore(%dma_start3A_789 : memref<!tpu.dma_semaphore, #tpu.memory_space<semaphore_mem>>)
    %dma_wait3A_797 = arith.constant 5 : i32
    %dma_wait3A_798 = arith.constant 5 : i32
    %dma_wait3A_799 = arith.constant 0 : i32
    %dma_wait3A_800 = arith.constant 0 : i32
    %dma_wait3A_801 = tpu.memref_slice %arg6[%dma_wait3A_797, %dma_wait3A_799, %dma_wait3A_800] : memref<7x64x256xf32, #tpu.memory_space<vmem>> -> memref<1x64x256xf32, #tpu.memory_space<vmem>>
    %dma_wait3A_802 = tpu.memref_squeeze %dma_wait3A_801 : memref<1x64x256xf32, #tpu.memory_space<vmem>> -> memref<64x256xf32, #tpu.memory_space<vmem>>
    %dma_wait3A_803 = arith.constant 768 : i32
    %dma_wait3A_804 = tpu.memref_slice %arg5[%dma_wait3A_803] : memref<1024xi32, #tpu.memory_space<vmem>> -> memref<64xi32, #tpu.memory_space<vmem>>
    %dma_wait3A_805 = arith.constant 0 : i32
    %dma_wait3A_806 = arith.constant 0 : i32
    %dma_wait3A_807 = tpu.memref_slice %arg2[%dma_wait3A_805, %dma_wait3A_806] : memref<8192x256xf32, #tpu.memory_space<hbm>> -> memref<8192x256xf32, #tpu.memory_space<hbm>>
    %dma_wait3A_808 = tpu.memref_slice %arg7[%dma_wait3A_798] : memref<7x!tpu.dma_semaphore, #tpu.memory_space<semaphore_mem>> -> memref<1x!tpu.dma_semaphore, #tpu.memory_space<semaphore_mem>>
    %dma_wait3A_809 = tpu.memref_squeeze %dma_wait3A_808 : memref<1x!tpu.dma_semaphore, #tpu.memory_space<semaphore_mem>> -> memref<!tpu.dma_semaphore, #tpu.memory_space<semaphore_mem>>
    tpu.wait_indirect_dma semaphore(%dma_wait3A_809 : memref<!tpu.dma_semaphore, #tpu.memory_space<semaphore_mem>>) src(%dma_wait3A_807 : memref<8192x256xf32, #tpu.memory_space<hbm>>) dst(%dma_wait3A_802 : memref<64x256xf32, #tpu.memory_space<vmem>>)
    %add3A_810 = arith.constant 768 : i32
    %add3A_811 = arith.addi %mul3A_32, %add3A_810 : i32
    %dma_start3A_812 = arith.constant 5 : i32
    %dma_start3A_813 = arith.constant 5 : i32
    %dma_start3A_814 = arith.constant 0 : i32
    %dma_start3A_815 = arith.constant 0 : i32
    %dma_start3A_816 = tpu.memref_slice %arg6[%dma_start3A_812, %dma_start3A_814, %dma_start3A_815] : memref<7x64x256xf32, #tpu.memory_space<vmem>> -> memref<1x64x256xf32, #tpu.memory_space<vmem>>
    %dma_start3A_817 = tpu.memref_squeeze %dma_start3A_816 : memref<1x64x256xf32, #tpu.memory_space<vmem>> -> memref<64x256xf32, #tpu.memory_space<vmem>>
    %dma_start3A_818 = arith.constant 0 : i32
    %dma_start3A_819 = tpu.memref_slice %arg4[%select_n3A, %add3A_811, %dma_start3A_818] : memref<4x8192x256xf32, #tpu.memory_space<hbm>> -> memref<1x64x256xf32, #tpu.memory_space<hbm>>
    %dma_start3A_820 = tpu.memref_squeeze %dma_start3A_819 : memref<1x64x256xf32, #tpu.memory_space<hbm>> -> memref<64x256xf32, #tpu.memory_space<hbm>>
    %dma_start3A_821 = tpu.memref_slice %arg8[%dma_start3A_813] : memref<7x!tpu.dma_semaphore, #tpu.memory_space<semaphore_mem>> -> memref<1x!tpu.dma_semaphore, #tpu.memory_space<semaphore_mem>>
    %dma_start3A_822 = tpu.memref_squeeze %dma_start3A_821 : memref<1x!tpu.dma_semaphore, #tpu.memory_space<semaphore_mem>> -> memref<!tpu.dma_semaphore, #tpu.memory_space<semaphore_mem>>
    %dma_start3A_823 = arith.constant 0 : i32
    %dma_start3A_824 = tpu.memref_slice %arg4[%select_n3A, %add3A_811, %dma_start3A_823] : memref<4x8192x256xf32, #tpu.memory_space<hbm>> -> memref<1x64x256xf32, #tpu.memory_space<hbm>>
    %dma_start3A_825 = tpu.memref_squeeze %dma_start3A_824 : memref<1x64x256xf32, #tpu.memory_space<hbm>> -> memref<64x256xf32, #tpu.memory_space<hbm>>
    %dma_start3A_826 = arith.constant 0 : i32
    %dma_start3A_827 = arith.constant 0 : i32
    %dma_start3A_828 = tpu.memref_slice %arg6[%dma_start3A_812, %dma_start3A_826, %dma_start3A_827] : memref<7x64x256xf32, #tpu.memory_space<vmem>> -> memref<1x64x256xf32, #tpu.memory_space<vmem>>
    %dma_start3A_829 = tpu.memref_squeeze %dma_start3A_828 : memref<1x64x256xf32, #tpu.memory_space<vmem>> -> memref<64x256xf32, #tpu.memory_space<vmem>>
    tpu.enqueue_dma source(%dma_start3A_829 : memref<64x256xf32, #tpu.memory_space<vmem>>) target(%dma_start3A_825 : memref<64x256xf32, #tpu.memory_space<hbm>>) target_semaphore(%dma_start3A_822 : memref<!tpu.dma_semaphore, #tpu.memory_space<semaphore_mem>>)
    %dma_wait3A_830 = arith.constant 6 : i32
    %dma_wait3A_831 = arith.constant 6 : i32
    %dma_wait3A_832 = arith.constant 0 : i32
    %dma_wait3A_833 = arith.constant 0 : i32
    %dma_wait3A_834 = tpu.memref_slice %arg6[%dma_wait3A_830, %dma_wait3A_832, %dma_wait3A_833] : memref<7x64x256xf32, #tpu.memory_space<vmem>> -> memref<1x64x256xf32, #tpu.memory_space<vmem>>
    %dma_wait3A_835 = tpu.memref_squeeze %dma_wait3A_834 : memref<1x64x256xf32, #tpu.memory_space<vmem>> -> memref<64x256xf32, #tpu.memory_space<vmem>>
    %dma_wait3A_836 = arith.constant 832 : i32
    %dma_wait3A_837 = tpu.memref_slice %arg5[%dma_wait3A_836] : memref<1024xi32, #tpu.memory_space<vmem>> -> memref<64xi32, #tpu.memory_space<vmem>>
    %dma_wait3A_838 = arith.constant 0 : i32
    %dma_wait3A_839 = arith.constant 0 : i32
    %dma_wait3A_840 = tpu.memref_slice %arg2[%dma_wait3A_838, %dma_wait3A_839] : memref<8192x256xf32, #tpu.memory_space<hbm>> -> memref<8192x256xf32, #tpu.memory_space<hbm>>
    %dma_wait3A_841 = tpu.memref_slice %arg7[%dma_wait3A_831] : memref<7x!tpu.dma_semaphore, #tpu.memory_space<semaphore_mem>> -> memref<1x!tpu.dma_semaphore, #tpu.memory_space<semaphore_mem>>
    %dma_wait3A_842 = tpu.memref_squeeze %dma_wait3A_841 : memref<1x!tpu.dma_semaphore, #tpu.memory_space<semaphore_mem>> -> memref<!tpu.dma_semaphore, #tpu.memory_space<semaphore_mem>>
    tpu.wait_indirect_dma semaphore(%dma_wait3A_842 : memref<!tpu.dma_semaphore, #tpu.memory_space<semaphore_mem>>) src(%dma_wait3A_840 : memref<8192x256xf32, #tpu.memory_space<hbm>>) dst(%dma_wait3A_835 : memref<64x256xf32, #tpu.memory_space<vmem>>)
    %add3A_843 = arith.constant 832 : i32
    %add3A_844 = arith.addi %mul3A_32, %add3A_843 : i32
    %dma_start3A_845 = arith.constant 6 : i32
    %dma_start3A_846 = arith.constant 6 : i32
    %dma_start3A_847 = arith.constant 0 : i32
    %dma_start3A_848 = arith.constant 0 : i32
    %dma_start3A_849 = tpu.memref_slice %arg6[%dma_start3A_845, %dma_start3A_847, %dma_start3A_848] : memref<7x64x256xf32, #tpu.memory_space<vmem>> -> memref<1x64x256xf32, #tpu.memory_space<vmem>>
    %dma_start3A_850 = tpu.memref_squeeze %dma_start3A_849 : memref<1x64x256xf32, #tpu.memory_space<vmem>> -> memref<64x256xf32, #tpu.memory_space<vmem>>
    %dma_start3A_851 = arith.constant 0 : i32
    %dma_start3A_852 = tpu.memref_slice %arg4[%select_n3A, %add3A_844, %dma_start3A_851] : memref<4x8192x256xf32, #tpu.memory_space<hbm>> -> memref<1x64x256xf32, #tpu.memory_space<hbm>>
    %dma_start3A_853 = tpu.memref_squeeze %dma_start3A_852 : memref<1x64x256xf32, #tpu.memory_space<hbm>> -> memref<64x256xf32, #tpu.memory_space<hbm>>
    %dma_start3A_854 = tpu.memref_slice %arg8[%dma_start3A_846] : memref<7x!tpu.dma_semaphore, #tpu.memory_space<semaphore_mem>> -> memref<1x!tpu.dma_semaphore, #tpu.memory_space<semaphore_mem>>
    %dma_start3A_855 = tpu.memref_squeeze %dma_start3A_854 : memref<1x!tpu.dma_semaphore, #tpu.memory_space<semaphore_mem>> -> memref<!tpu.dma_semaphore, #tpu.memory_space<semaphore_mem>>
    %dma_start3A_856 = arith.constant 0 : i32
    %dma_start3A_857 = tpu.memref_slice %arg4[%select_n3A, %add3A_844, %dma_start3A_856] : memref<4x8192x256xf32, #tpu.memory_space<hbm>> -> memref<1x64x256xf32, #tpu.memory_space<hbm>>
    %dma_start3A_858 = tpu.memref_squeeze %dma_start3A_857 : memref<1x64x256xf32, #tpu.memory_space<hbm>> -> memref<64x256xf32, #tpu.memory_space<hbm>>
    %dma_start3A_859 = arith.constant 0 : i32
    %dma_start3A_860 = arith.constant 0 : i32
    %dma_start3A_861 = tpu.memref_slice %arg6[%dma_start3A_845, %dma_start3A_859, %dma_start3A_860] : memref<7x64x256xf32, #tpu.memory_space<vmem>> -> memref<1x64x256xf32, #tpu.memory_space<vmem>>
    %dma_start3A_862 = tpu.memref_squeeze %dma_start3A_861 : memref<1x64x256xf32, #tpu.memory_space<vmem>> -> memref<64x256xf32, #tpu.memory_space<vmem>>
    tpu.enqueue_dma source(%dma_start3A_862 : memref<64x256xf32, #tpu.memory_space<vmem>>) target(%dma_start3A_858 : memref<64x256xf32, #tpu.memory_space<hbm>>) target_semaphore(%dma_start3A_855 : memref<!tpu.dma_semaphore, #tpu.memory_space<semaphore_mem>>)
    %dma_wait3A_863 = arith.constant 0 : i32
    %dma_wait3A_864 = arith.constant 0 : i32
    %dma_wait3A_865 = arith.constant 0 : i32
    %dma_wait3A_866 = arith.constant 0 : i32
    %dma_wait3A_867 = tpu.memref_slice %arg6[%dma_wait3A_863, %dma_wait3A_865, %dma_wait3A_866] : memref<7x64x256xf32, #tpu.memory_space<vmem>> -> memref<1x64x256xf32, #tpu.memory_space<vmem>>
    %dma_wait3A_868 = tpu.memref_squeeze %dma_wait3A_867 : memref<1x64x256xf32, #tpu.memory_space<vmem>> -> memref<64x256xf32, #tpu.memory_space<vmem>>
    %dma_wait3A_869 = arith.constant 896 : i32
    %dma_wait3A_870 = tpu.memref_slice %arg5[%dma_wait3A_869] : memref<1024xi32, #tpu.memory_space<vmem>> -> memref<64xi32, #tpu.memory_space<vmem>>
    %dma_wait3A_871 = arith.constant 0 : i32
    %dma_wait3A_872 = arith.constant 0 : i32
    %dma_wait3A_873 = tpu.memref_slice %arg2[%dma_wait3A_871, %dma_wait3A_872] : memref<8192x256xf32, #tpu.memory_space<hbm>> -> memref<8192x256xf32, #tpu.memory_space<hbm>>
    %dma_wait3A_874 = tpu.memref_slice %arg7[%dma_wait3A_864] : memref<7x!tpu.dma_semaphore, #tpu.memory_space<semaphore_mem>> -> memref<1x!tpu.dma_semaphore, #tpu.memory_space<semaphore_mem>>
    %dma_wait3A_875 = tpu.memref_squeeze %dma_wait3A_874 : memref<1x!tpu.dma_semaphore, #tpu.memory_space<semaphore_mem>> -> memref<!tpu.dma_semaphore, #tpu.memory_space<semaphore_mem>>
    tpu.wait_indirect_dma semaphore(%dma_wait3A_875 : memref<!tpu.dma_semaphore, #tpu.memory_space<semaphore_mem>>) src(%dma_wait3A_873 : memref<8192x256xf32, #tpu.memory_space<hbm>>) dst(%dma_wait3A_868 : memref<64x256xf32, #tpu.memory_space<vmem>>)
    %add3A_876 = arith.constant 896 : i32
    %add3A_877 = arith.addi %mul3A_32, %add3A_876 : i32
    %dma_start3A_878 = arith.constant 0 : i32
    %dma_start3A_879 = arith.constant 0 : i32
    %dma_start3A_880 = arith.constant 0 : i32
    %dma_start3A_881 = arith.constant 0 : i32
    %dma_start3A_882 = tpu.memref_slice %arg6[%dma_start3A_878, %dma_start3A_880, %dma_start3A_881] : memref<7x64x256xf32, #tpu.memory_space<vmem>> -> memref<1x64x256xf32, #tpu.memory_space<vmem>>
    %dma_start3A_883 = tpu.memref_squeeze %dma_start3A_882 : memref<1x64x256xf32, #tpu.memory_space<vmem>> -> memref<64x256xf32, #tpu.memory_space<vmem>>
    %dma_start3A_884 = arith.constant 0 : i32
    %dma_start3A_885 = tpu.memref_slice %arg4[%select_n3A, %add3A_877, %dma_start3A_884] : memref<4x8192x256xf32, #tpu.memory_space<hbm>> -> memref<1x64x256xf32, #tpu.memory_space<hbm>>
    %dma_start3A_886 = tpu.memref_squeeze %dma_start3A_885 : memref<1x64x256xf32, #tpu.memory_space<hbm>> -> memref<64x256xf32, #tpu.memory_space<hbm>>
    %dma_start3A_887 = tpu.memref_slice %arg8[%dma_start3A_879] : memref<7x!tpu.dma_semaphore, #tpu.memory_space<semaphore_mem>> -> memref<1x!tpu.dma_semaphore, #tpu.memory_space<semaphore_mem>>
    %dma_start3A_888 = tpu.memref_squeeze %dma_start3A_887 : memref<1x!tpu.dma_semaphore, #tpu.memory_space<semaphore_mem>> -> memref<!tpu.dma_semaphore, #tpu.memory_space<semaphore_mem>>
    %dma_start3A_889 = arith.constant 0 : i32
    %dma_start3A_890 = tpu.memref_slice %arg4[%select_n3A, %add3A_877, %dma_start3A_889] : memref<4x8192x256xf32, #tpu.memory_space<hbm>> -> memref<1x64x256xf32, #tpu.memory_space<hbm>>
    %dma_start3A_891 = tpu.memref_squeeze %dma_start3A_890 : memref<1x64x256xf32, #tpu.memory_space<hbm>> -> memref<64x256xf32, #tpu.memory_space<hbm>>
    %dma_start3A_892 = arith.constant 0 : i32
    %dma_start3A_893 = arith.constant 0 : i32
    %dma_start3A_894 = tpu.memref_slice %arg6[%dma_start3A_878, %dma_start3A_892, %dma_start3A_893] : memref<7x64x256xf32, #tpu.memory_space<vmem>> -> memref<1x64x256xf32, #tpu.memory_space<vmem>>
    %dma_start3A_895 = tpu.memref_squeeze %dma_start3A_894 : memref<1x64x256xf32, #tpu.memory_space<vmem>> -> memref<64x256xf32, #tpu.memory_space<vmem>>
    tpu.enqueue_dma source(%dma_start3A_895 : memref<64x256xf32, #tpu.memory_space<vmem>>) target(%dma_start3A_891 : memref<64x256xf32, #tpu.memory_space<hbm>>) target_semaphore(%dma_start3A_888 : memref<!tpu.dma_semaphore, #tpu.memory_space<semaphore_mem>>)
    %dma_wait3A_896 = arith.constant 1 : i32
    %dma_wait3A_897 = arith.constant 1 : i32
    %dma_wait3A_898 = arith.constant 0 : i32
    %dma_wait3A_899 = arith.constant 0 : i32
    %dma_wait3A_900 = tpu.memref_slice %arg6[%dma_wait3A_896, %dma_wait3A_898, %dma_wait3A_899] : memref<7x64x256xf32, #tpu.memory_space<vmem>> -> memref<1x64x256xf32, #tpu.memory_space<vmem>>
    %dma_wait3A_901 = tpu.memref_squeeze %dma_wait3A_900 : memref<1x64x256xf32, #tpu.memory_space<vmem>> -> memref<64x256xf32, #tpu.memory_space<vmem>>
    %dma_wait3A_902 = arith.constant 960 : i32
    %dma_wait3A_903 = tpu.memref_slice %arg5[%dma_wait3A_902] : memref<1024xi32, #tpu.memory_space<vmem>> -> memref<64xi32, #tpu.memory_space<vmem>>
    %dma_wait3A_904 = arith.constant 0 : i32
    %dma_wait3A_905 = arith.constant 0 : i32
    %dma_wait3A_906 = tpu.memref_slice %arg2[%dma_wait3A_904, %dma_wait3A_905] : memref<8192x256xf32, #tpu.memory_space<hbm>> -> memref<8192x256xf32, #tpu.memory_space<hbm>>
    %dma_wait3A_907 = tpu.memref_slice %arg7[%dma_wait3A_897] : memref<7x!tpu.dma_semaphore, #tpu.memory_space<semaphore_mem>> -> memref<1x!tpu.dma_semaphore, #tpu.memory_space<semaphore_mem>>
    %dma_wait3A_908 = tpu.memref_squeeze %dma_wait3A_907 : memref<1x!tpu.dma_semaphore, #tpu.memory_space<semaphore_mem>> -> memref<!tpu.dma_semaphore, #tpu.memory_space<semaphore_mem>>
    tpu.wait_indirect_dma semaphore(%dma_wait3A_908 : memref<!tpu.dma_semaphore, #tpu.memory_space<semaphore_mem>>) src(%dma_wait3A_906 : memref<8192x256xf32, #tpu.memory_space<hbm>>) dst(%dma_wait3A_901 : memref<64x256xf32, #tpu.memory_space<vmem>>)
    %add3A_909 = arith.constant 960 : i32
    %add3A_910 = arith.addi %mul3A_32, %add3A_909 : i32
    %dma_start3A_911 = arith.constant 1 : i32
    %dma_start3A_912 = arith.constant 1 : i32
    %dma_start3A_913 = arith.constant 0 : i32
    %dma_start3A_914 = arith.constant 0 : i32
    %dma_start3A_915 = tpu.memref_slice %arg6[%dma_start3A_911, %dma_start3A_913, %dma_start3A_914] : memref<7x64x256xf32, #tpu.memory_space<vmem>> -> memref<1x64x256xf32, #tpu.memory_space<vmem>>
    %dma_start3A_916 = tpu.memref_squeeze %dma_start3A_915 : memref<1x64x256xf32, #tpu.memory_space<vmem>> -> memref<64x256xf32, #tpu.memory_space<vmem>>
    %dma_start3A_917 = arith.constant 0 : i32
    %dma_start3A_918 = tpu.memref_slice %arg4[%select_n3A, %add3A_910, %dma_start3A_917] : memref<4x8192x256xf32, #tpu.memory_space<hbm>> -> memref<1x64x256xf32, #tpu.memory_space<hbm>>
    %dma_start3A_919 = tpu.memref_squeeze %dma_start3A_918 : memref<1x64x256xf32, #tpu.memory_space<hbm>> -> memref<64x256xf32, #tpu.memory_space<hbm>>
    %dma_start3A_920 = tpu.memref_slice %arg8[%dma_start3A_912] : memref<7x!tpu.dma_semaphore, #tpu.memory_space<semaphore_mem>> -> memref<1x!tpu.dma_semaphore, #tpu.memory_space<semaphore_mem>>
    %dma_start3A_921 = tpu.memref_squeeze %dma_start3A_920 : memref<1x!tpu.dma_semaphore, #tpu.memory_space<semaphore_mem>> -> memref<!tpu.dma_semaphore, #tpu.memory_space<semaphore_mem>>
    %dma_start3A_922 = arith.constant 0 : i32
    %dma_start3A_923 = tpu.memref_slice %arg4[%select_n3A, %add3A_910, %dma_start3A_922] : memref<4x8192x256xf32, #tpu.memory_space<hbm>> -> memref<1x64x256xf32, #tpu.memory_space<hbm>>
    %dma_start3A_924 = tpu.memref_squeeze %dma_start3A_923 : memref<1x64x256xf32, #tpu.memory_space<hbm>> -> memref<64x256xf32, #tpu.memory_space<hbm>>
    %dma_start3A_925 = arith.constant 0 : i32
    %dma_start3A_926 = arith.constant 0 : i32
    %dma_start3A_927 = tpu.memref_slice %arg6[%dma_start3A_911, %dma_start3A_925, %dma_start3A_926] : memref<7x64x256xf32, #tpu.memory_space<vmem>> -> memref<1x64x256xf32, #tpu.memory_space<vmem>>
    %dma_start3A_928 = tpu.memref_squeeze %dma_start3A_927 : memref<1x64x256xf32, #tpu.memory_space<vmem>> -> memref<64x256xf32, #tpu.memory_space<vmem>>
    tpu.enqueue_dma source(%dma_start3A_928 : memref<64x256xf32, #tpu.memory_space<vmem>>) target(%dma_start3A_924 : memref<64x256xf32, #tpu.memory_space<hbm>>) target_semaphore(%dma_start3A_921 : memref<!tpu.dma_semaphore, #tpu.memory_space<semaphore_mem>>)
    %dma_wait3A_929 = arith.constant 2 : i32
    %dma_wait3A_930 = arith.constant 2 : i32
    %dma_wait3A_931 = arith.constant 0 : i32
    %dma_wait3A_932 = arith.constant 0 : i32
    %dma_wait3A_933 = tpu.memref_slice %arg6[%dma_wait3A_929, %dma_wait3A_931, %dma_wait3A_932] : memref<7x64x256xf32, #tpu.memory_space<vmem>> -> memref<1x64x256xf32, #tpu.memory_space<vmem>>
    %dma_wait3A_934 = tpu.memref_squeeze %dma_wait3A_933 : memref<1x64x256xf32, #tpu.memory_space<vmem>> -> memref<64x256xf32, #tpu.memory_space<vmem>>
    %dma_wait3A_935 = arith.constant 0 : i32
    %dma_wait3A_936 = tpu.memref_slice %arg4[%select_n3A, %add3A_681, %dma_wait3A_935] : memref<4x8192x256xf32, #tpu.memory_space<hbm>> -> memref<1x64x256xf32, #tpu.memory_space<hbm>>
    %dma_wait3A_937 = tpu.memref_squeeze %dma_wait3A_936 : memref<1x64x256xf32, #tpu.memory_space<hbm>> -> memref<64x256xf32, #tpu.memory_space<hbm>>
    %dma_wait3A_938 = tpu.memref_slice %arg8[%dma_wait3A_930] : memref<7x!tpu.dma_semaphore, #tpu.memory_space<semaphore_mem>> -> memref<1x!tpu.dma_semaphore, #tpu.memory_space<semaphore_mem>>
    %dma_wait3A_939 = tpu.memref_squeeze %dma_wait3A_938 : memref<1x!tpu.dma_semaphore, #tpu.memory_space<semaphore_mem>> -> memref<!tpu.dma_semaphore, #tpu.memory_space<semaphore_mem>>
    %dma_wait3A_940 = arith.constant 0 : i32
    %dma_wait3A_941 = tpu.memref_slice %arg4[%select_n3A, %add3A_681, %dma_wait3A_940] : memref<4x8192x256xf32, #tpu.memory_space<hbm>> -> memref<1x64x256xf32, #tpu.memory_space<hbm>>
    %dma_wait3A_942 = tpu.memref_squeeze %dma_wait3A_941 : memref<1x64x256xf32, #tpu.memory_space<hbm>> -> memref<64x256xf32, #tpu.memory_space<hbm>>
    %dma_wait3A_943 = arith.constant 0 : i32
    %dma_wait3A_944 = arith.constant 0 : i32
    %dma_wait3A_945 = tpu.memref_slice %arg6[%dma_wait3A_929, %dma_wait3A_943, %dma_wait3A_944] : memref<7x64x256xf32, #tpu.memory_space<vmem>> -> memref<1x64x256xf32, #tpu.memory_space<vmem>>
    %dma_wait3A_946 = tpu.memref_squeeze %dma_wait3A_945 : memref<1x64x256xf32, #tpu.memory_space<vmem>> -> memref<64x256xf32, #tpu.memory_space<vmem>>
    tpu.wait_dma2 semaphore(%dma_wait3A_939 : memref<!tpu.dma_semaphore, #tpu.memory_space<semaphore_mem>>) src(%dma_wait3A_946 : memref<64x256xf32, #tpu.memory_space<vmem>>) dst(%dma_wait3A_942 : memref<64x256xf32, #tpu.memory_space<hbm>>)
    %dma_wait3A_947 = arith.constant 3 : i32
    %dma_wait3A_948 = arith.constant 3 : i32
    %dma_wait3A_949 = arith.constant 0 : i32
    %dma_wait3A_950 = arith.constant 0 : i32
    %dma_wait3A_951 = tpu.memref_slice %arg6[%dma_wait3A_947, %dma_wait3A_949, %dma_wait3A_950] : memref<7x64x256xf32, #tpu.memory_space<vmem>> -> memref<1x64x256xf32, #tpu.memory_space<vmem>>
    %dma_wait3A_952 = tpu.memref_squeeze %dma_wait3A_951 : memref<1x64x256xf32, #tpu.memory_space<vmem>> -> memref<64x256xf32, #tpu.memory_space<vmem>>
    %dma_wait3A_953 = arith.constant 0 : i32
    %dma_wait3A_954 = tpu.memref_slice %arg4[%select_n3A, %add3A_745, %dma_wait3A_953] : memref<4x8192x256xf32, #tpu.memory_space<hbm>> -> memref<1x64x256xf32, #tpu.memory_space<hbm>>
    %dma_wait3A_955 = tpu.memref_squeeze %dma_wait3A_954 : memref<1x64x256xf32, #tpu.memory_space<hbm>> -> memref<64x256xf32, #tpu.memory_space<hbm>>
    %dma_wait3A_956 = tpu.memref_slice %arg8[%dma_wait3A_948] : memref<7x!tpu.dma_semaphore, #tpu.memory_space<semaphore_mem>> -> memref<1x!tpu.dma_semaphore, #tpu.memory_space<semaphore_mem>>
    %dma_wait3A_957 = tpu.memref_squeeze %dma_wait3A_956 : memref<1x!tpu.dma_semaphore, #tpu.memory_space<semaphore_mem>> -> memref<!tpu.dma_semaphore, #tpu.memory_space<semaphore_mem>>
    %dma_wait3A_958 = arith.constant 0 : i32
    %dma_wait3A_959 = tpu.memref_slice %arg4[%select_n3A, %add3A_745, %dma_wait3A_958] : memref<4x8192x256xf32, #tpu.memory_space<hbm>> -> memref<1x64x256xf32, #tpu.memory_space<hbm>>
    %dma_wait3A_960 = tpu.memref_squeeze %dma_wait3A_959 : memref<1x64x256xf32, #tpu.memory_space<hbm>> -> memref<64x256xf32, #tpu.memory_space<hbm>>
    %dma_wait3A_961 = arith.constant 0 : i32
    %dma_wait3A_962 = arith.constant 0 : i32
    %dma_wait3A_963 = tpu.memref_slice %arg6[%dma_wait3A_947, %dma_wait3A_961, %dma_wait3A_962] : memref<7x64x256xf32, #tpu.memory_space<vmem>> -> memref<1x64x256xf32, #tpu.memory_space<vmem>>
    %dma_wait3A_964 = tpu.memref_squeeze %dma_wait3A_963 : memref<1x64x256xf32, #tpu.memory_space<vmem>> -> memref<64x256xf32, #tpu.memory_space<vmem>>
    tpu.wait_dma2 semaphore(%dma_wait3A_957 : memref<!tpu.dma_semaphore, #tpu.memory_space<semaphore_mem>>) src(%dma_wait3A_964 : memref<64x256xf32, #tpu.memory_space<vmem>>) dst(%dma_wait3A_960 : memref<64x256xf32, #tpu.memory_space<hbm>>)
    %dma_wait3A_965 = arith.constant 4 : i32
    %dma_wait3A_966 = arith.constant 4 : i32
    %dma_wait3A_967 = arith.constant 0 : i32
    %dma_wait3A_968 = arith.constant 0 : i32
    %dma_wait3A_969 = tpu.memref_slice %arg6[%dma_wait3A_965, %dma_wait3A_967, %dma_wait3A_968] : memref<7x64x256xf32, #tpu.memory_space<vmem>> -> memref<1x64x256xf32, #tpu.memory_space<vmem>>
    %dma_wait3A_970 = tpu.memref_squeeze %dma_wait3A_969 : memref<1x64x256xf32, #tpu.memory_space<vmem>> -> memref<64x256xf32, #tpu.memory_space<vmem>>
    %dma_wait3A_971 = arith.constant 0 : i32
    %dma_wait3A_972 = tpu.memref_slice %arg4[%select_n3A, %add3A_778, %dma_wait3A_971] : memref<4x8192x256xf32, #tpu.memory_space<hbm>> -> memref<1x64x256xf32, #tpu.memory_space<hbm>>
    %dma_wait3A_973 = tpu.memref_squeeze %dma_wait3A_972 : memref<1x64x256xf32, #tpu.memory_space<hbm>> -> memref<64x256xf32, #tpu.memory_space<hbm>>
    %dma_wait3A_974 = tpu.memref_slice %arg8[%dma_wait3A_966] : memref<7x!tpu.dma_semaphore, #tpu.memory_space<semaphore_mem>> -> memref<1x!tpu.dma_semaphore, #tpu.memory_space<semaphore_mem>>
    %dma_wait3A_975 = tpu.memref_squeeze %dma_wait3A_974 : memref<1x!tpu.dma_semaphore, #tpu.memory_space<semaphore_mem>> -> memref<!tpu.dma_semaphore, #tpu.memory_space<semaphore_mem>>
    %dma_wait3A_976 = arith.constant 0 : i32
    %dma_wait3A_977 = tpu.memref_slice %arg4[%select_n3A, %add3A_778, %dma_wait3A_976] : memref<4x8192x256xf32, #tpu.memory_space<hbm>> -> memref<1x64x256xf32, #tpu.memory_space<hbm>>
    %dma_wait3A_978 = tpu.memref_squeeze %dma_wait3A_977 : memref<1x64x256xf32, #tpu.memory_space<hbm>> -> memref<64x256xf32, #tpu.memory_space<hbm>>
    %dma_wait3A_979 = arith.constant 0 : i32
    %dma_wait3A_980 = arith.constant 0 : i32
    %dma_wait3A_981 = tpu.memref_slice %arg6[%dma_wait3A_965, %dma_wait3A_979, %dma_wait3A_980] : memref<7x64x256xf32, #tpu.memory_space<vmem>> -> memref<1x64x256xf32, #tpu.memory_space<vmem>>
    %dma_wait3A_982 = tpu.memref_squeeze %dma_wait3A_981 : memref<1x64x256xf32, #tpu.memory_space<vmem>> -> memref<64x256xf32, #tpu.memory_space<vmem>>
    tpu.wait_dma2 semaphore(%dma_wait3A_975 : memref<!tpu.dma_semaphore, #tpu.memory_space<semaphore_mem>>) src(%dma_wait3A_982 : memref<64x256xf32, #tpu.memory_space<vmem>>) dst(%dma_wait3A_978 : memref<64x256xf32, #tpu.memory_space<hbm>>)
    %dma_wait3A_983 = arith.constant 5 : i32
    %dma_wait3A_984 = arith.constant 5 : i32
    %dma_wait3A_985 = arith.constant 0 : i32
    %dma_wait3A_986 = arith.constant 0 : i32
    %dma_wait3A_987 = tpu.memref_slice %arg6[%dma_wait3A_983, %dma_wait3A_985, %dma_wait3A_986] : memref<7x64x256xf32, #tpu.memory_space<vmem>> -> memref<1x64x256xf32, #tpu.memory_space<vmem>>
    %dma_wait3A_988 = tpu.memref_squeeze %dma_wait3A_987 : memref<1x64x256xf32, #tpu.memory_space<vmem>> -> memref<64x256xf32, #tpu.memory_space<vmem>>
    %dma_wait3A_989 = arith.constant 0 : i32
    %dma_wait3A_990 = tpu.memref_slice %arg4[%select_n3A, %add3A_811, %dma_wait3A_989] : memref<4x8192x256xf32, #tpu.memory_space<hbm>> -> memref<1x64x256xf32, #tpu.memory_space<hbm>>
    %dma_wait3A_991 = tpu.memref_squeeze %dma_wait3A_990 : memref<1x64x256xf32, #tpu.memory_space<hbm>> -> memref<64x256xf32, #tpu.memory_space<hbm>>
    %dma_wait3A_992 = tpu.memref_slice %arg8[%dma_wait3A_984] : memref<7x!tpu.dma_semaphore, #tpu.memory_space<semaphore_mem>> -> memref<1x!tpu.dma_semaphore, #tpu.memory_space<semaphore_mem>>
    %dma_wait3A_993 = tpu.memref_squeeze %dma_wait3A_992 : memref<1x!tpu.dma_semaphore, #tpu.memory_space<semaphore_mem>> -> memref<!tpu.dma_semaphore, #tpu.memory_space<semaphore_mem>>
    %dma_wait3A_994 = arith.constant 0 : i32
    %dma_wait3A_995 = tpu.memref_slice %arg4[%select_n3A, %add3A_811, %dma_wait3A_994] : memref<4x8192x256xf32, #tpu.memory_space<hbm>> -> memref<1x64x256xf32, #tpu.memory_space<hbm>>
    %dma_wait3A_996 = tpu.memref_squeeze %dma_wait3A_995 : memref<1x64x256xf32, #tpu.memory_space<hbm>> -> memref<64x256xf32, #tpu.memory_space<hbm>>
    %dma_wait3A_997 = arith.constant 0 : i32
    %dma_wait3A_998 = arith.constant 0 : i32
    %dma_wait3A_999 = tpu.memref_slice %arg6[%dma_wait3A_983, %dma_wait3A_997, %dma_wait3A_998] : memref<7x64x256xf32, #tpu.memory_space<vmem>> -> memref<1x64x256xf32, #tpu.memory_space<vmem>>
    %dma_wait3A_1000 = tpu.memref_squeeze %dma_wait3A_999 : memref<1x64x256xf32, #tpu.memory_space<vmem>> -> memref<64x256xf32, #tpu.memory_space<vmem>>
    tpu.wait_dma2 semaphore(%dma_wait3A_993 : memref<!tpu.dma_semaphore, #tpu.memory_space<semaphore_mem>>) src(%dma_wait3A_1000 : memref<64x256xf32, #tpu.memory_space<vmem>>) dst(%dma_wait3A_996 : memref<64x256xf32, #tpu.memory_space<hbm>>)
    %dma_wait3A_1001 = arith.constant 6 : i32
    %dma_wait3A_1002 = arith.constant 6 : i32
    %dma_wait3A_1003 = arith.constant 0 : i32
    %dma_wait3A_1004 = arith.constant 0 : i32
    %dma_wait3A_1005 = tpu.memref_slice %arg6[%dma_wait3A_1001, %dma_wait3A_1003, %dma_wait3A_1004] : memref<7x64x256xf32, #tpu.memory_space<vmem>> -> memref<1x64x256xf32, #tpu.memory_space<vmem>>
    %dma_wait3A_1006 = tpu.memref_squeeze %dma_wait3A_1005 : memref<1x64x256xf32, #tpu.memory_space<vmem>> -> memref<64x256xf32, #tpu.memory_space<vmem>>
    %dma_wait3A_1007 = arith.constant 0 : i32
    %dma_wait3A_1008 = tpu.memref_slice %arg4[%select_n3A, %add3A_844, %dma_wait3A_1007] : memref<4x8192x256xf32, #tpu.memory_space<hbm>> -> memref<1x64x256xf32, #tpu.memory_space<hbm>>
    %dma_wait3A_1009 = tpu.memref_squeeze %dma_wait3A_1008 : memref<1x64x256xf32, #tpu.memory_space<hbm>> -> memref<64x256xf32, #tpu.memory_space<hbm>>
    %dma_wait3A_1010 = tpu.memref_slice %arg8[%dma_wait3A_1002] : memref<7x!tpu.dma_semaphore, #tpu.memory_space<semaphore_mem>> -> memref<1x!tpu.dma_semaphore, #tpu.memory_space<semaphore_mem>>
    %dma_wait3A_1011 = tpu.memref_squeeze %dma_wait3A_1010 : memref<1x!tpu.dma_semaphore, #tpu.memory_space<semaphore_mem>> -> memref<!tpu.dma_semaphore, #tpu.memory_space<semaphore_mem>>
    %dma_wait3A_1012 = arith.constant 0 : i32
    %dma_wait3A_1013 = tpu.memref_slice %arg4[%select_n3A, %add3A_844, %dma_wait3A_1012] : memref<4x8192x256xf32, #tpu.memory_space<hbm>> -> memref<1x64x256xf32, #tpu.memory_space<hbm>>
    %dma_wait3A_1014 = tpu.memref_squeeze %dma_wait3A_1013 : memref<1x64x256xf32, #tpu.memory_space<hbm>> -> memref<64x256xf32, #tpu.memory_space<hbm>>
    %dma_wait3A_1015 = arith.constant 0 : i32
    %dma_wait3A_1016 = arith.constant 0 : i32
    %dma_wait3A_1017 = tpu.memref_slice %arg6[%dma_wait3A_1001, %dma_wait3A_1015, %dma_wait3A_1016] : memref<7x64x256xf32, #tpu.memory_space<vmem>> -> memref<1x64x256xf32, #tpu.memory_space<vmem>>
    %dma_wait3A_1018 = tpu.memref_squeeze %dma_wait3A_1017 : memref<1x64x256xf32, #tpu.memory_space<vmem>> -> memref<64x256xf32, #tpu.memory_space<vmem>>
    tpu.wait_dma2 semaphore(%dma_wait3A_1011 : memref<!tpu.dma_semaphore, #tpu.memory_space<semaphore_mem>>) src(%dma_wait3A_1018 : memref<64x256xf32, #tpu.memory_space<vmem>>) dst(%dma_wait3A_1014 : memref<64x256xf32, #tpu.memory_space<hbm>>)
    %dma_wait3A_1019 = arith.constant 0 : i32
    %dma_wait3A_1020 = arith.constant 0 : i32
    %dma_wait3A_1021 = arith.constant 0 : i32
    %dma_wait3A_1022 = arith.constant 0 : i32
    %dma_wait3A_1023 = tpu.memref_slice %arg6[%dma_wait3A_1019, %dma_wait3A_1021, %dma_wait3A_1022] : memref<7x64x256xf32, #tpu.memory_space<vmem>> -> memref<1x64x256xf32, #tpu.memory_space<vmem>>
    %dma_wait3A_1024 = tpu.memref_squeeze %dma_wait3A_1023 : memref<1x64x256xf32, #tpu.memory_space<vmem>> -> memref<64x256xf32, #tpu.memory_space<vmem>>
    %dma_wait3A_1025 = arith.constant 0 : i32
    %dma_wait3A_1026 = tpu.memref_slice %arg4[%select_n3A, %add3A_877, %dma_wait3A_1025] : memref<4x8192x256xf32, #tpu.memory_space<hbm>> -> memref<1x64x256xf32, #tpu.memory_space<hbm>>
    %dma_wait3A_1027 = tpu.memref_squeeze %dma_wait3A_1026 : memref<1x64x256xf32, #tpu.memory_space<hbm>> -> memref<64x256xf32, #tpu.memory_space<hbm>>
    %dma_wait3A_1028 = tpu.memref_slice %arg8[%dma_wait3A_1020] : memref<7x!tpu.dma_semaphore, #tpu.memory_space<semaphore_mem>> -> memref<1x!tpu.dma_semaphore, #tpu.memory_space<semaphore_mem>>
    %dma_wait3A_1029 = tpu.memref_squeeze %dma_wait3A_1028 : memref<1x!tpu.dma_semaphore, #tpu.memory_space<semaphore_mem>> -> memref<!tpu.dma_semaphore, #tpu.memory_space<semaphore_mem>>
    %dma_wait3A_1030 = arith.constant 0 : i32
    %dma_wait3A_1031 = tpu.memref_slice %arg4[%select_n3A, %add3A_877, %dma_wait3A_1030] : memref<4x8192x256xf32, #tpu.memory_space<hbm>> -> memref<1x64x256xf32, #tpu.memory_space<hbm>>
    %dma_wait3A_1032 = tpu.memref_squeeze %dma_wait3A_1031 : memref<1x64x256xf32, #tpu.memory_space<hbm>> -> memref<64x256xf32, #tpu.memory_space<hbm>>
    %dma_wait3A_1033 = arith.constant 0 : i32
    %dma_wait3A_1034 = arith.constant 0 : i32
    %dma_wait3A_1035 = tpu.memref_slice %arg6[%dma_wait3A_1019, %dma_wait3A_1033, %dma_wait3A_1034] : memref<7x64x256xf32, #tpu.memory_space<vmem>> -> memref<1x64x256xf32, #tpu.memory_space<vmem>>
    %dma_wait3A_1036 = tpu.memref_squeeze %dma_wait3A_1035 : memref<1x64x256xf32, #tpu.memory_space<vmem>> -> memref<64x256xf32, #tpu.memory_space<vmem>>
    tpu.wait_dma2 semaphore(%dma_wait3A_1029 : memref<!tpu.dma_semaphore, #tpu.memory_space<semaphore_mem>>) src(%dma_wait3A_1036 : memref<64x256xf32, #tpu.memory_space<vmem>>) dst(%dma_wait3A_1032 : memref<64x256xf32, #tpu.memory_space<hbm>>)
    %dma_wait3A_1037 = arith.constant 1 : i32
    %dma_wait3A_1038 = arith.constant 1 : i32
    %dma_wait3A_1039 = arith.constant 0 : i32
    %dma_wait3A_1040 = arith.constant 0 : i32
    %dma_wait3A_1041 = tpu.memref_slice %arg6[%dma_wait3A_1037, %dma_wait3A_1039, %dma_wait3A_1040] : memref<7x64x256xf32, #tpu.memory_space<vmem>> -> memref<1x64x256xf32, #tpu.memory_space<vmem>>
    %dma_wait3A_1042 = tpu.memref_squeeze %dma_wait3A_1041 : memref<1x64x256xf32, #tpu.memory_space<vmem>> -> memref<64x256xf32, #tpu.memory_space<vmem>>
    %dma_wait3A_1043 = arith.constant 0 : i32
    %dma_wait3A_1044 = tpu.memref_slice %arg4[%select_n3A, %add3A_910, %dma_wait3A_1043] : memref<4x8192x256xf32, #tpu.memory_space<hbm>> -> memref<1x64x256xf32, #tpu.memory_space<hbm>>
    %dma_wait3A_1045 = tpu.memref_squeeze %dma_wait3A_1044 : memref<1x64x256xf32, #tpu.memory_space<hbm>> -> memref<64x256xf32, #tpu.memory_space<hbm>>
    %dma_wait3A_1046 = tpu.memref_slice %arg8[%dma_wait3A_1038] : memref<7x!tpu.dma_semaphore, #tpu.memory_space<semaphore_mem>> -> memref<1x!tpu.dma_semaphore, #tpu.memory_space<semaphore_mem>>
    %dma_wait3A_1047 = tpu.memref_squeeze %dma_wait3A_1046 : memref<1x!tpu.dma_semaphore, #tpu.memory_space<semaphore_mem>> -> memref<!tpu.dma_semaphore, #tpu.memory_space<semaphore_mem>>
    %dma_wait3A_1048 = arith.constant 0 : i32
    %dma_wait3A_1049 = tpu.memref_slice %arg4[%select_n3A, %add3A_910, %dma_wait3A_1048] : memref<4x8192x256xf32, #tpu.memory_space<hbm>> -> memref<1x64x256xf32, #tpu.memory_space<hbm>>
    %dma_wait3A_1050 = tpu.memref_squeeze %dma_wait3A_1049 : memref<1x64x256xf32, #tpu.memory_space<hbm>> -> memref<64x256xf32, #tpu.memory_space<hbm>>
    %dma_wait3A_1051 = arith.constant 0 : i32
    %dma_wait3A_1052 = arith.constant 0 : i32
    %dma_wait3A_1053 = tpu.memref_slice %arg6[%dma_wait3A_1037, %dma_wait3A_1051, %dma_wait3A_1052] : memref<7x64x256xf32, #tpu.memory_space<vmem>> -> memref<1x64x256xf32, #tpu.memory_space<vmem>>
    %dma_wait3A_1054 = tpu.memref_squeeze %dma_wait3A_1053 : memref<1x64x256xf32, #tpu.memory_space<vmem>> -> memref<64x256xf32, #tpu.memory_space<vmem>>
    tpu.wait_dma2 semaphore(%dma_wait3A_1047 : memref<!tpu.dma_semaphore, #tpu.memory_space<semaphore_mem>>) src(%dma_wait3A_1054 : memref<64x256xf32, #tpu.memory_space<vmem>>) dst(%dma_wait3A_1050 : memref<64x256xf32, #tpu.memory_space<hbm>>)
    return
  }
}

</mosaic_0001>

<sc_bundles>
// kernel: kernel.3.cloned.1.call-start
scs
__scs_entry_jumppad:
0x0: {  	(pc) =	sbr.rel $0x88, $3  }
0x1: {  	(tag) =	ssettag $0x0;
	lr =	simm.s32 $0x1  }
0x2: {  	[smem:$0x3F9F] =	sst lr;
	_ =	strace $0xD0000000  }
0x3: {  	_ = 	snop  }
0x4: {  	_ = 	snop  }
0x5: {  	_ = 	snop  }
0x6: {  	_ = 	snop  }
0x7: {  	_ = 	snop  }
__scs_overlays_trampoline_lowered:
0x8: {  	[smem:$0x3FAE] =	sst s0  }
0x9: {  	[smem:$0x3FAF] =	sst s1  }
0xa: {  	[smem:$0x3FB0] =	sst s2  }
0xb: {  	[smem:$0x3FB1] =	sst s3  }
0xc: {  	[smem:$0x3FB2] =	sst s4  }
0xd: {  	[smem:$0x3FB3] =	sst s5  }
0xe: {  	[smem:$0x3FB4] =	sst s6  }
0xf: {  	[smem:$0x3FB5] =	sst s7  }
0x10: {  	[smem:$0x3FB6] =	sst s8  }
0x11: {  	[smem:$0x3FB7] =	sst s9;
	s0 =	simm.s32 @!p0 $0x0  }
0x12: {  	s1 =	sld [smem:$0x3F9D];
	s0 =	simm.s32 @p0 $0x1  }
0x13: {  	[smem:$0x3FB8] =	sst s0;
	s0 =	simm.s32 @!p1 $0x0  }
0x14: {  	s2 =	sld [smem:$0x3F9C];
	s0 =	simm.s32 @p1 $0x1  }
0x15: {  	[smem:$0x3FB9] =	sst s0;
	s0 =	simm.s32 @!p2 $0x0  }
0x16: {  	s3 =	sld [smem:$0x3FDB];
	s0 =	simm.s32 @p2 $0x1  }
0x17: {  	s4 =	simm.s32 $0x1BF5;
	[smem:$0x3FBB] =	sst s0  }
0x18: {  	s0 =	sld [smem:$0x3F9E];
	_ =	swait.ge [sflag:s4], $0x0  }
0x19: {  	s7 =	sld [smem:$0x3F9F]  }
0x1a: {  	s8 =	sadd.s32 $0xFFFFE003, lr  }
0x1b: {  	s9 =	sadd.s32 $0xFFFFFEF7, lr;
	s5 =	simm.s32 $0xFFFFFFFF;
	p2 =	slt.u32 s8, $0xFFFFF086  }
0x1c: {  	p1 =	slt.u32 s9, $0xF7A;
	s5 =	simm.s32 @!p2 $0x0  }
0x1d: {  	s5 =	simm.s32 @p1 $0x1;
	p0 =	seq.s32 s7, s2  }
0x1e: {  	s7 =	smul.u32 @!p0 $0xF7A, s2;
	p2 =	seq.s32 @!p0 s5, $0x0  }
0x1f: {  	s9 =	smul.u32 $0xF7A, s1;
	s8 =	simm.s32 @!p0 $0x1BF5;
	p2 =	por !p2, p0  }
0x20: {  	[sflag:s8] =	ssyncset.s32 @!p0 $0xFFFFF086;
	s6 =	sadd.s32 @!p0 s3, s7;
	s7 =	simm.s32 @!p0 $0x108  }
0x21: {  	s3 =	sadd.s32 s3, s9;
	s6 =	sadd.s32 @!p0 $0x88, s6;
	s7 =	simm.s32 @p2 $0x1082  }
0x22: {  	[simem:s7], [sflag:s8] =	dma.local @!p0 [hbm:s6], $0xF7A  }
0x23: {  	s9 =	sor.u32 $0xD0000000, s2;
	s6 =	simm.s32 $0x108;
	_ =	swait.ge @!p0 [sflag:s8], $0x0  }
0x24: {  	s3 =	sadd.s32 $0x88, s3;
	s6 =	simm.s32 @!p1 $0x1082;
	[sflag:s4] =	ssyncset.s32 $0xFFFFF086  }
0x25: {  	[simem:s6], [sflag:s4] =	dma.local [hbm:s3], $0xF7A  }
0x26: {  	[smem:$0x3F9F] =	sst s1;
	(tag) =	ssettag s2;
	_ =	strace s9  }
0x27: {  	s1 =	sld [smem:$0x3FAF]  }
0x28: {  	s2 =	sld [smem:$0x3FB0]  }
0x29: {  	s4 =	sld [smem:$0x3FB2]  }
0x2a: {  	p0 =	seq.s32 s5, $0x0;
	s5 =	sld [smem:$0x3FB3]  }
0x2b: {  	s6 =	sld [smem:$0x3FB4]  }
0x2c: {  	s7 =	sld [smem:$0x3FB5]  }
0x2d: {  	s3 =	simm.s32 $0x108;
	s8 =	sld [smem:$0x3FB6]  }
0x2e: {  	s3 =	simm.s32 @!p0 $0x1082;
	s9 =	sld [smem:$0x3FB7]  }
0x2f: {  	lr =	sadd.s32 s0, s3;
	s0 =	sld [smem:$0x3FAE]  }
0x30: {  	s3 =	sld [smem:$0x3FB1]  }
0x31: {  	[smem:$0x3FBA] =	sst s10  }
0x32: {  	s10 =	sld [smem:$0x3FB8];
	_ =	sdelay $0x3  }
0x33: {  	p0 =	seq.s32 s10, $0x1;
	s10 =	sld [smem:$0x3FBA];
	_ =	sdelay $0x3  }
0x34: {  	[smem:$0x3FBA] =	sst s10  }
0x35: {  	s10 =	sld [smem:$0x3FB9];
	_ =	sdelay $0x3  }
0x36: {  	p1 =	seq.s32 s10, $0x1;
	s10 =	sld [smem:$0x3FBA];
	_ =	sdelay $0x3  }
0x37: {  	[smem:$0x3FBA] =	sst s10  }
0x38: {  	s10 =	sld [smem:$0x3FBB]  }
0x39: {  	_ = 	snop;
	(pc) =	sbr.ind lr, $3  }
0x3a: {  	_ = 	snop  }
0x3b: {  	_ = 	snop  }
0x3c: {  	p2 =	seq.s32 s10, $0x1;
	s10 =	sld [smem:$0x3FBA]  }
0x3d: {  	_ =	shalt  }
0x3e: {  	_ =	shalt  }
0x3f: {  	_ =	shalt  }
0x40: {  	_ =	shalt  }
0x41: {  	_ =	shalt  }
0x42: {  	_ =	shalt  }
0x43: {  	_ =	shalt  }
0x44: {  	_ =	shalt  }
0x45: {  	_ =	shalt  }
0x46: {  	_ =	shalt  }
0x47: {  	_ =	shalt  }
0x48: {  	_ =	shalt  }
0x49: {  	_ =	shalt  }
0x4a: {  	_ =	shalt  }
0x4b: {  	_ =	shalt  }
0x4c: {  	_ =	shalt  }
0x4d: {  	_ =	shalt  }
0x4e: {  	_ =	shalt  }
0x4f: {  	_ =	shalt  }
0x50: {  	_ =	shalt  }
0x51: {  	_ =	shalt  }
0x52: {  	_ =	shalt  }
0x53: {  	_ =	shalt  }
0x54: {  	_ =	shalt  }
0x55: {  	_ =	shalt  }
0x56: {  	_ =	shalt  }
0x57: {  	_ =	shalt  }
0x58: {  	_ =	shalt  }
0x59: {  	_ =	shalt  }
0x5a: {  	_ =	shalt  }
0x5b: {  	_ =	shalt  }
0x5c: {  	_ =	shalt  }
0x5d: {  	_ =	shalt  }
0x5e: {  	_ =	shalt  }
0x5f: {  	_ =	shalt  }
0x60: {  	_ =	shalt  }
0x61: {  	_ =	shalt  }
0x62: {  	_ =	shalt  }
0x63: {  	_ =	shalt  }
0x64: {  	_ =	shalt  }
0x65: {  	_ =	shalt  }
0x66: {  	_ =	shalt  }
0x67: {  	_ =	shalt  }
0x68: {  	_ =	shalt  }
0x69: {  	_ =	shalt  }
0x6a: {  	_ =	shalt  }
0x6b: {  	_ =	shalt  }
0x6c: {  	_ =	shalt  }
0x6d: {  	_ =	shalt  }
0x6e: {  	_ =	shalt  }
0x6f: {  	_ =	shalt  }
0x70: {  	_ =	shalt  }
0x71: {  	_ =	shalt  }
0x72: {  	_ =	shalt  }
0x73: {  	_ =	shalt  }
0x74: {  	_ =	shalt  }
0x75: {  	_ =	shalt  }
0x76: {  	_ =	shalt  }
0x77: {  	_ =	shalt  }
0x78: {  	_ =	shalt  }
0x79: {  	_ =	shalt  }
0x7a: {  	_ =	shalt  }
0x7b: {  	_ =	shalt  }
0x7c: {  	_ =	shalt  }
0x7d: {  	_ =	shalt  }
0x7e: {  	_ =	shalt  }
0x7f: {  	_ =	shalt  }
0x80: {  	_ =	shalt  }
0x81: {  	_ =	shalt  }
0x82: {  	_ =	shalt  }
0x83: {  	_ =	shalt  }
0x84: {  	_ =	shalt  }
0x85: {  	_ =	shalt  }
0x86: {  	_ =	shalt  }
0x87: {  	_ =	shalt  }
.Lfunc_end0:
.L_simem_size_0:
called_computation_lowered:
.L_overlay_start_0:
0x88: {  	s2 =	sld [smem:$0x3FD9]  }
0x89: {  	s3 =	sld [smem:$0x3FFE];
	_ =	sdelay $0x1  }
0x8a: {  	s1 =	srdreg.scid  }
0x8b: {  	s0 =	sand.u32 $0x1, s1  }
0x8c: {  	s18 =	sshll.u32 s0, $0xA;
	s2 =	sadd.s32 s3, s2  }
0x8d: {  	s2 =	sadd.s32 s2, s18  }
0x8e: {  	[smem:$0x3FC6] =	sst s2  }
0x8f: {  	_ = 	snop  }
0x90: {  	s2 =	sld [smem:$0x3FC9]  }
0x91: {  	s19 =	sld [smem:$0x3FC8]  }
0x92: {  	s4 =	sld [smem:$0x3FD0];
	(tm) =	ssettm $0x1  }
0x93: {  	s5 =	sld [smem:$0x3FFB];
	_ =	sdelay $0x3  }
0x94: {  	_ =	strace s5  }
0x95: {  	s5 =	sld [smem:$0x3FFC];
	_ =	sdelay $0x3  }
0x96: {  	_ =	strace s5  }
0x97: {  	s5 =	sld [smem:$0x3FFD];
	_ =	sdelay $0x3  }
0x98: {  	_ =	strace s5  }
0x99: {  	_ =	strace $0x8FFFFFFF  }
0x9a: {  	s20 =	sld [smem:$0x3FDB];
	_ =	sdelay $0x1  }
0x9b: {  	s6 =	simm.s32 $_scs_section_size  }
0x9c: {  	s7 =	simm.s32 $_size__tile_overlayer_lowered;
	s8 =	simm.s32 $_tile_overlayer_lowered  }
0x9d: {  	s23 =	simm.s32 $0x1BFF;
	s22 =	sshll.u32 s8, $0x1;
	s5 =	sadd.s32 s6, s20  }
0x9e: {  	s9 =	simm.s32 $0x0;
	s21 =	sshll.u32 s7, $0x1;
	s7 =	sadd.s32 s22, s5  }
0x9f: {  	[timem:s9], [sflag:s23] =	dma.local [hbm:s7], s21  }
0xa0: {  	_ =	swait.ge [sflag:s23], s21  }
0xa1: {  	s6 =	ssub.s32 $0x0, s21;
	[sflag:s23] =	ssyncset.done $0x0  }
0xa2: {  	[sflag:s23] =	ssyncadd.s32 s6;
	_ =	sdelay $0x1  }
0xa3: {  	s24 =	simm.s32 $0x1B8B  }
0xa4: {  	_ =	swait.ge [sflag:s24], $0x1  }
0xa5: {  	[sflag:s24] =	ssyncset.done $0x0  }
0xa6: {  	s25 =	simm.s32 $0x1B8E;
	[sflag:s24] =	ssyncadd.s32 $0xFFFFFFFF  }
0xa7: {  	s26 =	simm.s32 $execute0_lowered;
	[smem:$0x3FD2] =	sst s25  }
0xa8: {  	s6 =	sshll.u32 s26, $0x1;
	_ =	strace $0x80000046;
	[dreg:$0x1] =	wrdreg $0xFFFFFFFF  }
0xa9: {  	s28 =	simm.s32 $_size_execute0_lowered;
	s5 =	sadd.s32 s5, s6;
	[dreg:$0x0] =	wrdreg $0x0  }
0xaa: {  	s6 =	sshll.u32 s28, $0x1;
	[dreg:$0x2] =	wrdreg s5  }
0xab: {  	[dreg:$0x3] =	wrdreg s6  }
0xac: {  	[dreg:$0x4] =	wrdreg $0xC0  }
0xad: {  	_ =	task [dreg:s9], $0x5FFFF  }
0xae: {  	[dreg:$0x1] =	wrdreg $0xFFFFFFFF  }
0xaf: {  	[dreg:$0x0] =	wrdreg $0x60  }
0xb0: {  	[dreg:$0x2] =	wrdreg s19  }
0xb1: {  	[dreg:$0x3] =	wrdreg s2  }
0xb2: {  	[dreg:$0x4] =	wrdreg s4  }
0xb3: {  	[dreg:$0x5] =	wrdreg $0x9  }
0xb4: {  	_ =	task.clear_ibuf [dreg:s9], $0x6FFFF;
	_ =	strace $0x90000046  }
0xb5: {  	s29 =	simm.s32 $0x9;
	_ =	strace $0x80000048  }
0xb6: {  	_ =	swait.ge [sflag:s29], $0x1  }
0xb7: {  	[sflag:s29] =	ssyncadd.s32 $0xFFFFFFFF  }
0xb8: {  	_ =	strace $0x90000048  }
0xb9: {  	_ =	sfence  }
0xba: {  	s30 =	sld [smem:$0x0];
	_ =	sdelay $0x2  }
0xbb: {  	s31 =	sshll.u32 s1, $0xD;
	s1 =	sshrl.u32 s1, $0x2  }
0xbc: {  	s3 =	sand.u32 $0x4000, s31;
	s1 =	sadd.s32 s1, s30  }
0xbd: {  	s0 =	sor.u32 s3, s0;
	s1 =	sshll.u32 s1, $0x11  }
0xbe: {  	s0 =	sor.u32 s1, s0  }
0xbf: {  	s0 =	sadd.s32 $0x8F2B, s0  }
0xc0: {  	[sflag:s0] =	ssyncadd.remote.s32 $0x1  }
0xc1: {  	_ =	sfence.sel $0xFFFF  }
0xc2: {  	[dreg:$0x0] =	wrdreg $0xFFFFFFFF;
	(pc) =	sbr.abs _section_cstart, $3  }
0xc3: {  	[dreg:$0x1] =	wrdreg $0xFFFFFFFF  }
0xc4: {  	_ =	task.clear_ibuf [dreg:s9], $0x2FFFF;
	_ =	strace $0x9FFFFFFF  }
0xc5: {  	(tm) =	ssettm $0x7FFFFFFF  }
tec
execute0_lowered:
.L_overlay_start_1:
0x0: {  	(tag) =	ssettag $0x1  }
0x1: {  	s2 =	rddreg [dreg:$0x0]  }
0x2: {  	s0 =	rddreg [dreg:$0x1]  }
0x3: {  	s1 =	rddreg [dreg:$0x2]  }
0x4: {  	s6 =	stileid.u32;
	s4 =	srdreg.scid;
	s3 =	simm.s32 $0x0  }
0x5: {  	s25 =	simm.s32 $0x80;
	s26 =	simm.s32 $0x200;
	s5 =	sshll.u32 s6, $0x1  }
0x6: {  	s4 =	sand.u32 $0x1, s4;
	[smem:$0x7FF] =	sst s3;
	s6 =	sshrl.u32 s6, $0x2  }
0x7: {  	s5 =	sand.u32 $0x6, s5;
	s8 =	sshll.u32 s6, $0x4;
	s6 =	sshll.u32 s6, $0x12  }
0x8: {  	_ =	strace $0x80000047;
	[dreg:$0x14] =	wrdreg s25;
	s5 =	sor.u32 s4, s5  }
0x9: {  	s0 =	sadd.s32 s0, s8;
	s7 =	sshll.u32 s5, $0xF;
	s5 =	sshll.u32 s5, $0x9  }
0xa: {  	[dreg:$0x15] =	wrdreg s26;
	s6 =	sor.u32 s6, s7;
	s0 =	sadd.s32 s5, s0  }
0xb: {  	s8 =	sadd.s32 s1, s6;
	[dreg:$0x4] =	wrdreg s0  }
0xc: {  	s9 =	sadd.s32 $0x800, s8;
	[dreg:$0x16] =	wrdreg s8  }
0xd: {  	s10 =	sadd.s32 $0x1000, s8;
	[dreg:$0x5] =	wrdreg s9  }
0xe: {  	s11 =	sadd.s32 $0x1800, s8;
	[dreg:$0x6] =	wrdreg s10  }
0xf: {  	s12 =	sadd.s32 $0x2000, s8;
	[dreg:$0x7] =	wrdreg s11  }
0x10: {  	s28 =	simm.s32 $0x8;
	s13 =	sadd.s32 $0x2800, s8;
	[dreg:$0x8] =	wrdreg s12  }
0x11: {  	s30 =	simm.s32 $0x9;
	s14 =	sadd.s32 $0x3000, s8;
	[dreg:$0x9] =	wrdreg s13  }
0x12: {  	s29 =	simm.s32 $0x4400;
	s15 =	sadd.s32 $0x3800, s8;
	[dreg:$0xa] =	wrdreg s14  }
0x13: {  	s31 =	simm.s32 $0xA400;
	s16 =	sadd.s32 $0x4000, s8;
	[dreg:$0xb] =	wrdreg s15  }
0x14: {  	s22 =	ssub.s32 $0x2, s4;
	s17 =	sadd.s32 $0x4800, s8;
	[dreg:$0xc] =	wrdreg s16  }
0x15: {  	s26 =	simm.s32 $0x9C00;
	s18 =	sadd.s32 $0x5000, s8;
	[dreg:$0xd] =	wrdreg s17  }
0x16: {  	s25 =	simm.s32 $0xC400;
	s19 =	sadd.s32 $0x5800, s8;
	[dreg:$0xe] =	wrdreg s18  }
0x17: {  	s4 =	sshrl.u32 s22, $0x1;
	s20 =	sadd.s32 $0x6000, s8;
	[dreg:$0xf] =	wrdreg s19  }
0x18: {  	s7 =	simm.s32 $0x14400;
	s21 =	sadd.s32 $0x6800, s8;
	[dreg:$0x10] =	wrdreg s20  }
0x19: {  	s1 =	ssub.s32 s22, s4;
	s23 =	sadd.s32 $0x7000, s8;
	[dreg:$0x11] =	wrdreg s21  }
0x1a: {  	v2 =	vlaneseq.u32;
	s6 =	simm.s32 $0x18400;
	s24 =	sadd.s32 $0x7800, s8;
	[dreg:$0x12] =	wrdreg s23  }
0x1b: {  	vm0 =	vmmov $0xffff;
	v1 =	vshrl.u32 v2, $0x3;
	s5 =	smax.u32 s1, $0x1;
	[dreg:$0x13] =	wrdreg s24;
	s23 =	simm.s32 $0x1  }
0x1c: {  	v0 =	vand.u32 $0x7, v2;
	v2 =	vor.u32 $0x8, v2;
	v1 =	vmul.u32 $0x8, v1;
	s24 =	simm.s32 $0x2;
	s15 =	simm.s32 $0x400;
	s21 =	simm.s32 $0xBC00  }
.LBB2_1:
0x1d: {  	s16 =	rddreg [dreg:$0x4]  }
0x1e: {  	s17 =	rddreg [dreg:$0x14]  }
0x1f: {  	s18 =	rddreg [dreg:$0x15];
	s14 =	simm.s32 $0xF  }
0x20: {  	[tilespmem:s3], [sflag:$0xF] =	stream.strided.gather [hbm4b:s16+s17], $0x400, s18, s17, $0x38;
	[tilespmem:$0x1C400] =	vst v63  }
0x21: {  	_ =	swait.ge [sflag:s14], $0x400  }
0x22: {  	[sflag:s14] =	ssyncset.done $0x0  }
0x23: {  	[sflag:s14] =	ssyncadd.s32 $0xFFFFFC00  }
0x24: {  	v3 =	vld [tilespmem:$0x0];
	_ =	sdelay $0x4  }
0x25: {  	v4 =	vshll.u32 v3, $0x1  }
0x26: {  	v3 =	vand.u32 $0x7, v3;
	v4 =	vand.u32 $0xFFFFFFF0, v4  }
0x27: {  	v3 =	vor.u32 v3, v4  }
0x28: {  	v4 =	vperm.xlane v3, v0;
	_ =	sdelay $0x1  }
0x29: {  	v3 =	vperm.xlane v3, v2;
	v4 =	vadd.s32 v1, v4;
	_ =	sdelay $0x1  }
0x2a: {  	v3 =	vadd.s32 v1, v3;
	_ =	sdelay $0x2  }
0x2b: {  	[tilespmem:s15], [sflag:$0x1] =	stream.indirect_vreg.gather [hbm4b:s2+s3], $0x80, v4, vm0, $0xb8;
	[tilespmem:$0x1C400] =	vst v63  }
0x2c: {  	s0 =	simm.s32 $0xC00  }
0x2d: {  	[tilespmem:s0], [sflag:$0x1] =	stream.indirect_vreg.gather [hbm4b:s2+s3], $0x80, v3, vm0, $0xb8;
	[tilespmem:$0x1C400] =	vst v63  }
0x2e: {  	v3 =	vld [tilespmem:$0x10];
	_ =	sdelay $0x4  }
0x2f: {  	v57 =	vshll.u32 v3, $0x1  }
0x30: {  	v3 =	vand.u32 $0x7, v3;
	v4 =	vand.u32 $0xFFFFFFF0, v57  }
0x31: {  	v3 =	vor.u32 v3, v4  }
0x32: {  	v4 =	vperm.xlane v3, v0;
	_ =	sdelay $0x1  }
0x33: {  	v3 =	vperm.xlane v3, v2;
	v4 =	vadd.s32 v1, v4;
	_ =	sdelay $0x1  }
0x34: {  	v3 =	vadd.s32 v1, v3;
	_ =	sdelay $0x1  }
0x35: {  	s17 =	simm.s32 $0x1400  }
0x36: {  	[tilespmem:s17], [sflag:$0x1] =	stream.indirect_vreg.gather [hbm4b:s2+s3], $0x80, v4, vm0, $0xb8;
	[tilespmem:$0x1C400] =	vst v63  }
0x37: {  	s18 =	simm.s32 $0x1C00  }
0x38: {  	[tilespmem:s18], [sflag:$0x1] =	stream.indirect_vreg.gather [hbm4b:s2+s3], $0x80, v3, vm0, $0xb8;
	[tilespmem:$0x1C400] =	vst v63  }
0x39: {  	v3 =	vld [tilespmem:$0x20];
	_ =	sdelay $0x4  }
0x3a: {  	v58 =	vshll.u32 v3, $0x1  }
0x3b: {  	v3 =	vand.u32 $0x7, v3;
	v4 =	vand.u32 $0xFFFFFFF0, v58  }
0x3c: {  	v3 =	vor.u32 v3, v4  }
0x3d: {  	v4 =	vperm.xlane v3, v0;
	_ =	sdelay $0x1  }
0x3e: {  	v3 =	vperm.xlane v3, v2;
	v4 =	vadd.s32 v1, v4;
	_ =	sdelay $0x1  }
0x3f: {  	v3 =	vadd.s32 v1, v3;
	_ =	sdelay $0x1  }
0x40: {  	s19 =	simm.s32 $0x2400  }
0x41: {  	[tilespmem:s19], [sflag:$0x1] =	stream.indirect_vreg.gather [hbm4b:s2+s3], $0x80, v4, vm0, $0xb8;
	[tilespmem:$0x1C400] =	vst v63  }
0x42: {  	s20 =	simm.s32 $0x2C00  }
0x43: {  	[tilespmem:s20], [sflag:$0x1] =	stream.indirect_vreg.gather [hbm4b:s2+s3], $0x80, v3, vm0, $0xb8;
	[tilespmem:$0x1C400] =	vst v63  }
0x44: {  	v3 =	vld [tilespmem:$0x30];
	_ =	sdelay $0x4  }
0x45: {  	v59 =	vshll.u32 v3, $0x1  }
0x46: {  	v3 =	vand.u32 $0x7, v3;
	v4 =	vand.u32 $0xFFFFFFF0, v59  }
0x47: {  	v3 =	vor.u32 v3, v4  }
0x48: {  	v4 =	vperm.xlane v3, v0;
	_ =	sdelay $0x1  }
0x49: {  	v3 =	vperm.xlane v3, v2;
	v4 =	vadd.s32 v1, v4;
	_ =	sdelay $0x1  }
0x4a: {  	v3 =	vadd.s32 v1, v3;
	_ =	sdelay $0x1  }
0x4b: {  	s22 =	simm.s32 $0x3400  }
0x4c: {  	[tilespmem:s22], [sflag:$0x1] =	stream.indirect_vreg.gather [hbm4b:s2+s3], $0x80, v4, vm0, $0xb8;
	[tilespmem:$0x1C400] =	vst v63  }
0x4d: {  	s8 =	simm.s32 $0x3C00  }
0x4e: {  	[tilespmem:s8], [sflag:$0x1] =	stream.indirect_vreg.gather [hbm4b:s2+s3], $0x80, v3, vm0, $0xb8;
	[tilespmem:$0x1C400] =	vst v63  }
0x4f: {  	v3 =	vld [tilespmem:$0x40];
	_ =	sdelay $0x4  }
0x50: {  	v60 =	vshll.u32 v3, $0x1  }
0x51: {  	v3 =	vand.u32 $0x7, v3;
	v4 =	vand.u32 $0xFFFFFFF0, v60  }
0x52: {  	v3 =	vor.u32 v3, v4  }
0x53: {  	v4 =	vperm.xlane v3, v0;
	_ =	sdelay $0x1  }
0x54: {  	v3 =	vperm.xlane v3, v2;
	v4 =	vadd.s32 v1, v4;
	_ =	sdelay $0x1  }
0x55: {  	v3 =	vadd.s32 v1, v3;
	_ =	sdelay $0x2  }
0x56: {  	[tilespmem:s29], [sflag:$0x2] =	stream.indirect_vreg.gather [hbm4b:s2+s3], $0x80, v4, vm0, $0xb8;
	[tilespmem:$0x1C400] =	vst v63  }
0x57: {  	s9 =	simm.s32 $0x4C00  }
0x58: {  	[tilespmem:s9], [sflag:$0x2] =	stream.indirect_vreg.gather [hbm4b:s2+s3], $0x80, v3, vm0, $0xb8;
	[tilespmem:$0x1C400] =	vst v63  }
0x59: {  	v3 =	vld [tilespmem:$0x50];
	_ =	sdelay $0x4  }
0x5a: {  	v61 =	vshll.u32 v3, $0x1  }
0x5b: {  	v3 =	vand.u32 $0x7, v3;
	v4 =	vand.u32 $0xFFFFFFF0, v61  }
0x5c: {  	v3 =	vor.u32 v3, v4  }
0x5d: {  	v4 =	vperm.xlane v3, v0;
	_ =	sdelay $0x1  }
0x5e: {  	v3 =	vperm.xlane v3, v2;
	v4 =	vadd.s32 v1, v4;
	_ =	sdelay $0x1  }
0x5f: {  	v3 =	vadd.s32 v1, v3;
	_ =	sdelay $0x1  }
0x60: {  	s10 =	simm.s32 $0x5400  }
0x61: {  	[tilespmem:s10], [sflag:$0x2] =	stream.indirect_vreg.gather [hbm4b:s2+s3], $0x80, v4, vm0, $0xb8;
	[tilespmem:$0x1C400] =	vst v63  }
0x62: {  	s11 =	simm.s32 $0x5C00  }
0x63: {  	[tilespmem:s11], [sflag:$0x2] =	stream.indirect_vreg.gather [hbm4b:s2+s3], $0x80, v3, vm0, $0xb8;
	[tilespmem:$0x1C400] =	vst v63  }
0x64: {  	v3 =	vld [tilespmem:$0x60];
	_ =	sdelay $0x4  }
0x65: {  	v62 =	vshll.u32 v3, $0x1  }
0x66: {  	v3 =	vand.u32 $0x7, v3;
	v4 =	vand.u32 $0xFFFFFFF0, v62  }
0x67: {  	v3 =	vor.u32 v3, v4  }
0x68: {  	v4 =	vperm.xlane v3, v0;
	_ =	sdelay $0x1  }
0x69: {  	v3 =	vperm.xlane v3, v2;
	v4 =	vadd.s32 v1, v4;
	_ =	sdelay $0x1  }
0x6a: {  	v3 =	vadd.s32 v1, v3;
	_ =	sdelay $0x1  }
0x6b: {  	s12 =	simm.s32 $0x6400  }
0x6c: {  	[tilespmem:s12], [sflag:$0x2] =	stream.indirect_vreg.gather [hbm4b:s2+s3], $0x80, v4, vm0, $0xb8;
	[tilespmem:$0x1C400] =	vst v63  }
0x6d: {  	s13 =	simm.s32 $0x6C00  }
0x6e: {  	[tilespmem:s13], [sflag:$0x2] =	stream.indirect_vreg.gather [hbm4b:s2+s3], $0x80, v3, vm0, $0xb8;
	[tilespmem:$0x1C400] =	vst v63  }
0x6f: {  	v3 =	vld [tilespmem:$0x70];
	_ =	sdelay $0x4  }
0x70: {  	v63 =	vshll.u32 v3, $0x1  }
0x71: {  	v3 =	vand.u32 $0x7, v3;
	v4 =	vand.u32 $0xFFFFFFF0, v63  }
0x72: {  	v3 =	vor.u32 v3, v4  }
0x73: {  	v4 =	vperm.xlane v3, v0;
	_ =	sdelay $0x1  }
0x74: {  	v3 =	vperm.xlane v3, v2;
	v4 =	vadd.s32 v1, v4;
	_ =	sdelay $0x1  }
0x75: {  	v3 =	vadd.s32 v1, v3;
	_ =	sdelay $0x1  }
0x76: {  	s14 =	simm.s32 $0x7400  }
0x77: {  	[tilespmem:s14], [sflag:$0x2] =	stream.indirect_vreg.gather [hbm4b:s2+s3], $0x80, v4, vm0, $0xb8;
	[tilespmem:$0x1C400] =	vst v63  }
0x78: {  	s16 =	simm.s32 $0x7C00  }
0x79: {  	[tilespmem:s16], [sflag:$0x2] =	stream.indirect_vreg.gather [hbm4b:s2+s3], $0x80, v3, vm0, $0xb8;
	[tilespmem:$0x1C400] =	vst v63  }
0x7a: {  	v3 =	vld [tilespmem:$0x80];
	_ =	sdelay $0x4  }
0x7b: {  	v8 =	vshll.u32 v3, $0x1  }
0x7c: {  	v3 =	vand.u32 $0x7, v3;
	v4 =	vand.u32 $0xFFFFFFF0, v8  }
0x7d: {  	v3 =	vor.u32 v3, v4  }
0x7e: {  	v4 =	vperm.xlane v3, v0;
	_ =	sdelay $0x1  }
0x7f: {  	v3 =	vperm.xlane v3, v2;
	v4 =	vadd.s32 v1, v4;
	_ =	sdelay $0x1  }
0x80: {  	v3 =	vadd.s32 v1, v3;
	_ =	sdelay $0x1  }
0x81: {  	s17 =	simm.s32 $0x8400  }
0x82: {  	[tilespmem:s17], [sflag:$0x3] =	stream.indirect_vreg.gather [hbm4b:s2+s3], $0x80, v4, vm0, $0xb8;
	[tilespmem:$0x1C400] =	vst v63  }
0x83: {  	s9 =	simm.s32 $0x8C00  }
0x84: {  	[tilespmem:s9], [sflag:$0x3] =	stream.indirect_vreg.gather [hbm4b:s2+s3], $0x80, v3, vm0, $0xb8;
	[tilespmem:$0x1C400] =	vst v63  }
0x85: {  	v3 =	vld [tilespmem:$0x90];
	_ =	sdelay $0x4  }
0x86: {  	v9 =	vshll.u32 v3, $0x1  }
0x87: {  	v3 =	vand.u32 $0x7, v3;
	v4 =	vand.u32 $0xFFFFFFF0, v9  }
0x88: {  	v3 =	vor.u32 v3, v4  }
0x89: {  	v4 =	vperm.xlane v3, v0;
	_ =	sdelay $0x1  }
0x8a: {  	v3 =	vperm.xlane v3, v2;
	v4 =	vadd.s32 v1, v4;
	_ =	sdelay $0x1  }
0x8b: {  	v3 =	vadd.s32 v1, v3;
	_ =	sdelay $0x1  }
0x8c: {  	s8 =	simm.s32 $0x9400  }
0x8d: {  	[tilespmem:s8], [sflag:$0x3] =	stream.indirect_vreg.gather [hbm4b:s2+s3], $0x80, v4, vm0, $0xb8;
	[tilespmem:$0x1C400] =	vst v63  }
0x8e: {  	_ = 	snop  }
0x8f: {  	[tilespmem:s26], [sflag:$0x3] =	stream.indirect_vreg.gather [hbm4b:s2+s3], $0x80, v3, vm0, $0xb8;
	[tilespmem:$0x1C400] =	vst v63  }
0x90: {  	v3 =	vld [tilespmem:$0xA0];
	_ =	sdelay $0x4  }
0x91: {  	v10 =	vshll.u32 v3, $0x1  }
0x92: {  	v3 =	vand.u32 $0x7, v3;
	v4 =	vand.u32 $0xFFFFFFF0, v10  }
0x93: {  	v3 =	vor.u32 v3, v4  }
0x94: {  	v4 =	vperm.xlane v3, v0;
	_ =	sdelay $0x1  }
0x95: {  	v3 =	vperm.xlane v3, v2;
	v4 =	vadd.s32 v1, v4;
	_ =	sdelay $0x1  }
0x96: {  	v3 =	vadd.s32 v1, v3;
	_ =	sdelay $0x2  }
0x97: {  	[tilespmem:s31], [sflag:$0x3] =	stream.indirect_vreg.gather [hbm4b:s2+s3], $0x80, v4, vm0, $0xb8;
	[tilespmem:$0x1C400] =	vst v63  }
0x98: {  	s19 =	simm.s32 $0xAC00  }
0x99: {  	[tilespmem:s19], [sflag:$0x3] =	stream.indirect_vreg.gather [hbm4b:s2+s3], $0x80, v3, vm0, $0xb8;
	[tilespmem:$0x1C400] =	vst v63  }
0x9a: {  	v3 =	vld [tilespmem:$0xB0];
	_ =	sdelay $0x4  }
0x9b: {  	v11 =	vshll.u32 v3, $0x1  }
0x9c: {  	v3 =	vand.u32 $0x7, v3;
	v4 =	vand.u32 $0xFFFFFFF0, v11  }
0x9d: {  	v3 =	vor.u32 v3, v4  }
0x9e: {  	v4 =	vperm.xlane v3, v0;
	_ =	sdelay $0x1  }
0x9f: {  	v3 =	vperm.xlane v3, v2;
	v4 =	vadd.s32 v1, v4;
	_ =	sdelay $0x1  }
0xa0: {  	v3 =	vadd.s32 v1, v3;
	_ =	sdelay $0x1  }
0xa1: {  	s20 =	simm.s32 $0xB400  }
0xa2: {  	[tilespmem:s20], [sflag:$0x3] =	stream.indirect_vreg.gather [hbm4b:s2+s3], $0x80, v4, vm0, $0xb8;
	[tilespmem:$0x1C400] =	vst v63  }
0xa3: {  	_ = 	snop  }
0xa4: {  	[tilespmem:s21], [sflag:$0x3] =	stream.indirect_vreg.gather [hbm4b:s2+s3], $0x80, v3, vm0, $0xb8;
	[tilespmem:$0x1C400] =	vst v63  }
0xa5: {  	v3 =	vld [tilespmem:$0xC0];
	_ =	sdelay $0x4  }
0xa6: {  	v12 =	vshll.u32 v3, $0x1  }
0xa7: {  	v3 =	vand.u32 $0x7, v3;
	v4 =	vand.u32 $0xFFFFFFF0, v12  }
0xa8: {  	v3 =	vor.u32 v3, v4  }
0xa9: {  	v4 =	vperm.xlane v3, v0;
	_ =	sdelay $0x1  }
0xaa: {  	v3 =	vperm.xlane v3, v2;
	v4 =	vadd.s32 v1, v4;
	_ =	sdelay $0x1  }
0xab: {  	v3 =	vadd.s32 v1, v3;
	_ =	sdelay $0x1  }
0xac: {  	s18 =	simm.s32 $0xC400  }
0xad: {  	[tilespmem:s18], [sflag:$0x4] =	stream.indirect_vreg.gather [hbm4b:s2+s3], $0x80, v4, vm0, $0xb8;
	[tilespmem:$0x1C400] =	vst v63  }
0xae: {  	s18 =	simm.s32 $0xCC00  }
0xaf: {  	[tilespmem:s18], [sflag:$0x4] =	stream.indirect_vreg.gather [hbm4b:s2+s3], $0x80, v3, vm0, $0xb8;
	[tilespmem:$0x1C400] =	vst v63  }
0xb0: {  	v3 =	vld [tilespmem:$0xD0];
	_ =	sdelay $0x4  }
0xb1: {  	v13 =	vshll.u32 v3, $0x1  }
0xb2: {  	v3 =	vand.u32 $0x7, v3;
	v4 =	vand.u32 $0xFFFFFFF0, v13  }
0xb3: {  	v3 =	vor.u32 v3, v4  }
0xb4: {  	v4 =	vperm.xlane v3, v0;
	_ =	sdelay $0x1  }
0xb5: {  	v3 =	vperm.xlane v3, v2;
	v4 =	vadd.s32 v1, v4;
	_ =	sdelay $0x1  }
0xb6: {  	v3 =	vadd.s32 v1, v3;
	_ =	sdelay $0x1  }
0xb7: {  	s12 =	simm.s32 $0xD400  }
0xb8: {  	[tilespmem:s12], [sflag:$0x4] =	stream.indirect_vreg.gather [hbm4b:s2+s3], $0x80, v4, vm0, $0xb8;
	[tilespmem:$0x1C400] =	vst v63  }
0xb9: {  	s13 =	simm.s32 $0xDC00  }
0xba: {  	[tilespmem:s13], [sflag:$0x4] =	stream.indirect_vreg.gather [hbm4b:s2+s3], $0x80, v3, vm0, $0xb8;
	[tilespmem:$0x1C400] =	vst v63  }
0xbb: {  	v3 =	vld [tilespmem:$0xE0];
	_ =	sdelay $0x4  }
0xbc: {  	v14 =	vshll.u32 v3, $0x1  }
0xbd: {  	v3 =	vand.u32 $0x7, v3;
	v4 =	vand.u32 $0xFFFFFFF0, v14  }
0xbe: {  	v3 =	vor.u32 v3, v4  }
0xbf: {  	v4 =	vperm.xlane v3, v0;
	_ =	sdelay $0x1  }
0xc0: {  	v3 =	vperm.xlane v3, v2;
	v4 =	vadd.s32 v1, v4;
	_ =	sdelay $0x1  }
0xc1: {  	v3 =	vadd.s32 v1, v3;
	_ =	sdelay $0x1  }
0xc2: {  	s14 =	simm.s32 $0xE400  }
0xc3: {  	[tilespmem:s14], [sflag:$0x4] =	stream.indirect_vreg.gather [hbm4b:s2+s3], $0x80, v4, vm0, $0xb8;
	[tilespmem:$0x1C400] =	vst v63  }
0xc4: {  	s17 =	simm.s32 $0xEC00  }
0xc5: {  	[tilespmem:s17], [sflag:$0x4] =	stream.indirect_vreg.gather [hbm4b:s2+s3], $0x80, v3, vm0, $0xb8;
	[tilespmem:$0x1C400] =	vst v63  }
0xc6: {  	v3 =	vld [tilespmem:$0xF0];
	_ =	sdelay $0x4  }
0xc7: {  	v15 =	vshll.u32 v3, $0x1  }
0xc8: {  	v3 =	vand.u32 $0x7, v3;
	v4 =	vand.u32 $0xFFFFFFF0, v15  }
0xc9: {  	v3 =	vor.u32 v3, v4  }
0xca: {  	v4 =	vperm.xlane v3, v0;
	_ =	sdelay $0x1  }
0xcb: {  	v3 =	vperm.xlane v3, v2;
	v4 =	vadd.s32 v1, v4;
	_ =	sdelay $0x1  }
0xcc: {  	v3 =	vadd.s32 v1, v3;
	_ =	sdelay $0x1  }
0xcd: {  	s10 =	simm.s32 $0xF400  }
0xce: {  	[tilespmem:s10], [sflag:$0x4] =	stream.indirect_vreg.gather [hbm4b:s2+s3], $0x80, v4, vm0, $0xb8;
	[tilespmem:$0x1C400] =	vst v63  }
0xcf: {  	s11 =	simm.s32 $0xFC00  }
0xd0: {  	[tilespmem:s11], [sflag:$0x4] =	stream.indirect_vreg.gather [hbm4b:s2+s3], $0x80, v3, vm0, $0xb8;
	[tilespmem:$0x1C400] =	vst v63  }
0xd1: {  	v3 =	vld [tilespmem:$0x100];
	_ =	sdelay $0x4  }
0xd2: {  	v16 =	vshll.u32 v3, $0x1  }
0xd3: {  	v3 =	vand.u32 $0x7, v3;
	v4 =	vand.u32 $0xFFFFFFF0, v16  }
0xd4: {  	v3 =	vor.u32 v3, v4  }
0xd5: {  	v4 =	vperm.xlane v3, v0;
	_ =	sdelay $0x1  }
0xd6: {  	v3 =	vperm.xlane v3, v2;
	v4 =	vadd.s32 v1, v4;
	_ =	sdelay $0x1  }
0xd7: {  	v3 =	vadd.s32 v1, v3;
	_ =	sdelay $0x1  }
0xd8: {  	s22 =	simm.s32 $0x10400  }
0xd9: {  	[tilespmem:s22], [sflag:$0x5] =	stream.indirect_vreg.gather [hbm4b:s2+s3], $0x80, v4, vm0, $0xb8;
	[tilespmem:$0x1C400] =	vst v63  }
0xda: {  	s16 =	simm.s32 $0x10C00  }
0xdb: {  	[tilespmem:s16], [sflag:$0x5] =	stream.indirect_vreg.gather [hbm4b:s2+s3], $0x80, v3, vm0, $0xb8;
	[tilespmem:$0x1C400] =	vst v63  }
0xdc: {  	v3 =	vld [tilespmem:$0x110];
	_ =	sdelay $0x4  }
0xdd: {  	v17 =	vshll.u32 v3, $0x1  }
0xde: {  	v3 =	vand.u32 $0x7, v3;
	v4 =	vand.u32 $0xFFFFFFF0, v17  }
0xdf: {  	v3 =	vor.u32 v3, v4  }
0xe0: {  	v4 =	vperm.xlane v3, v0;
	_ =	sdelay $0x1  }
0xe1: {  	v3 =	vperm.xlane v3, v2;
	v4 =	vadd.s32 v1, v4;
	_ =	sdelay $0x1  }
0xe2: {  	v3 =	vadd.s32 v1, v3;
	_ =	sdelay $0x1  }
0xe3: {  	s22 =	simm.s32 $0x11400  }
0xe4: {  	[tilespmem:s22], [sflag:$0x5] =	stream.indirect_vreg.gather [hbm4b:s2+s3], $0x80, v4, vm0, $0xb8;
	[tilespmem:$0x1C400] =	vst v63  }
0xe5: {  	s16 =	simm.s32 $0x11C00  }
0xe6: {  	[tilespmem:s16], [sflag:$0x5] =	stream.indirect_vreg.gather [hbm4b:s2+s3], $0x80, v3, vm0, $0xb8;
	[tilespmem:$0x1C400] =	vst v63  }
0xe7: {  	v3 =	vld [tilespmem:$0x120];
	_ =	sdelay $0x4  }
0xe8: {  	v18 =	vshll.u32 v3, $0x1  }
0xe9: {  	v3 =	vand.u32 $0x7, v3;
	v4 =	vand.u32 $0xFFFFFFF0, v18  }
0xea: {  	v3 =	vor.u32 v3, v4  }
0xeb: {  	v4 =	vperm.xlane v3, v0;
	_ =	sdelay $0x1  }
0xec: {  	v3 =	vperm.xlane v3, v2;
	v4 =	vadd.s32 v1, v4;
	_ =	sdelay $0x1  }
0xed: {  	v3 =	vadd.s32 v1, v3;
	_ =	sdelay $0x1  }
0xee: {  	s22 =	simm.s32 $0x12400  }
0xef: {  	[tilespmem:s22], [sflag:$0x5] =	stream.indirect_vreg.gather [hbm4b:s2+s3], $0x80, v4, vm0, $0xb8;
	[tilespmem:$0x1C400] =	vst v63  }
0xf0: {  	s16 =	simm.s32 $0x12C00  }
0xf1: {  	[tilespmem:s16], [sflag:$0x5] =	stream.indirect_vreg.gather [hbm4b:s2+s3], $0x80, v3, vm0, $0xb8;
	[tilespmem:$0x1C400] =	vst v63  }
0xf2: {  	v3 =	vld [tilespmem:$0x130];
	_ =	sdelay $0x4  }
0xf3: {  	v19 =	vshll.u32 v3, $0x1  }
0xf4: {  	v3 =	vand.u32 $0x7, v3;
	v4 =	vand.u32 $0xFFFFFFF0, v19  }
0xf5: {  	v3 =	vor.u32 v3, v4  }
0xf6: {  	v4 =	vperm.xlane v3, v0;
	_ =	sdelay $0x1  }
0xf7: {  	v3 =	vperm.xlane v3, v2;
	v4 =	vadd.s32 v1, v4;
	_ =	sdelay $0x1  }
0xf8: {  	v3 =	vadd.s32 v1, v3;
	_ =	sdelay $0x1  }
0xf9: {  	s22 =	simm.s32 $0x13400  }
0xfa: {  	[tilespmem:s22], [sflag:$0x5] =	stream.indirect_vreg.gather [hbm4b:s2+s3], $0x80, v4, vm0, $0xb8;
	[tilespmem:$0x1C400] =	vst v63  }
0xfb: {  	s16 =	simm.s32 $0x13C00  }
0xfc: {  	[tilespmem:s16], [sflag:$0x5] =	stream.indirect_vreg.gather [hbm4b:s2+s3], $0x80, v3, vm0, $0xb8;
	[tilespmem:$0x1C400] =	vst v63  }
0xfd: {  	v3 =	vld [tilespmem:$0x140];
	_ =	sdelay $0x4  }
0xfe: {  	v20 =	vshll.u32 v3, $0x1  }
0xff: {  	v3 =	vand.u32 $0x7, v3;
	v4 =	vand.u32 $0xFFFFFFF0, v20  }
0x100: {  	v3 =	vor.u32 v3, v4  }
0x101: {  	v4 =	vperm.xlane v3, v0;
	_ =	sdelay $0x1  }
0x102: {  	v3 =	vperm.xlane v3, v2;
	v4 =	vadd.s32 v1, v4;
	_ =	sdelay $0x1  }
0x103: {  	v3 =	vadd.s32 v1, v3;
	_ =	sdelay $0x2  }
0x104: {  	[tilespmem:s7], [sflag:$0x6] =	stream.indirect_vreg.gather [hbm4b:s2+s3], $0x80, v4, vm0, $0xb8;
	[tilespmem:$0x1C400] =	vst v63  }
0x105: {  	s22 =	simm.s32 $0x14C00  }
0x106: {  	[tilespmem:s22], [sflag:$0x6] =	stream.indirect_vreg.gather [hbm4b:s2+s3], $0x80, v3, vm0, $0xb8;
	[tilespmem:$0x1C400] =	vst v63  }
0x107: {  	v3 =	vld [tilespmem:$0x150];
	_ =	sdelay $0x4  }
0x108: {  	v21 =	vshll.u32 v3, $0x1  }
0x109: {  	v3 =	vand.u32 $0x7, v3;
	v4 =	vand.u32 $0xFFFFFFF0, v21  }
0x10a: {  	v3 =	vor.u32 v3, v4  }
0x10b: {  	v4 =	vperm.xlane v3, v0;
	_ =	sdelay $0x1  }
0x10c: {  	v3 =	vperm.xlane v3, v2;
	v4 =	vadd.s32 v1, v4;
	_ =	sdelay $0x1  }
0x10d: {  	v3 =	vadd.s32 v1, v3;
	_ =	sdelay $0x1  }
0x10e: {  	s16 =	simm.s32 $0x15400  }
0x10f: {  	[tilespmem:s16], [sflag:$0x6] =	stream.indirect_vreg.gather [hbm4b:s2+s3], $0x80, v4, vm0, $0xb8;
	[tilespmem:$0x1C400] =	vst v63  }
0x110: {  	s22 =	simm.s32 $0x15C00  }
0x111: {  	[tilespmem:s22], [sflag:$0x6] =	stream.indirect_vreg.gather [hbm4b:s2+s3], $0x80, v3, vm0, $0xb8;
	[tilespmem:$0x1C400] =	vst v63  }
0x112: {  	v3 =	vld [tilespmem:$0x160];
	_ =	sdelay $0x4  }
0x113: {  	v22 =	vshll.u32 v3, $0x1  }
0x114: {  	v3 =	vand.u32 $0x7, v3;
	v4 =	vand.u32 $0xFFFFFFF0, v22  }
0x115: {  	v3 =	vor.u32 v3, v4  }
0x116: {  	v4 =	vperm.xlane v3, v0;
	_ =	sdelay $0x1  }
0x117: {  	v3 =	vperm.xlane v3, v2;
	v4 =	vadd.s32 v1, v4;
	_ =	sdelay $0x1  }
0x118: {  	v3 =	vadd.s32 v1, v3;
	_ =	sdelay $0x1  }
0x119: {  	s16 =	simm.s32 $0x16400  }
0x11a: {  	[tilespmem:s16], [sflag:$0x6] =	stream.indirect_vreg.gather [hbm4b:s2+s3], $0x80, v4, vm0, $0xb8;
	[tilespmem:$0x1C400] =	vst v63  }
0x11b: {  	s22 =	simm.s32 $0x16C00  }
0x11c: {  	[tilespmem:s22], [sflag:$0x6] =	stream.indirect_vreg.gather [hbm4b:s2+s3], $0x80, v3, vm0, $0xb8;
	[tilespmem:$0x1C400] =	vst v63  }
0x11d: {  	v3 =	vld [tilespmem:$0x170];
	_ =	sdelay $0x4  }
0x11e: {  	v23 =	vshll.u32 v3, $0x1  }
0x11f: {  	v3 =	vand.u32 $0x7, v3;
	v4 =	vand.u32 $0xFFFFFFF0, v23  }
0x120: {  	v3 =	vor.u32 v3, v4  }
0x121: {  	v4 =	vperm.xlane v3, v0;
	_ =	sdelay $0x1  }
0x122: {  	v3 =	vperm.xlane v3, v2;
	v4 =	vadd.s32 v1, v4;
	_ =	sdelay $0x1  }
0x123: {  	v3 =	vadd.s32 v1, v3;
	_ =	sdelay $0x1  }
0x124: {  	s16 =	simm.s32 $0x17400  }
0x125: {  	[tilespmem:s16], [sflag:$0x6] =	stream.indirect_vreg.gather [hbm4b:s2+s3], $0x80, v4, vm0, $0xb8;
	[tilespmem:$0x1C400] =	vst v63  }
0x126: {  	s22 =	simm.s32 $0x17C00  }
0x127: {  	[tilespmem:s22], [sflag:$0x6] =	stream.indirect_vreg.gather [hbm4b:s2+s3], $0x80, v3, vm0, $0xb8;
	[tilespmem:$0x1C400] =	vst v63  }
0x128: {  	_ =	swait.ge [sflag:s23], $0x4000  }
0x129: {  	[sflag:s23] =	ssyncset.done $0x0  }
0x12a: {  	s0 =	rddreg [dreg:$0x16];
	[sflag:s23] =	ssyncadd.s32 $0xFFFFC000  }
0x12b: {  	[hbm4b:s0+s3] =	stream.linear.scatter [tilespmem:s15], [sflag:$0x8], $0x4000, $0x38;
	[tilespmem:$0x1C400] =	vst v63  }
0x12c: {  	v3 =	vld [tilespmem:$0x180];
	_ =	sdelay $0x4  }
0x12d: {  	v24 =	vshll.u32 v3, $0x1  }
0x12e: {  	v3 =	vand.u32 $0x7, v3;
	v4 =	vand.u32 $0xFFFFFFF0, v24  }
0x12f: {  	v3 =	vor.u32 v3, v4  }
0x130: {  	v4 =	vperm.xlane v3, v0;
	_ =	sdelay $0x1  }
0x131: {  	v3 =	vperm.xlane v3, v2;
	v4 =	vadd.s32 v1, v4;
	_ =	sdelay $0x1  }
0x132: {  	v3 =	vadd.s32 v1, v3;
	_ =	sdelay $0x2  }
0x133: {  	[tilespmem:s6], [sflag:$0x7] =	stream.indirect_vreg.gather [hbm4b:s2+s3], $0x80, v4, vm0, $0xb8;
	[tilespmem:$0x1C400] =	vst v63  }
0x134: {  	s22 =	simm.s32 $0x18C00  }
0x135: {  	[tilespmem:s22], [sflag:$0x7] =	stream.indirect_vreg.gather [hbm4b:s2+s3], $0x80, v3, vm0, $0xb8;
	[tilespmem:$0x1C400] =	vst v63  }
0x136: {  	v3 =	vld [tilespmem:$0x190];
	_ =	sdelay $0x4  }
0x137: {  	v25 =	vshll.u32 v3, $0x1  }
0x138: {  	v3 =	vand.u32 $0x7, v3;
	v4 =	vand.u32 $0xFFFFFFF0, v25  }
0x139: {  	v3 =	vor.u32 v3, v4  }
0x13a: {  	v4 =	vperm.xlane v3, v0;
	_ =	sdelay $0x1  }
0x13b: {  	v3 =	vperm.xlane v3, v2;
	v4 =	vadd.s32 v1, v4;
	_ =	sdelay $0x1  }
0x13c: {  	v3 =	vadd.s32 v1, v3;
	_ =	sdelay $0x1  }
0x13d: {  	s16 =	simm.s32 $0x19400  }
0x13e: {  	[tilespmem:s16], [sflag:$0x7] =	stream.indirect_vreg.gather [hbm4b:s2+s3], $0x80, v4, vm0, $0xb8;
	[tilespmem:$0x1C400] =	vst v63  }
0x13f: {  	s22 =	simm.s32 $0x19C00  }
0x140: {  	[tilespmem:s22], [sflag:$0x7] =	stream.indirect_vreg.gather [hbm4b:s2+s3], $0x80, v3, vm0, $0xb8;
	[tilespmem:$0x1C400] =	vst v63  }
0x141: {  	v3 =	vld [tilespmem:$0x1A0];
	_ =	sdelay $0x4  }
0x142: {  	v26 =	vshll.u32 v3, $0x1  }
0x143: {  	v3 =	vand.u32 $0x7, v3;
	v4 =	vand.u32 $0xFFFFFFF0, v26  }
0x144: {  	v3 =	vor.u32 v3, v4  }
0x145: {  	v4 =	vperm.xlane v3, v0;
	_ =	sdelay $0x1  }
0x146: {  	v3 =	vperm.xlane v3, v2;
	v4 =	vadd.s32 v1, v4;
	_ =	sdelay $0x1  }
0x147: {  	v3 =	vadd.s32 v1, v3;
	_ =	sdelay $0x1  }
0x148: {  	s16 =	simm.s32 $0x1A400  }
0x149: {  	[tilespmem:s16], [sflag:$0x7] =	stream.indirect_vreg.gather [hbm4b:s2+s3], $0x80, v4, vm0, $0xb8;
	[tilespmem:$0x1C400] =	vst v63  }
0x14a: {  	s22 =	simm.s32 $0x1AC00  }
0x14b: {  	[tilespmem:s22], [sflag:$0x7] =	stream.indirect_vreg.gather [hbm4b:s2+s3], $0x80, v3, vm0, $0xb8;
	[tilespmem:$0x1C400] =	vst v63  }
0x14c: {  	v3 =	vld [tilespmem:$0x1B0];
	_ =	sdelay $0x4  }
0x14d: {  	v27 =	vshll.u32 v3, $0x1  }
0x14e: {  	v3 =	vand.u32 $0x7, v3;
	v4 =	vand.u32 $0xFFFFFFF0, v27  }
0x14f: {  	v3 =	vor.u32 v3, v4  }
0x150: {  	v4 =	vperm.xlane v3, v0;
	_ =	sdelay $0x1  }
0x151: {  	v3 =	vperm.xlane v3, v2;
	v4 =	vadd.s32 v1, v4;
	_ =	sdelay $0x1  }
0x152: {  	v3 =	vadd.s32 v1, v3;
	_ =	sdelay $0x1  }
0x153: {  	s16 =	simm.s32 $0x1B400  }
0x154: {  	[tilespmem:s16], [sflag:$0x7] =	stream.indirect_vreg.gather [hbm4b:s2+s3], $0x80, v4, vm0, $0xb8;
	[tilespmem:$0x1C400] =	vst v63  }
0x155: {  	s22 =	simm.s32 $0x1BC00  }
0x156: {  	[tilespmem:s22], [sflag:$0x7] =	stream.indirect_vreg.gather [hbm4b:s2+s3], $0x80, v3, vm0, $0xb8;
	[tilespmem:$0x1C400] =	vst v63  }
0x157: {  	_ =	swait.ge [sflag:s24], $0x4000  }
0x158: {  	[sflag:s24] =	ssyncset.done $0x0  }
0x159: {  	s0 =	rddreg [dreg:$0x5];
	[sflag:s24] =	ssyncadd.s32 $0xFFFFC000  }
0x15a: {  	[hbm4b:s0+s3] =	stream.linear.scatter [tilespmem:s29], [sflag:$0x9], $0x4000, $0x38;
	[tilespmem:$0x1C400] =	vst v63  }
0x15b: {  	_ =	swait.ge [sflag:s28], $0x4000  }
0x15c: {  	[sflag:s28] =	ssyncset.done $0x0  }
0x15d: {  	[sflag:s28] =	ssyncadd.s32 $0xFFFFC000  }
0x15e: {  	v3 =	vld [tilespmem:$0x1C0];
	_ =	sdelay $0x4  }
0x15f: {  	v28 =	vshll.u32 v3, $0x1  }
0x160: {  	v3 =	vand.u32 $0x7, v3;
	v4 =	vand.u32 $0xFFFFFFF0, v28  }
0x161: {  	v3 =	vor.u32 v3, v4  }
0x162: {  	v4 =	vperm.xlane v3, v0;
	_ =	sdelay $0x1  }
0x163: {  	v3 =	vperm.xlane v3, v2;
	v4 =	vadd.s32 v1, v4;
	_ =	sdelay $0x1  }
0x164: {  	v3 =	vadd.s32 v1, v3;
	_ =	sdelay $0x2  }
0x165: {  	[tilespmem:s15], [sflag:$0x1] =	stream.indirect_vreg.gather [hbm4b:s2+s3], $0x80, v4, vm0, $0xb8;
	[tilespmem:$0x1C400] =	vst v63  }
0x166: {  	s1 =	simm.s32 $0xC00  }
0x167: {  	[tilespmem:s1], [sflag:$0x1] =	stream.indirect_vreg.gather [hbm4b:s2+s3], $0x80, v3, vm0, $0xb8;
	[tilespmem:$0x1C400] =	vst v63  }
0x168: {  	v3 =	vld [tilespmem:$0x1D0];
	_ =	sdelay $0x4  }
0x169: {  	v29 =	vshll.u32 v3, $0x1  }
0x16a: {  	v3 =	vand.u32 $0x7, v3;
	v4 =	vand.u32 $0xFFFFFFF0, v29  }
0x16b: {  	v3 =	vor.u32 v3, v4  }
0x16c: {  	v4 =	vperm.xlane v3, v0;
	_ =	sdelay $0x1  }
0x16d: {  	v3 =	vperm.xlane v3, v2;
	v4 =	vadd.s32 v1, v4;
	_ =	sdelay $0x1  }
0x16e: {  	v3 =	vadd.s32 v1, v3;
	_ =	sdelay $0x1  }
0x16f: {  	s1 =	simm.s32 $0x1400  }
0x170: {  	[tilespmem:s1], [sflag:$0x1] =	stream.indirect_vreg.gather [hbm4b:s2+s3], $0x80, v4, vm0, $0xb8;
	[tilespmem:$0x1C400] =	vst v63  }
0x171: {  	s4 =	simm.s32 $0x1C00  }
0x172: {  	[tilespmem:s4], [sflag:$0x1] =	stream.indirect_vreg.gather [hbm4b:s2+s3], $0x80, v3, vm0, $0xb8;
	[tilespmem:$0x1C400] =	vst v63  }
0x173: {  	v3 =	vld [tilespmem:$0x1E0];
	_ =	sdelay $0x4  }
0x174: {  	v30 =	vshll.u32 v3, $0x1  }
0x175: {  	v3 =	vand.u32 $0x7, v3;
	v4 =	vand.u32 $0xFFFFFFF0, v30  }
0x176: {  	v3 =	vor.u32 v3, v4  }
0x177: {  	v4 =	vperm.xlane v3, v0;
	_ =	sdelay $0x1  }
0x178: {  	v3 =	vperm.xlane v3, v2;
	v4 =	vadd.s32 v1, v4;
	_ =	sdelay $0x1  }
0x179: {  	v3 =	vadd.s32 v1, v3;
	_ =	sdelay $0x1  }
0x17a: {  	s4 =	simm.s32 $0x2400  }
0x17b: {  	[tilespmem:s4], [sflag:$0x1] =	stream.indirect_vreg.gather [hbm4b:s2+s3], $0x80, v4, vm0, $0xb8;
	[tilespmem:$0x1C400] =	vst v63  }
0x17c: {  	s16 =	simm.s32 $0x2C00  }
0x17d: {  	[tilespmem:s16], [sflag:$0x1] =	stream.indirect_vreg.gather [hbm4b:s2+s3], $0x80, v3, vm0, $0xb8;
	[tilespmem:$0x1C400] =	vst v63  }
0x17e: {  	v3 =	vld [tilespmem:$0x1F0];
	_ =	sdelay $0x4  }
0x17f: {  	v31 =	vshll.u32 v3, $0x1  }
0x180: {  	v3 =	vand.u32 $0x7, v3;
	v4 =	vand.u32 $0xFFFFFFF0, v31  }
0x181: {  	v3 =	vor.u32 v3, v4  }
0x182: {  	v4 =	vperm.xlane v3, v0;
	_ =	sdelay $0x1  }
0x183: {  	v3 =	vperm.xlane v3, v2;
	v4 =	vadd.s32 v1, v4;
	_ =	sdelay $0x1  }
0x184: {  	v3 =	vadd.s32 v1, v3;
	_ =	sdelay $0x1  }
0x185: {  	s22 =	simm.s32 $0x3400  }
0x186: {  	[tilespmem:s22], [sflag:$0x1] =	stream.indirect_vreg.gather [hbm4b:s2+s3], $0x80, v4, vm0, $0xb8;
	[tilespmem:$0x1C400] =	vst v63  }
0x187: {  	s0 =	simm.s32 $0x3;
	s1 =	simm.s32 $0x3C00  }
0x188: {  	[tilespmem:s1], [sflag:$0x1] =	stream.indirect_vreg.gather [hbm4b:s2+s3], $0x80, v3, vm0, $0xb8;
	[tilespmem:$0x1C400] =	vst v63  }
0x189: {  	_ =	swait.ge [sflag:s0], $0x4000  }
0x18a: {  	[sflag:s0] =	ssyncset.done $0x0  }
0x18b: {  	s22 =	simm.s32 $0x8400;
	s4 =	rddreg [dreg:$0x6];
	[sflag:s0] =	ssyncadd.s32 $0xFFFFC000  }
0x18c: {  	[hbm4b:s4+s3] =	stream.linear.scatter [tilespmem:s22], [sflag:$0xA], $0x4000, $0x38;
	[tilespmem:$0x1C400] =	vst v63  }
0x18d: {  	_ =	swait.ge [sflag:s30], $0x4000  }
0x18e: {  	[sflag:s30] =	ssyncset.done $0x0  }
0x18f: {  	[sflag:s30] =	ssyncadd.s32 $0xFFFFC000  }
0x190: {  	v3 =	vld [tilespmem:$0x200];
	_ =	sdelay $0x4  }
0x191: {  	v32 =	vshll.u32 v3, $0x1  }
0x192: {  	v3 =	vand.u32 $0x7, v3;
	v4 =	vand.u32 $0xFFFFFFF0, v32  }
0x193: {  	v3 =	vor.u32 v3, v4  }
0x194: {  	v4 =	vperm.xlane v3, v0;
	_ =	sdelay $0x1  }
0x195: {  	v3 =	vperm.xlane v3, v2;
	v4 =	vadd.s32 v1, v4;
	_ =	sdelay $0x1  }
0x196: {  	v3 =	vadd.s32 v1, v3;
	_ =	sdelay $0x2  }
0x197: {  	[tilespmem:s29], [sflag:$0x2] =	stream.indirect_vreg.gather [hbm4b:s2+s3], $0x80, v4, vm0, $0xb8;
	[tilespmem:$0x1C400] =	vst v63  }
0x198: {  	s16 =	simm.s32 $0x4C00  }
0x199: {  	[tilespmem:s16], [sflag:$0x2] =	stream.indirect_vreg.gather [hbm4b:s2+s3], $0x80, v3, vm0, $0xb8;
	[tilespmem:$0x1C400] =	vst v63  }
0x19a: {  	v3 =	vld [tilespmem:$0x210];
	_ =	sdelay $0x4  }
0x19b: {  	v33 =	vshll.u32 v3, $0x1  }
0x19c: {  	v3 =	vand.u32 $0x7, v3;
	v4 =	vand.u32 $0xFFFFFFF0, v33  }
0x19d: {  	v3 =	vor.u32 v3, v4  }
0x19e: {  	v4 =	vperm.xlane v3, v0;
	_ =	sdelay $0x1  }
0x19f: {  	v3 =	vperm.xlane v3, v2;
	v4 =	vadd.s32 v1, v4;
	_ =	sdelay $0x1  }
0x1a0: {  	v3 =	vadd.s32 v1, v3;
	_ =	sdelay $0x1  }
0x1a1: {  	s4 =	simm.s32 $0x5400  }
0x1a2: {  	[tilespmem:s4], [sflag:$0x2] =	stream.indirect_vreg.gather [hbm4b:s2+s3], $0x80, v4, vm0, $0xb8;
	[tilespmem:$0x1C400] =	vst v63  }
0x1a3: {  	s16 =	simm.s32 $0x5C00  }
0x1a4: {  	[tilespmem:s16], [sflag:$0x2] =	stream.indirect_vreg.gather [hbm4b:s2+s3], $0x80, v3, vm0, $0xb8;
	[tilespmem:$0x1C400] =	vst v63  }
0x1a5: {  	v3 =	vld [tilespmem:$0x220];
	_ =	sdelay $0x4  }
0x1a6: {  	v34 =	vshll.u32 v3, $0x1  }
0x1a7: {  	v3 =	vand.u32 $0x7, v3;
	v4 =	vand.u32 $0xFFFFFFF0, v34  }
0x1a8: {  	v3 =	vor.u32 v3, v4  }
0x1a9: {  	v4 =	vperm.xlane v3, v0;
	_ =	sdelay $0x1  }
0x1aa: {  	v3 =	vperm.xlane v3, v2;
	v4 =	vadd.s32 v1, v4;
	_ =	sdelay $0x1  }
0x1ab: {  	v3 =	vadd.s32 v1, v3;
	_ =	sdelay $0x1  }
0x1ac: {  	s4 =	simm.s32 $0x6400  }
0x1ad: {  	[tilespmem:s4], [sflag:$0x2] =	stream.indirect_vreg.gather [hbm4b:s2+s3], $0x80, v4, vm0, $0xb8;
	[tilespmem:$0x1C400] =	vst v63  }
0x1ae: {  	s16 =	simm.s32 $0x6C00  }
0x1af: {  	[tilespmem:s16], [sflag:$0x2] =	stream.indirect_vreg.gather [hbm4b:s2+s3], $0x80, v3, vm0, $0xb8;
	[tilespmem:$0x1C400] =	vst v63  }
0x1b0: {  	v3 =	vld [tilespmem:$0x230];
	_ =	sdelay $0x4  }
0x1b1: {  	v35 =	vshll.u32 v3, $0x1  }
0x1b2: {  	v3 =	vand.u32 $0x7, v3;
	v4 =	vand.u32 $0xFFFFFFF0, v35  }
0x1b3: {  	v3 =	vor.u32 v3, v4  }
0x1b4: {  	v4 =	vperm.xlane v3, v0;
	_ =	sdelay $0x1  }
0x1b5: {  	v3 =	vperm.xlane v3, v2;
	v4 =	vadd.s32 v1, v4;
	_ =	sdelay $0x1  }
0x1b6: {  	v3 =	vadd.s32 v1, v3;
	_ =	sdelay $0x1  }
0x1b7: {  	s4 =	simm.s32 $0x7400  }
0x1b8: {  	[tilespmem:s4], [sflag:$0x2] =	stream.indirect_vreg.gather [hbm4b:s2+s3], $0x80, v4, vm0, $0xb8;
	[tilespmem:$0x1C400] =	vst v63  }
0x1b9: {  	s1 =	simm.s32 $0x4;
	s16 =	simm.s32 $0x7C00  }
0x1ba: {  	[tilespmem:s16], [sflag:$0x2] =	stream.indirect_vreg.gather [hbm4b:s2+s3], $0x80, v3, vm0, $0xb8;
	[tilespmem:$0x1C400] =	vst v63  }
0x1bb: {  	_ =	swait.ge [sflag:s1], $0x4000  }
0x1bc: {  	[sflag:s1] =	ssyncset.done $0x0  }
0x1bd: {  	s4 =	rddreg [dreg:$0x7];
	[sflag:s1] =	ssyncadd.s32 $0xFFFFC000  }
0x1be: {  	[hbm4b:s4+s3] =	stream.linear.scatter [tilespmem:s25], [sflag:$0xB], $0x4000, $0x38;
	[tilespmem:$0x1C400] =	vst v63  }
0x1bf: {  	s4 =	simm.s32 $0xA  }
0x1c0: {  	_ =	swait.ge [sflag:s4], $0x4000  }
0x1c1: {  	[sflag:s4] =	ssyncset.done $0x0  }
0x1c2: {  	[sflag:s4] =	ssyncadd.s32 $0xFFFFC000  }
0x1c3: {  	v3 =	vld [tilespmem:$0x240];
	_ =	sdelay $0x4  }
0x1c4: {  	v36 =	vshll.u32 v3, $0x1  }
0x1c5: {  	v3 =	vand.u32 $0x7, v3;
	v4 =	vand.u32 $0xFFFFFFF0, v36  }
0x1c6: {  	v3 =	vor.u32 v3, v4  }
0x1c7: {  	v4 =	vperm.xlane v3, v0;
	_ =	sdelay $0x1  }
0x1c8: {  	v3 =	vperm.xlane v3, v2;
	v4 =	vadd.s32 v1, v4;
	_ =	sdelay $0x1  }
0x1c9: {  	v3 =	vadd.s32 v1, v3;
	_ =	sdelay $0x2  }
0x1ca: {  	[tilespmem:s22], [sflag:$0x3] =	stream.indirect_vreg.gather [hbm4b:s2+s3], $0x80, v4, vm0, $0xb8;
	[tilespmem:$0x1C400] =	vst v63  }
0x1cb: {  	_ = 	snop  }
0x1cc: {  	[tilespmem:s9], [sflag:$0x3] =	stream.indirect_vreg.gather [hbm4b:s2+s3], $0x80, v3, vm0, $0xb8;
	[tilespmem:$0x1C400] =	vst v63  }
0x1cd: {  	v3 =	vld [tilespmem:$0x250];
	_ =	sdelay $0x4  }
0x1ce: {  	v37 =	vshll.u32 v3, $0x1  }
0x1cf: {  	v3 =	vand.u32 $0x7, v3;
	v4 =	vand.u32 $0xFFFFFFF0, v37  }
0x1d0: {  	v3 =	vor.u32 v3, v4  }
0x1d1: {  	v4 =	vperm.xlane v3, v0;
	_ =	sdelay $0x1  }
0x1d2: {  	v3 =	vperm.xlane v3, v2;
	v4 =	vadd.s32 v1, v4;
	_ =	sdelay $0x1  }
0x1d3: {  	v3 =	vadd.s32 v1, v3;
	_ =	sdelay $0x2  }
0x1d4: {  	[tilespmem:s8], [sflag:$0x3] =	stream.indirect_vreg.gather [hbm4b:s2+s3], $0x80, v4, vm0, $0xb8;
	[tilespmem:$0x1C400] =	vst v63  }
0x1d5: {  	_ = 	snop  }
0x1d6: {  	[tilespmem:s26], [sflag:$0x3] =	stream.indirect_vreg.gather [hbm4b:s2+s3], $0x80, v3, vm0, $0xb8;
	[tilespmem:$0x1C400] =	vst v63  }
0x1d7: {  	v3 =	vld [tilespmem:$0x260];
	_ =	sdelay $0x4  }
0x1d8: {  	v38 =	vshll.u32 v3, $0x1  }
0x1d9: {  	v3 =	vand.u32 $0x7, v3;
	v4 =	vand.u32 $0xFFFFFFF0, v38  }
0x1da: {  	v3 =	vor.u32 v3, v4  }
0x1db: {  	v4 =	vperm.xlane v3, v0;
	_ =	sdelay $0x1  }
0x1dc: {  	v3 =	vperm.xlane v3, v2;
	v4 =	vadd.s32 v1, v4;
	_ =	sdelay $0x1  }
0x1dd: {  	v3 =	vadd.s32 v1, v3;
	_ =	sdelay $0x2  }
0x1de: {  	[tilespmem:s31], [sflag:$0x3] =	stream.indirect_vreg.gather [hbm4b:s2+s3], $0x80, v4, vm0, $0xb8;
	[tilespmem:$0x1C400] =	vst v63  }
0x1df: {  	_ = 	snop  }
0x1e0: {  	[tilespmem:s19], [sflag:$0x3] =	stream.indirect_vreg.gather [hbm4b:s2+s3], $0x80, v3, vm0, $0xb8;
	[tilespmem:$0x1C400] =	vst v63  }
0x1e1: {  	v3 =	vld [tilespmem:$0x270];
	_ =	sdelay $0x4  }
0x1e2: {  	v39 =	vshll.u32 v3, $0x1  }
0x1e3: {  	v3 =	vand.u32 $0x7, v3;
	v4 =	vand.u32 $0xFFFFFFF0, v39  }
0x1e4: {  	v3 =	vor.u32 v3, v4  }
0x1e5: {  	v4 =	vperm.xlane v3, v0;
	_ =	sdelay $0x1  }
0x1e6: {  	v3 =	vperm.xlane v3, v2;
	v4 =	vadd.s32 v1, v4;
	_ =	sdelay $0x1  }
0x1e7: {  	v3 =	vadd.s32 v1, v3;
	_ =	sdelay $0x2  }
0x1e8: {  	[tilespmem:s20], [sflag:$0x3] =	stream.indirect_vreg.gather [hbm4b:s2+s3], $0x80, v4, vm0, $0xb8;
	[tilespmem:$0x1C400] =	vst v63  }
0x1e9: {  	s8 =	simm.s32 $0x5  }
0x1ea: {  	[tilespmem:s21], [sflag:$0x3] =	stream.indirect_vreg.gather [hbm4b:s2+s3], $0x80, v3, vm0, $0xb8;
	[tilespmem:$0x1C400] =	vst v63  }
0x1eb: {  	_ =	swait.ge [sflag:s8], $0x4000  }
0x1ec: {  	[sflag:s8] =	ssyncset.done $0x0  }
0x1ed: {  	s20 =	simm.s32 $0x10400;
	s9 =	rddreg [dreg:$0x8];
	[sflag:s8] =	ssyncadd.s32 $0xFFFFC000  }
0x1ee: {  	[hbm4b:s9+s3] =	stream.linear.scatter [tilespmem:s20], [sflag:$0xC], $0x4000, $0x38;
	[tilespmem:$0x1C400] =	vst v63  }
0x1ef: {  	s9 =	simm.s32 $0xB  }
0x1f0: {  	_ =	swait.ge [sflag:s9], $0x4000  }
0x1f1: {  	[sflag:s9] =	ssyncset.done $0x0  }
0x1f2: {  	[sflag:s9] =	ssyncadd.s32 $0xFFFFC000  }
0x1f3: {  	v3 =	vld [tilespmem:$0x280];
	_ =	sdelay $0x4  }
0x1f4: {  	v40 =	vshll.u32 v3, $0x1  }
0x1f5: {  	v3 =	vand.u32 $0x7, v3;
	v4 =	vand.u32 $0xFFFFFFF0, v40  }
0x1f6: {  	v3 =	vor.u32 v3, v4  }
0x1f7: {  	v4 =	vperm.xlane v3, v0;
	_ =	sdelay $0x1  }
0x1f8: {  	v3 =	vperm.xlane v3, v2;
	v4 =	vadd.s32 v1, v4;
	_ =	sdelay $0x1  }
0x1f9: {  	v3 =	vadd.s32 v1, v3;
	_ =	sdelay $0x2  }
0x1fa: {  	[tilespmem:s25], [sflag:$0x4] =	stream.indirect_vreg.gather [hbm4b:s2+s3], $0x80, v4, vm0, $0xb8;
	[tilespmem:$0x1C400] =	vst v63  }
0x1fb: {  	_ = 	snop  }
0x1fc: {  	[tilespmem:s18], [sflag:$0x4] =	stream.indirect_vreg.gather [hbm4b:s2+s3], $0x80, v3, vm0, $0xb8;
	[tilespmem:$0x1C400] =	vst v63  }
0x1fd: {  	v3 =	vld [tilespmem:$0x290];
	_ =	sdelay $0x4  }
0x1fe: {  	v41 =	vshll.u32 v3, $0x1  }
0x1ff: {  	v3 =	vand.u32 $0x7, v3;
	v4 =	vand.u32 $0xFFFFFFF0, v41  }
0x200: {  	v3 =	vor.u32 v3, v4  }
0x201: {  	v4 =	vperm.xlane v3, v0;
	_ =	sdelay $0x1  }
0x202: {  	v3 =	vperm.xlane v3, v2;
	v4 =	vadd.s32 v1, v4;
	_ =	sdelay $0x1  }
0x203: {  	v3 =	vadd.s32 v1, v3;
	_ =	sdelay $0x2  }
0x204: {  	[tilespmem:s12], [sflag:$0x4] =	stream.indirect_vreg.gather [hbm4b:s2+s3], $0x80, v4, vm0, $0xb8;
	[tilespmem:$0x1C400] =	vst v63  }
0x205: {  	_ = 	snop  }
0x206: {  	[tilespmem:s13], [sflag:$0x4] =	stream.indirect_vreg.gather [hbm4b:s2+s3], $0x80, v3, vm0, $0xb8;
	[tilespmem:$0x1C400] =	vst v63  }
0x207: {  	v3 =	vld [tilespmem:$0x2A0];
	_ =	sdelay $0x4  }
0x208: {  	v42 =	vshll.u32 v3, $0x1  }
0x209: {  	v3 =	vand.u32 $0x7, v3;
	v4 =	vand.u32 $0xFFFFFFF0, v42  }
0x20a: {  	v3 =	vor.u32 v3, v4  }
0x20b: {  	v4 =	vperm.xlane v3, v0;
	_ =	sdelay $0x1  }
0x20c: {  	v3 =	vperm.xlane v3, v2;
	v4 =	vadd.s32 v1, v4;
	_ =	sdelay $0x1  }
0x20d: {  	v3 =	vadd.s32 v1, v3;
	_ =	sdelay $0x2  }
0x20e: {  	[tilespmem:s14], [sflag:$0x4] =	stream.indirect_vreg.gather [hbm4b:s2+s3], $0x80, v4, vm0, $0xb8;
	[tilespmem:$0x1C400] =	vst v63  }
0x20f: {  	_ = 	snop  }
0x210: {  	[tilespmem:s17], [sflag:$0x4] =	stream.indirect_vreg.gather [hbm4b:s2+s3], $0x80, v3, vm0, $0xb8;
	[tilespmem:$0x1C400] =	vst v63  }
0x211: {  	v3 =	vld [tilespmem:$0x2B0];
	_ =	sdelay $0x4  }
0x212: {  	v43 =	vshll.u32 v3, $0x1  }
0x213: {  	v3 =	vand.u32 $0x7, v3;
	v4 =	vand.u32 $0xFFFFFFF0, v43  }
0x214: {  	v3 =	vor.u32 v3, v4  }
0x215: {  	v4 =	vperm.xlane v3, v0;
	_ =	sdelay $0x1  }
0x216: {  	v3 =	vperm.xlane v3, v2;
	v4 =	vadd.s32 v1, v4;
	_ =	sdelay $0x1  }
0x217: {  	v3 =	vadd.s32 v1, v3;
	_ =	sdelay $0x2  }
0x218: {  	[tilespmem:s10], [sflag:$0x4] =	stream.indirect_vreg.gather [hbm4b:s2+s3], $0x80, v4, vm0, $0xb8;
	[tilespmem:$0x1C400] =	vst v63  }
0x219: {  	s10 =	simm.s32 $0x6  }
0x21a: {  	[tilespmem:s11], [sflag:$0x4] =	stream.indirect_vreg.gather [hbm4b:s2+s3], $0x80, v3, vm0, $0xb8;
	[tilespmem:$0x1C400] =	vst v63  }
0x21b: {  	_ =	swait.ge [sflag:s10], $0x4000  }
0x21c: {  	[sflag:s10] =	ssyncset.done $0x0  }
0x21d: {  	s11 =	simm.s32 $0xC;
	s13 =	rddreg [dreg:$0x9];
	[sflag:s10] =	ssyncadd.s32 $0xFFFFC000  }
0x21e: {  	[hbm4b:s13+s3] =	stream.linear.scatter [tilespmem:s7], [sflag:$0xD], $0x4000, $0x38;
	[tilespmem:$0x1C400] =	vst v63  }
0x21f: {  	_ =	swait.ge [sflag:s11], $0x4000  }
0x220: {  	[sflag:s11] =	ssyncset.done $0x0  }
0x221: {  	[sflag:s11] =	ssyncadd.s32 $0xFFFFC000  }
0x222: {  	v3 =	vld [tilespmem:$0x2C0];
	_ =	sdelay $0x4  }
0x223: {  	v44 =	vshll.u32 v3, $0x1  }
0x224: {  	v3 =	vand.u32 $0x7, v3;
	v4 =	vand.u32 $0xFFFFFFF0, v44  }
0x225: {  	v3 =	vor.u32 v3, v4  }
0x226: {  	v4 =	vperm.xlane v3, v0;
	_ =	sdelay $0x1  }
0x227: {  	v3 =	vperm.xlane v3, v2;
	v4 =	vadd.s32 v1, v4;
	_ =	sdelay $0x1  }
0x228: {  	v3 =	vadd.s32 v1, v3;
	_ =	sdelay $0x2  }
0x229: {  	[tilespmem:s20], [sflag:$0x5] =	stream.indirect_vreg.gather [hbm4b:s2+s3], $0x80, v4, vm0, $0xb8;
	[tilespmem:$0x1C400] =	vst v63  }
0x22a: {  	s14 =	simm.s32 $0x10C00  }
0x22b: {  	[tilespmem:s14], [sflag:$0x5] =	stream.indirect_vreg.gather [hbm4b:s2+s3], $0x80, v3, vm0, $0xb8;
	[tilespmem:$0x1C400] =	vst v63  }
0x22c: {  	v3 =	vld [tilespmem:$0x2D0];
	_ =	sdelay $0x4  }
0x22d: {  	v45 =	vshll.u32 v3, $0x1  }
0x22e: {  	v3 =	vand.u32 $0x7, v3;
	v4 =	vand.u32 $0xFFFFFFF0, v45  }
0x22f: {  	v3 =	vor.u32 v3, v4  }
0x230: {  	v4 =	vperm.xlane v3, v0;
	_ =	sdelay $0x1  }
0x231: {  	v3 =	vperm.xlane v3, v2;
	v4 =	vadd.s32 v1, v4;
	_ =	sdelay $0x1  }
0x232: {  	v3 =	vadd.s32 v1, v3;
	_ =	sdelay $0x1  }
0x233: {  	s16 =	simm.s32 $0x11400  }
0x234: {  	[tilespmem:s16], [sflag:$0x5] =	stream.indirect_vreg.gather [hbm4b:s2+s3], $0x80, v4, vm0, $0xb8;
	[tilespmem:$0x1C400] =	vst v63  }
0x235: {  	s18 =	simm.s32 $0x11C00  }
0x236: {  	[tilespmem:s18], [sflag:$0x5] =	stream.indirect_vreg.gather [hbm4b:s2+s3], $0x80, v3, vm0, $0xb8;
	[tilespmem:$0x1C400] =	vst v63  }
0x237: {  	v3 =	vld [tilespmem:$0x2E0];
	_ =	sdelay $0x4  }
0x238: {  	v46 =	vshll.u32 v3, $0x1  }
0x239: {  	v3 =	vand.u32 $0x7, v3;
	v4 =	vand.u32 $0xFFFFFFF0, v46  }
0x23a: {  	v3 =	vor.u32 v3, v4  }
0x23b: {  	v4 =	vperm.xlane v3, v0;
	_ =	sdelay $0x1  }
0x23c: {  	v3 =	vperm.xlane v3, v2;
	v4 =	vadd.s32 v1, v4;
	_ =	sdelay $0x1  }
0x23d: {  	v3 =	vadd.s32 v1, v3;
	_ =	sdelay $0x1  }
0x23e: {  	s20 =	simm.s32 $0x12400  }
0x23f: {  	[tilespmem:s20], [sflag:$0x5] =	stream.indirect_vreg.gather [hbm4b:s2+s3], $0x80, v4, vm0, $0xb8;
	[tilespmem:$0x1C400] =	vst v63  }
0x240: {  	s13 =	simm.s32 $0x12C00  }
0x241: {  	[tilespmem:s13], [sflag:$0x5] =	stream.indirect_vreg.gather [hbm4b:s2+s3], $0x80, v3, vm0, $0xb8;
	[tilespmem:$0x1C400] =	vst v63  }
0x242: {  	v3 =	vld [tilespmem:$0x2F0];
	_ =	sdelay $0x4  }
0x243: {  	v47 =	vshll.u32 v3, $0x1  }
0x244: {  	v3 =	vand.u32 $0x7, v3;
	v4 =	vand.u32 $0xFFFFFFF0, v47  }
0x245: {  	v3 =	vor.u32 v3, v4  }
0x246: {  	v4 =	vperm.xlane v3, v0;
	_ =	sdelay $0x1  }
0x247: {  	v3 =	vperm.xlane v3, v2;
	v4 =	vadd.s32 v1, v4;
	_ =	sdelay $0x1  }
0x248: {  	v3 =	vadd.s32 v1, v3;
	_ =	sdelay $0x1  }
0x249: {  	s14 =	simm.s32 $0x13400  }
0x24a: {  	[tilespmem:s14], [sflag:$0x5] =	stream.indirect_vreg.gather [hbm4b:s2+s3], $0x80, v4, vm0, $0xb8;
	[tilespmem:$0x1C400] =	vst v63  }
0x24b: {  	s12 =	simm.s32 $0x7;
	s16 =	simm.s32 $0x13C00  }
0x24c: {  	[tilespmem:s16], [sflag:$0x5] =	stream.indirect_vreg.gather [hbm4b:s2+s3], $0x80, v3, vm0, $0xb8;
	[tilespmem:$0x1C400] =	vst v63  }
0x24d: {  	_ =	swait.ge [sflag:s12], $0x4000  }
0x24e: {  	[sflag:s12] =	ssyncset.done $0x0  }
0x24f: {  	s13 =	simm.s32 $0xD;
	s18 =	rddreg [dreg:$0xa];
	[sflag:s12] =	ssyncadd.s32 $0xFFFFC000  }
0x250: {  	[hbm4b:s18+s3] =	stream.linear.scatter [tilespmem:s6], [sflag:$0xE], $0x4000, $0x38;
	[tilespmem:$0x1C400] =	vst v63  }
0x251: {  	_ =	swait.ge [sflag:s13], $0x4000  }
0x252: {  	[sflag:s13] =	ssyncset.done $0x0  }
0x253: {  	[sflag:s13] =	ssyncadd.s32 $0xFFFFC000  }
0x254: {  	v3 =	vld [tilespmem:$0x300];
	_ =	sdelay $0x4  }
0x255: {  	v48 =	vshll.u32 v3, $0x1  }
0x256: {  	v3 =	vand.u32 $0x7, v3;
	v4 =	vand.u32 $0xFFFFFFF0, v48  }
0x257: {  	v3 =	vor.u32 v3, v4  }
0x258: {  	v4 =	vperm.xlane v3, v0;
	_ =	sdelay $0x1  }
0x259: {  	v3 =	vperm.xlane v3, v2;
	v4 =	vadd.s32 v1, v4;
	_ =	sdelay $0x1  }
0x25a: {  	v3 =	vadd.s32 v1, v3;
	_ =	sdelay $0x2  }
0x25b: {  	[tilespmem:s7], [sflag:$0x6] =	stream.indirect_vreg.gather [hbm4b:s2+s3], $0x80, v4, vm0, $0xb8;
	[tilespmem:$0x1C400] =	vst v63  }
0x25c: {  	s20 =	simm.s32 $0x14C00  }
0x25d: {  	[tilespmem:s20], [sflag:$0x6] =	stream.indirect_vreg.gather [hbm4b:s2+s3], $0x80, v3, vm0, $0xb8;
	[tilespmem:$0x1C400] =	vst v63  }
0x25e: {  	v3 =	vld [tilespmem:$0x310];
	_ =	sdelay $0x4  }
0x25f: {  	v49 =	vshll.u32 v3, $0x1  }
0x260: {  	v3 =	vand.u32 $0x7, v3;
	v4 =	vand.u32 $0xFFFFFFF0, v49  }
0x261: {  	v3 =	vor.u32 v3, v4  }
0x262: {  	v4 =	vperm.xlane v3, v0;
	_ =	sdelay $0x1  }
0x263: {  	v3 =	vperm.xlane v3, v2;
	v4 =	vadd.s32 v1, v4;
	_ =	sdelay $0x1  }
0x264: {  	v3 =	vadd.s32 v1, v3;
	_ =	sdelay $0x1  }
0x265: {  	s16 =	simm.s32 $0x15400  }
0x266: {  	[tilespmem:s16], [sflag:$0x6] =	stream.indirect_vreg.gather [hbm4b:s2+s3], $0x80, v4, vm0, $0xb8;
	[tilespmem:$0x1C400] =	vst v63  }
0x267: {  	s18 =	simm.s32 $0x15C00  }
0x268: {  	[tilespmem:s18], [sflag:$0x6] =	stream.indirect_vreg.gather [hbm4b:s2+s3], $0x80, v3, vm0, $0xb8;
	[tilespmem:$0x1C400] =	vst v63  }
0x269: {  	v3 =	vld [tilespmem:$0x320];
	_ =	sdelay $0x4  }
0x26a: {  	v50 =	vshll.u32 v3, $0x1  }
0x26b: {  	v3 =	vand.u32 $0x7, v3;
	v4 =	vand.u32 $0xFFFFFFF0, v50  }
0x26c: {  	v3 =	vor.u32 v3, v4  }
0x26d: {  	v4 =	vperm.xlane v3, v0;
	_ =	sdelay $0x1  }
0x26e: {  	v3 =	vperm.xlane v3, v2;
	v4 =	vadd.s32 v1, v4;
	_ =	sdelay $0x1  }
0x26f: {  	v3 =	vadd.s32 v1, v3;
	_ =	sdelay $0x1  }
0x270: {  	s20 =	simm.s32 $0x16400  }
0x271: {  	[tilespmem:s20], [sflag:$0x6] =	stream.indirect_vreg.gather [hbm4b:s2+s3], $0x80, v4, vm0, $0xb8;
	[tilespmem:$0x1C400] =	vst v63  }
0x272: {  	s16 =	simm.s32 $0x16C00  }
0x273: {  	[tilespmem:s16], [sflag:$0x6] =	stream.indirect_vreg.gather [hbm4b:s2+s3], $0x80, v3, vm0, $0xb8;
	[tilespmem:$0x1C400] =	vst v63  }
0x274: {  	v3 =	vld [tilespmem:$0x330];
	_ =	sdelay $0x4  }
0x275: {  	v51 =	vshll.u32 v3, $0x1  }
0x276: {  	v3 =	vand.u32 $0x7, v3;
	v4 =	vand.u32 $0xFFFFFFF0, v51  }
0x277: {  	v3 =	vor.u32 v3, v4  }
0x278: {  	v4 =	vperm.xlane v3, v0;
	_ =	sdelay $0x1  }
0x279: {  	v3 =	vperm.xlane v3, v2;
	v4 =	vadd.s32 v1, v4;
	_ =	sdelay $0x1  }
0x27a: {  	v3 =	vadd.s32 v1, v3;
	_ =	sdelay $0x1  }
0x27b: {  	s18 =	simm.s32 $0x17400  }
0x27c: {  	[tilespmem:s18], [sflag:$0x6] =	stream.indirect_vreg.gather [hbm4b:s2+s3], $0x80, v4, vm0, $0xb8;
	[tilespmem:$0x1C400] =	vst v63  }
0x27d: {  	s20 =	simm.s32 $0x17C00  }
0x27e: {  	[tilespmem:s20], [sflag:$0x6] =	stream.indirect_vreg.gather [hbm4b:s2+s3], $0x80, v3, vm0, $0xb8;
	[tilespmem:$0x1C400] =	vst v63  }
0x27f: {  	_ =	swait.ge [sflag:s23], $0x4000  }
0x280: {  	[sflag:s23] =	ssyncset.done $0x0  }
0x281: {  	s14 =	rddreg [dreg:$0xb];
	[sflag:s23] =	ssyncadd.s32 $0xFFFFC000  }
0x282: {  	[hbm4b:s14+s3] =	stream.linear.scatter [tilespmem:s15], [sflag:$0x8], $0x4000, $0x38;
	[tilespmem:$0x1C400] =	vst v63  }
0x283: {  	s14 =	simm.s32 $0xE  }
0x284: {  	_ =	swait.ge [sflag:s14], $0x4000  }
0x285: {  	[sflag:s14] =	ssyncset.done $0x0  }
0x286: {  	[sflag:s14] =	ssyncadd.s32 $0xFFFFC000  }
0x287: {  	v3 =	vld [tilespmem:$0x340];
	_ =	sdelay $0x4  }
0x288: {  	v52 =	vshll.u32 v3, $0x1  }
0x289: {  	v3 =	vand.u32 $0x7, v3;
	v4 =	vand.u32 $0xFFFFFFF0, v52  }
0x28a: {  	v3 =	vor.u32 v3, v4  }
0x28b: {  	v4 =	vperm.xlane v3, v0;
	_ =	sdelay $0x1  }
0x28c: {  	v3 =	vperm.xlane v3, v2;
	v4 =	vadd.s32 v1, v4;
	_ =	sdelay $0x1  }
0x28d: {  	v3 =	vadd.s32 v1, v3;
	_ =	sdelay $0x2  }
0x28e: {  	[tilespmem:s6], [sflag:$0x7] =	stream.indirect_vreg.gather [hbm4b:s2+s3], $0x80, v4, vm0, $0xb8;
	[tilespmem:$0x1C400] =	vst v63  }
0x28f: {  	s18 =	simm.s32 $0x18C00  }
0x290: {  	[tilespmem:s18], [sflag:$0x7] =	stream.indirect_vreg.gather [hbm4b:s2+s3], $0x80, v3, vm0, $0xb8;
	[tilespmem:$0x1C400] =	vst v63  }
0x291: {  	v3 =	vld [tilespmem:$0x350];
	_ =	sdelay $0x4  }
0x292: {  	v53 =	vshll.u32 v3, $0x1  }
0x293: {  	v3 =	vand.u32 $0x7, v3;
	v4 =	vand.u32 $0xFFFFFFF0, v53  }
0x294: {  	v3 =	vor.u32 v3, v4  }
0x295: {  	v4 =	vperm.xlane v3, v0;
	_ =	sdelay $0x1  }
0x296: {  	v3 =	vperm.xlane v3, v2;
	v4 =	vadd.s32 v1, v4;
	_ =	sdelay $0x1  }
0x297: {  	v3 =	vadd.s32 v1, v3;
	_ =	sdelay $0x1  }
0x298: {  	s20 =	simm.s32 $0x19400  }
0x299: {  	[tilespmem:s20], [sflag:$0x7] =	stream.indirect_vreg.gather [hbm4b:s2+s3], $0x80, v4, vm0, $0xb8;
	[tilespmem:$0x1C400] =	vst v63  }
0x29a: {  	s18 =	simm.s32 $0x19C00  }
0x29b: {  	[tilespmem:s18], [sflag:$0x7] =	stream.indirect_vreg.gather [hbm4b:s2+s3], $0x80, v3, vm0, $0xb8;
	[tilespmem:$0x1C400] =	vst v63  }
0x29c: {  	v3 =	vld [tilespmem:$0x360];
	_ =	sdelay $0x4  }
0x29d: {  	v54 =	vshll.u32 v3, $0x1  }
0x29e: {  	v3 =	vand.u32 $0x7, v3;
	v4 =	vand.u32 $0xFFFFFFF0, v54  }
0x29f: {  	v3 =	vor.u32 v3, v4  }
0x2a0: {  	v4 =	vperm.xlane v3, v0;
	_ =	sdelay $0x1  }
0x2a1: {  	v3 =	vperm.xlane v3, v2;
	v4 =	vadd.s32 v1, v4;
	_ =	sdelay $0x1  }
0x2a2: {  	v3 =	vadd.s32 v1, v3;
	_ =	sdelay $0x1  }
0x2a3: {  	s20 =	simm.s32 $0x1A400  }
0x2a4: {  	[tilespmem:s20], [sflag:$0x7] =	stream.indirect_vreg.gather [hbm4b:s2+s3], $0x80, v4, vm0, $0xb8;
	[tilespmem:$0x1C400] =	vst v63  }
0x2a5: {  	s18 =	simm.s32 $0x1AC00  }
0x2a6: {  	[tilespmem:s18], [sflag:$0x7] =	stream.indirect_vreg.gather [hbm4b:s2+s3], $0x80, v3, vm0, $0xb8;
	[tilespmem:$0x1C400] =	vst v63  }
0x2a7: {  	v3 =	vld [tilespmem:$0x370];
	_ =	sdelay $0x4  }
0x2a8: {  	v55 =	vshll.u32 v3, $0x1  }
0x2a9: {  	v3 =	vand.u32 $0x7, v3;
	v4 =	vand.u32 $0xFFFFFFF0, v55  }
0x2aa: {  	v3 =	vor.u32 v3, v4  }
0x2ab: {  	v4 =	vperm.xlane v3, v0;
	_ =	sdelay $0x1  }
0x2ac: {  	v3 =	vperm.xlane v3, v2;
	v4 =	vadd.s32 v1, v4;
	_ =	sdelay $0x1  }
0x2ad: {  	v3 =	vadd.s32 v1, v3;
	_ =	sdelay $0x1  }
0x2ae: {  	s20 =	simm.s32 $0x1B400  }
0x2af: {  	[tilespmem:s20], [sflag:$0x7] =	stream.indirect_vreg.gather [hbm4b:s2+s3], $0x80, v4, vm0, $0xb8;
	[tilespmem:$0x1C400] =	vst v63  }
0x2b0: {  	s18 =	simm.s32 $0x1BC00  }
0x2b1: {  	[tilespmem:s18], [sflag:$0x7] =	stream.indirect_vreg.gather [hbm4b:s2+s3], $0x80, v3, vm0, $0xb8;
	[tilespmem:$0x1C400] =	vst v63  }
0x2b2: {  	_ =	swait.ge [sflag:s24], $0x4000  }
0x2b3: {  	[sflag:s24] =	ssyncset.done $0x0  }
0x2b4: {  	s20 =	rddreg [dreg:$0xc];
	[sflag:s24] =	ssyncadd.s32 $0xFFFFC000  }
0x2b5: {  	[hbm4b:s20+s3] =	stream.linear.scatter [tilespmem:s29], [sflag:$0x9], $0x4000, $0x38;
	[tilespmem:$0x1C400] =	vst v63  }
0x2b6: {  	_ =	swait.ge [sflag:s28], $0x4000  }
0x2b7: {  	[sflag:s28] =	ssyncset.done $0x0  }
0x2b8: {  	[sflag:s28] =	ssyncadd.s32 $0xFFFFC000  }
0x2b9: {  	v3 =	vld [tilespmem:$0x380];
	_ =	sdelay $0x4  }
0x2ba: {  	v56 =	vshll.u32 v3, $0x1  }
0x2bb: {  	v3 =	vand.u32 $0x7, v3;
	v4 =	vand.u32 $0xFFFFFFF0, v56  }
0x2bc: {  	v3 =	vor.u32 v3, v4  }
0x2bd: {  	v4 =	vperm.xlane v3, v0;
	_ =	sdelay $0x1  }
0x2be: {  	v3 =	vperm.xlane v3, v2;
	v4 =	vadd.s32 v1, v4;
	_ =	sdelay $0x1  }
0x2bf: {  	v3 =	vadd.s32 v1, v3;
	_ =	sdelay $0x2  }
0x2c0: {  	[tilespmem:s15], [sflag:$0x1] =	stream.indirect_vreg.gather [hbm4b:s2+s3], $0x80, v4, vm0, $0xb8;
	[tilespmem:$0x1C400] =	vst v63  }
0x2c1: {  	s18 =	simm.s32 $0xC00  }
0x2c2: {  	[tilespmem:s18], [sflag:$0x1] =	stream.indirect_vreg.gather [hbm4b:s2+s3], $0x80, v3, vm0, $0xb8;
	[tilespmem:$0x1C400] =	vst v63  }
0x2c3: {  	v3 =	vld [tilespmem:$0x390];
	_ =	sdelay $0x4  }
0x2c4: {  	v57 =	vshll.u32 v3, $0x1  }
0x2c5: {  	v3 =	vand.u32 $0x7, v3;
	v4 =	vand.u32 $0xFFFFFFF0, v57  }
0x2c6: {  	v3 =	vor.u32 v3, v4  }
0x2c7: {  	v4 =	vperm.xlane v3, v0;
	_ =	sdelay $0x1  }
0x2c8: {  	v3 =	vperm.xlane v3, v2;
	v4 =	vadd.s32 v1, v4;
	_ =	sdelay $0x1  }
0x2c9: {  	v3 =	vadd.s32 v1, v3;
	_ =	sdelay $0x1  }
0x2ca: {  	s20 =	simm.s32 $0x1400  }
0x2cb: {  	[tilespmem:s20], [sflag:$0x1] =	stream.indirect_vreg.gather [hbm4b:s2+s3], $0x80, v4, vm0, $0xb8;
	[tilespmem:$0x1C400] =	vst v63  }
0x2cc: {  	s18 =	simm.s32 $0x1C00  }
0x2cd: {  	[tilespmem:s18], [sflag:$0x1] =	stream.indirect_vreg.gather [hbm4b:s2+s3], $0x80, v3, vm0, $0xb8;
	[tilespmem:$0x1C400] =	vst v63  }
0x2ce: {  	v3 =	vld [tilespmem:$0x3A0];
	_ =	sdelay $0x4  }
0x2cf: {  	v58 =	vshll.u32 v3, $0x1  }
0x2d0: {  	v3 =	vand.u32 $0x7, v3;
	v4 =	vand.u32 $0xFFFFFFF0, v58  }
0x2d1: {  	v3 =	vor.u32 v3, v4  }
0x2d2: {  	v4 =	vperm.xlane v3, v0;
	_ =	sdelay $0x1  }
0x2d3: {  	v3 =	vperm.xlane v3, v2;
	v4 =	vadd.s32 v1, v4;
	_ =	sdelay $0x1  }
0x2d4: {  	v3 =	vadd.s32 v1, v3;
	_ =	sdelay $0x1  }
0x2d5: {  	s20 =	simm.s32 $0x2400  }
0x2d6: {  	[tilespmem:s20], [sflag:$0x1] =	stream.indirect_vreg.gather [hbm4b:s2+s3], $0x80, v4, vm0, $0xb8;
	[tilespmem:$0x1C400] =	vst v63  }
0x2d7: {  	s18 =	simm.s32 $0x2C00  }
0x2d8: {  	[tilespmem:s18], [sflag:$0x1] =	stream.indirect_vreg.gather [hbm4b:s2+s3], $0x80, v3, vm0, $0xb8;
	[tilespmem:$0x1C400] =	vst v63  }
0x2d9: {  	v3 =	vld [tilespmem:$0x3B0];
	_ =	sdelay $0x4  }
0x2da: {  	v59 =	vshll.u32 v3, $0x1  }
0x2db: {  	v3 =	vand.u32 $0x7, v3;
	v4 =	vand.u32 $0xFFFFFFF0, v59  }
0x2dc: {  	v3 =	vor.u32 v3, v4  }
0x2dd: {  	v4 =	vperm.xlane v3, v0;
	_ =	sdelay $0x1  }
0x2de: {  	v3 =	vperm.xlane v3, v2;
	v4 =	vadd.s32 v1, v4;
	_ =	sdelay $0x1  }
0x2df: {  	v3 =	vadd.s32 v1, v3;
	_ =	sdelay $0x1  }
0x2e0: {  	s20 =	simm.s32 $0x3400  }
0x2e1: {  	[tilespmem:s20], [sflag:$0x1] =	stream.indirect_vreg.gather [hbm4b:s2+s3], $0x80, v4, vm0, $0xb8;
	[tilespmem:$0x1C400] =	vst v63  }
0x2e2: {  	s18 =	simm.s32 $0x3C00  }
0x2e3: {  	[tilespmem:s18], [sflag:$0x1] =	stream.indirect_vreg.gather [hbm4b:s2+s3], $0x80, v3, vm0, $0xb8;
	[tilespmem:$0x1C400] =	vst v63  }
0x2e4: {  	_ =	swait.ge [sflag:s0], $0x4000  }
0x2e5: {  	[sflag:s0] =	ssyncset.done $0x0  }
0x2e6: {  	s22 =	simm.s32 $0x8400;
	s20 =	rddreg [dreg:$0xd];
	[sflag:s0] =	ssyncadd.s32 $0xFFFFC000  }
0x2e7: {  	[hbm4b:s20+s3] =	stream.linear.scatter [tilespmem:s22], [sflag:$0xA], $0x4000, $0x38;
	[tilespmem:$0x1C400] =	vst v63  }
0x2e8: {  	_ =	swait.ge [sflag:s30], $0x4000  }
0x2e9: {  	[sflag:s30] =	ssyncset.done $0x0  }
0x2ea: {  	[sflag:s30] =	ssyncadd.s32 $0xFFFFC000  }
0x2eb: {  	v3 =	vld [tilespmem:$0x3C0];
	_ =	sdelay $0x4  }
0x2ec: {  	v60 =	vshll.u32 v3, $0x1  }
0x2ed: {  	v3 =	vand.u32 $0x7, v3;
	v4 =	vand.u32 $0xFFFFFFF0, v60  }
0x2ee: {  	v3 =	vor.u32 v3, v4  }
0x2ef: {  	v4 =	vperm.xlane v3, v0;
	_ =	sdelay $0x1  }
0x2f0: {  	v3 =	vperm.xlane v3, v2;
	v4 =	vadd.s32 v1, v4;
	_ =	sdelay $0x1  }
0x2f1: {  	v3 =	vadd.s32 v1, v3;
	_ =	sdelay $0x2  }
0x2f2: {  	[tilespmem:s29], [sflag:$0x2] =	stream.indirect_vreg.gather [hbm4b:s2+s3], $0x80, v4, vm0, $0xb8;
	[tilespmem:$0x1C400] =	vst v63  }
0x2f3: {  	s18 =	simm.s32 $0x4C00  }
0x2f4: {  	[tilespmem:s18], [sflag:$0x2] =	stream.indirect_vreg.gather [hbm4b:s2+s3], $0x80, v3, vm0, $0xb8;
	[tilespmem:$0x1C400] =	vst v63  }
0x2f5: {  	v3 =	vld [tilespmem:$0x3D0];
	_ =	sdelay $0x4  }
0x2f6: {  	v61 =	vshll.u32 v3, $0x1  }
0x2f7: {  	v3 =	vand.u32 $0x7, v3;
	v4 =	vand.u32 $0xFFFFFFF0, v61  }
0x2f8: {  	v3 =	vor.u32 v3, v4  }
0x2f9: {  	v4 =	vperm.xlane v3, v0;
	_ =	sdelay $0x1  }
0x2fa: {  	v3 =	vperm.xlane v3, v2;
	v4 =	vadd.s32 v1, v4;
	_ =	sdelay $0x1  }
0x2fb: {  	v3 =	vadd.s32 v1, v3;
	_ =	sdelay $0x1  }
0x2fc: {  	s20 =	simm.s32 $0x5400  }
0x2fd: {  	[tilespmem:s20], [sflag:$0x2] =	stream.indirect_vreg.gather [hbm4b:s2+s3], $0x80, v4, vm0, $0xb8;
	[tilespmem:$0x1C400] =	vst v63  }
0x2fe: {  	s22 =	simm.s32 $0x5C00  }
0x2ff: {  	[tilespmem:s22], [sflag:$0x2] =	stream.indirect_vreg.gather [hbm4b:s2+s3], $0x80, v3, vm0, $0xb8;
	[tilespmem:$0x1C400] =	vst v63  }
0x300: {  	v3 =	vld [tilespmem:$0x3E0];
	_ =	sdelay $0x4  }
0x301: {  	v62 =	vshll.u32 v3, $0x1  }
0x302: {  	v3 =	vand.u32 $0x7, v3;
	v4 =	vand.u32 $0xFFFFFFF0, v62  }
0x303: {  	v3 =	vor.u32 v3, v4  }
0x304: {  	v4 =	vperm.xlane v3, v0;
	_ =	sdelay $0x1  }
0x305: {  	v3 =	vperm.xlane v3, v2;
	v4 =	vadd.s32 v1, v4;
	_ =	sdelay $0x1  }
0x306: {  	v3 =	vadd.s32 v1, v3;
	_ =	sdelay $0x1  }
0x307: {  	s16 =	simm.s32 $0x6400  }
0x308: {  	[tilespmem:s16], [sflag:$0x2] =	stream.indirect_vreg.gather [hbm4b:s2+s3], $0x80, v4, vm0, $0xb8;
	[tilespmem:$0x1C400] =	vst v63  }
0x309: {  	s18 =	simm.s32 $0x6C00  }
0x30a: {  	[tilespmem:s18], [sflag:$0x2] =	stream.indirect_vreg.gather [hbm4b:s2+s3], $0x80, v3, vm0, $0xb8;
	[tilespmem:$0x1C400] =	vst v63  }
0x30b: {  	v3 =	vld [tilespmem:$0x3F0];
	_ =	sdelay $0x4  }
0x30c: {  	v63 =	vshll.u32 v3, $0x1  }
0x30d: {  	v3 =	vand.u32 $0x7, v3;
	v4 =	vand.u32 $0xFFFFFFF0, v63  }
0x30e: {  	v3 =	vor.u32 v3, v4  }
0x30f: {  	v4 =	vperm.xlane v3, v0;
	_ =	sdelay $0x1  }
0x310: {  	v3 =	vperm.xlane v3, v2;
	v4 =	vadd.s32 v1, v4;
	_ =	sdelay $0x1  }
0x311: {  	v3 =	vadd.s32 v1, v3;
	_ =	sdelay $0x1  }
0x312: {  	s20 =	simm.s32 $0x7400  }
0x313: {  	[tilespmem:s20], [sflag:$0x2] =	stream.indirect_vreg.gather [hbm4b:s2+s3], $0x80, v4, vm0, $0xb8;
	[tilespmem:$0x1C400] =	vst v63  }
0x314: {  	s22 =	simm.s32 $0x7C00  }
0x315: {  	[tilespmem:s22], [sflag:$0x2] =	stream.indirect_vreg.gather [hbm4b:s2+s3], $0x80, v3, vm0, $0xb8;
	[tilespmem:$0x1C400] =	vst v63  }
0x316: {  	_ =	swait.ge [sflag:s1], $0x4000  }
0x317: {  	[sflag:s1] =	ssyncset.done $0x0  }
0x318: {  	s19 =	simm.s32 $0xC400;
	s0 =	rddreg [dreg:$0xe];
	[sflag:s1] =	ssyncadd.s32 $0xFFFFC000  }
0x319: {  	[hbm4b:s0+s3] =	stream.linear.scatter [tilespmem:s19], [sflag:$0xB], $0x4000, $0x38;
	[tilespmem:$0x1C400] =	vst v63  }
0x31a: {  	_ =	swait.ge [sflag:s8], $0x4000  }
0x31b: {  	[sflag:s8] =	ssyncset.done $0x0  }
0x31c: {  	s17 =	simm.s32 $0x10400;
	s1 =	rddreg [dreg:$0xf];
	[sflag:s8] =	ssyncadd.s32 $0xFFFFC000  }
0x31d: {  	[hbm4b:s1+s3] =	stream.linear.scatter [tilespmem:s17], [sflag:$0xC], $0x4000, $0x38;
	[tilespmem:$0x1C400] =	vst v63  }
0x31e: {  	_ =	swait.ge [sflag:s10], $0x4000  }
0x31f: {  	[sflag:s10] =	ssyncset.done $0x0  }
0x320: {  	s18 =	rddreg [dreg:$0x10];
	[sflag:s10] =	ssyncadd.s32 $0xFFFFC000  }
0x321: {  	[hbm4b:s18+s3] =	stream.linear.scatter [tilespmem:s7], [sflag:$0xD], $0x4000, $0x38;
	[tilespmem:$0x1C400] =	vst v63  }
0x322: {  	_ =	swait.ge [sflag:s12], $0x4000  }
0x323: {  	[sflag:s12] =	ssyncset.done $0x0  }
0x324: {  	s19 =	rddreg [dreg:$0x11];
	[sflag:s12] =	ssyncadd.s32 $0xFFFFC000  }
0x325: {  	[hbm4b:s19+s3] =	stream.linear.scatter [tilespmem:s6], [sflag:$0xE], $0x4000, $0x38;
	[tilespmem:$0x1C400] =	vst v63  }
0x326: {  	_ =	swait.ge [sflag:s23], $0x4000  }
0x327: {  	[sflag:s23] =	ssyncset.done $0x0  }
0x328: {  	s20 =	rddreg [dreg:$0x12];
	[sflag:s23] =	ssyncadd.s32 $0xFFFFC000  }
0x329: {  	[hbm4b:s20+s3] =	stream.linear.scatter [tilespmem:s15], [sflag:$0x8], $0x4000, $0x38;
	[tilespmem:$0x1C400] =	vst v63  }
0x32a: {  	_ =	swait.ge [sflag:s24], $0x4000  }
0x32b: {  	[sflag:s24] =	ssyncset.done $0x0  }
0x32c: {  	s22 =	rddreg [dreg:$0x13];
	[sflag:s24] =	ssyncadd.s32 $0xFFFFC000  }
0x32d: {  	[hbm4b:s22+s3] =	stream.linear.scatter [tilespmem:s29], [sflag:$0x9], $0x4000, $0x38;
	[tilespmem:$0x1C400] =	vst v63  }
0x32e: {  	_ =	swait.ge [sflag:s4], $0x4000  }
0x32f: {  	[sflag:s4] =	ssyncset.done $0x0  }
0x330: {  	[sflag:s4] =	ssyncadd.s32 $0xFFFFC000  }
0x331: {  	_ =	swait.ge [sflag:s9], $0x4000  }
0x332: {  	[sflag:s9] =	ssyncset.done $0x0  }
0x333: {  	[sflag:s9] =	ssyncadd.s32 $0xFFFFC000  }
0x334: {  	_ =	swait.ge [sflag:s11], $0x4000  }
0x335: {  	[sflag:s11] =	ssyncset.done $0x0  }
0x336: {  	[sflag:s11] =	ssyncadd.s32 $0xFFFFC000  }
0x337: {  	_ =	swait.ge [sflag:s13], $0x4000  }
0x338: {  	[sflag:s13] =	ssyncset.done $0x0  }
0x339: {  	[sflag:s13] =	ssyncadd.s32 $0xFFFFC000  }
0x33a: {  	_ =	swait.ge [sflag:s14], $0x4000  }
0x33b: {  	[sflag:s14] =	ssyncset.done $0x0  }
0x33c: {  	[sflag:s14] =	ssyncadd.s32 $0xFFFFC000  }
0x33d: {  	p0 =	sne.s32 s5, $0x1;
	_ =	swait.ge [sflag:s28], $0x4000  }
.Ltmp0:
0x33e: {  	[sflag:s28] =	ssyncset.done $0x0;
	(pc) =	sbr.rel @p0 .LBB2_1-.Ltmp0, $4  }
0x33f: {  	[sflag:s28] =	ssyncadd.s32 $0xFFFFC000  }
0x340: {  	_ =	swait.ge [sflag:s30], $0x4000  }
0x341: {  	[sflag:s30] =	ssyncset.done $0x0  }
0x342: {  	s5 =	sadd.s32 $0xFFFFFFFF, s5;
	[sflag:s30] =	ssyncadd.s32 $0xFFFFC000  }
0x343: {  	_ =	sfence.sel $0x180000  }
0x344: {  	[bflag:$0x0] =	sbarrier.arrive $0xFFFF  }
0x345: {  	_ =	strace $0x90000047  }
0x346: {  	s0 =	stileid.u32;
	[bflag:$0x2] =	sbarrier.arrive $0xFFFF  }
0x347: {  	p0 =	sne.s32 s0, $0x0;
	s0 =	rddreg [dreg:$0x3]  }
0x348: {  	s0 =	sadd.s32 @!p0 $0x100000, s0  }
0x349: {  	[sflag:s0] =	ssyncadd.tile.s32 @!p0 $0x1;
	_ =	shalt  }
.Lfunc_end2:
_tile_overlayer_lowered:
.L_overlay_start_2:
0x34a: {  	(tag) =	ssettag $0x2  }
0x34b: {  	s0 =	rddreg [dreg:$0x0];
	s2 =	stileid.u32  }
0x34c: {  	s1 =	rddreg [dreg:$0x1];
	p0 =	sne.s32 s2, $0x0  }
0x34d: {  	s3 =	rddreg [dreg:$0x2];
	[bflag:$0x3] =	sbarrier.arrive $0xFFFF;
	s2 =	simm.s32 @!p0 $0x1C0F  }
0x34e: {  	[timem:s3], [sflag:s2] =	dma.local @!p0 [hbm:s0], s1  }
0x34f: {  	s0 =	simm.s32 @!p0 $0xF  }
0x350: {  	_ =	swait.ge @!p0 [sflag:s0], s1  }
0x351: {  	s1 =	ssub.s32 @!p0 $0x0, s1;
	[sflag:s0] =	ssyncset.done @!p0 $0x0  }
0x352: {  	[sflag:s0] =	ssyncadd.s32 @!p0 s1  }
0x353: {  	[bflag:$0x3] =	sbarrier.arrive $0xFFFF  }
0x354: {  	_ =	shalt  }

</sc_bundles>
